<compile_context>
chip_gen: v7x
topology: tpu7x:2x2x1
jax: 0.10.2.dev20260603
libtpu: 0.0.44.dev20260713+nightly
codegen_flags: <defaults>
</compile_context>

<pallas_src>
import dataclasses
import functools

import jax
import jax.numpy as jnp
from jax import lax
from jax.experimental import pallas as pl
from jax.experimental.pallas import tpu as pltpu
from jax.experimental.pallas import tpu_sc as plsc

N = 10000
NPAD = 10240
E = 320000
D = 128
NC = 2
NS = 16
NW = NC * NS
EPT = E // NW
B = 96
NB = EPT // B
BT = max(EPT - NB * B, 16)
HAS_TAIL = EPT - NB * B > 0
PIPE = 3
NMAIN = (NB // PIPE) * PIPE
DRAIN = PIPE - 2
ROWS_PER_TILE = NPAD // NS
CHUNK = 64
CR = NPAD // 16
CPT = CR // NS


def _sc_compiler_params():
    cp = pltpu.CompilerParams()
    fields = pltpu.CompilerParams.__dataclass_fields__
    if "needs_layout_passes" in fields:
        cp = dataclasses.replace(cp, needs_layout_passes=False)
    if "use_tc_tiling_on_sc" in fields:
        cp = dataclasses.replace(cp, use_tc_tiling_on_sc=False)
    return cp


def _sc_segment_sum(x, adj):
    mesh = plsc.VectorSubcoreMesh(core_axis_name="c", subcore_axis_name="s")

    @functools.partial(
        pl.kernel,
        compiler_params=_sc_compiler_params(),
        out_type=[
            jax.ShapeDtypeStruct((NC, NPAD, D), jnp.float32),
            jax.ShapeDtypeStruct((NC, CR, 16), jnp.float32),
        ],
        mesh=mesh,
        scratch_types=(
            [pltpu.VMEM((2, B), jnp.int32)] * PIPE
            + [pltpu.VMEM((B, D), jnp.float32)] * PIPE
            + [
                pltpu.VMEM((BT,), jnp.int32),
                pltpu.VMEM((BT,), jnp.int32),
                pltpu.VMEM((CR, 16), jnp.float32),
                pltpu.VMEM((CR,), jnp.int32),
                pltpu.VMEM_SHARED((NPAD, D), jnp.float32),
                pltpu.VMEM_SHARED((CR, 16), jnp.float32),
            ]
            + [pltpu.SemaphoreType.DMA] * (3 * PIPE + 1)
        ),
    )
    def k(x_hbm, adj_hbm, sum_hbm, cnt_hbm, *refs):
        aidx = list(refs[0:PIPE])
        rows = list(refs[PIPE:2 * PIPE])
        tsidx, tdidx, cnt_local, idxid, acc, cacc = \
            refs[2 * PIPE:2 * PIPE + 6]
        sems = refs[2 * PIPE + 6:]
        sem_a = sems[0:PIPE]
        sem_g = sems[PIPE:2 * PIPE]
        sem_s = sems[2 * PIPE:3 * PIPE]
        sem_w = sems[3 * PIPE]
        c = lax.axis_index("c")
        s = lax.axis_index("s")
        wid = c * NS + s
        base = wid * EPT
        ones16 = jnp.ones((16,), jnp.float32)
        zeros16 = jnp.zeros((16,), jnp.float32)
        iota16 = lax.iota(jnp.int32, 16)

        @pl.loop(0, CR // 16)
        def _(i):
            idxid[pl.ds(i * 16, 16)] = iota16 + i * 16

        @pl.loop(0, CR)
        def _(i):
            cnt_local[i, :] = zeros16

        @pl.loop(0, B)
        def _(i):
            @pl.loop(0, D // 16)
            def _(j):
                rows[0][i, pl.ds(j * 16, 16)] = zeros16

        row0 = s * ROWS_PER_TILE
        zchunk = rows[0].at[pl.ds(0, CHUNK)]
        zcnt = rows[0].at[pl.ds(0, CPT), pl.ds(0, 16)]
        for t in range(ROWS_PER_TILE // CHUNK):
            pltpu.async_copy(zchunk, acc.at[pl.ds(row0 + t * CHUNK, CHUNK)],
                             sem_w)
        pltpu.async_copy(zcnt, cacc.at[pl.ds(s * CPT, CPT)], sem_w)
        for t in range(ROWS_PER_TILE // CHUNK):
            pltpu.make_async_copy(zchunk, acc.at[pl.ds(row0, CHUNK)],
                                  sem_w).wait()
        pltpu.make_async_copy(zcnt, cacc.at[pl.ds(s * CPT, CPT)],
                              sem_w).wait()
        plsc.subcore_barrier()

        def load_idx(j, p):
            off = base + j * B
            pltpu.async_copy(adj_hbm.at[pl.ds(0, 2), pl.ds(off, B)], aidx[p],
                             sem_a[p])

        def count_edges(dref, nlanes):
            for kk in range(nlanes // 16):
                dv = dref[pl.ds(kk * 16, 16)]
                crow = lax.shift_right_logical(dv, 4)
                ccol = lax.bitwise_and(dv, 15)
                plsc.addupdate_scatter(cnt_local, [crow, ccol], ones16)

        def step(j, b):
            p1 = (b + 1) % PIPE
            p2 = (b + 2) % PIPE

            @pl.when(j + 1 < NB)
            def _():
                pltpu.make_async_copy(
                    adj_hbm.at[pl.ds(0, 2), pl.ds(base + (j + 1) * B, B)],
                    aidx[p1], sem_a[p1]).wait()
                pltpu.async_copy(x_hbm.at[aidx[p1].at[0]], rows[p1],
                                 sem_g[p1])

            pltpu.make_async_copy(
                x_hbm.at[aidx[b].at[0]], rows[b], sem_g[b]).wait()

            for kk in range(B // 16):
                dv = aidx[b][1, pl.ds(kk * 16, 16)]
                crow = lax.shift_right_logical(dv, 4)
                ccol = lax.bitwise_and(dv, 15)
                plsc.addupdate_scatter(cnt_local, [crow, ccol], ones16)

            @pl.when(j >= DRAIN)
            def _():
                pltpu.make_async_copy(
                    rows[p2], acc.at[aidx[p2].at[1]], sem_s[p2]).wait()

            @pl.when(j + 2 < NB)
            def _():
                load_idx(j + 2, p2)

            pltpu.async_copy(rows[b], acc.at[aidx[b].at[1]], sem_s[b],
                             add=True)

        load_idx(0, 0)
        load_idx(1, 1)
        pltpu.make_async_copy(adj_hbm.at[pl.ds(0, 2), pl.ds(base, B)],
                              aidx[0], sem_a[0]).wait()
        pltpu.async_copy(x_hbm.at[aidx[0].at[0]], rows[0], sem_g[0])

        @pl.loop(0, NMAIN // PIPE)
        def _(jo):
            j0 = jo * PIPE
            for b in range(PIPE):
                step(j0 + b, b)

        for jt in range(NMAIN, NB):
            step(jt, jt % PIPE)

        for j in range(NB - DRAIN, NB):
            b = j % PIPE
            pltpu.make_async_copy(rows[b], acc.at[aidx[b].at[1]],
                                  sem_s[b]).wait()

        if HAS_TAIL:
            toff = base + NB * B
            pltpu.sync_copy(adj_hbm.at[0, pl.ds(toff, BT)], tsidx)
            pltpu.sync_copy(adj_hbm.at[1, pl.ds(toff, BT)], tdidx)
            pltpu.async_copy(x_hbm.at[tsidx], rows[0].at[pl.ds(0, BT)],
                             sem_g[0]).wait()
            count_edges(tdidx, BT)
            pltpu.sync_copy(rows[0].at[pl.ds(0, BT)], acc.at[tdidx],
                            add=True)

        pltpu.sync_copy(cnt_local, cacc.at[idxid], add=True)
        plsc.subcore_barrier()

        nchunk = ROWS_PER_TILE // CHUNK
        for t in range(nchunk):
            r = row0 + t * CHUNK
            p = t % PIPE
            rchunk = rows[p].at[pl.ds(0, CHUNK)]
            if t >= PIPE:
                pltpu.make_async_copy(
                    rchunk, sum_hbm.at[c, pl.ds(row0, CHUNK)],
                    sem_g[p]).wait()
            pltpu.sync_copy(acc.at[pl.ds(r, CHUNK)], rchunk)
            pltpu.async_copy(rchunk, sum_hbm.at[c, pl.ds(r, CHUNK)],
                             sem_g[p])
        for t in range(max(nchunk - PIPE, 0), nchunk):
            p = t % PIPE
            pltpu.make_async_copy(
                rows[p].at[pl.ds(0, CHUNK)],
                sum_hbm.at[c, pl.ds(row0, CHUNK)], sem_g[p]).wait()
        cb = rows[0].at[pl.ds(0, CPT), pl.ds(0, 16)]
        pltpu.sync_copy(cacc.at[pl.ds(s * CPT, CPT)], cb)
        pltpu.sync_copy(cb, cnt_hbm.at[c, pl.ds(s * CPT, CPT)])

    return k(x, adj)


_DN = (((1,), (1,)), ((), ()))
_R = 1000


def _xr_part(x, W_r, b_l):
    def body(x_ref, wr_ref, b_ref, o_ref):
        o_ref[...] = lax.dot_general(
            x_ref[...], wr_ref[...], _DN,
            precision=lax.Precision.HIGHEST,
            preferred_element_type=jnp.float32) + b_ref[...]

    return pl.pallas_call(
        body,
        grid=(N // _R,),
        in_specs=[
            pl.BlockSpec((_R, D), lambda i: (i, 0)),
            pl.BlockSpec((D, D), lambda i: (0, 0)),
            pl.BlockSpec((1, D), lambda i: (0, 0)),
        ],
        out_specs=pl.BlockSpec((_R, D), lambda i: (i, 0)),
        out_shape=jax.ShapeDtypeStruct((N, D), jnp.float32),
    )(x, W_r, b_l.reshape(1, D))


def _finish(sums, c0, c1, xr, W_l):
    def body(p0_ref, p1_ref, c0_ref, c1_ref, xr_ref, wl_ref, o_ref):
        cnt = jnp.maximum(c0_ref[...] + c1_ref[...], 1.0)
        agg = (p0_ref[0] + p1_ref[0]) / cnt
        acc = lax.dot_general(agg, wl_ref[...], _DN,
                              precision=lax.Precision.HIGHEST,
                              preferred_element_type=jnp.float32)
        o_ref[...] = jnp.maximum(acc + xr_ref[...], 0.0)

    return pl.pallas_call(
        body,
        grid=(N // _R,),
        in_specs=[
            pl.BlockSpec((1, _R, D), lambda i: (0, i, 0)),
            pl.BlockSpec((1, _R, D), lambda i: (1, i, 0)),
            pl.BlockSpec((_R, 1), lambda i: (i, 0)),
            pl.BlockSpec((_R, 1), lambda i: (i, 0)),
            pl.BlockSpec((_R, D), lambda i: (i, 0)),
            pl.BlockSpec((D, D), lambda i: (0, 0)),
        ],
        out_specs=pl.BlockSpec((_R, D), lambda i: (i, 0)),
        out_shape=jax.ShapeDtypeStruct((N, D), jnp.float32),
    )(sums, sums, c0, c1, xr, W_l)


def kernel(x, adj, W_l, b_l, W_r):
    sums, cnts = _sc_segment_sum(x, adj.astype(jnp.int32))
    xr = _xr_part(x, W_r, b_l)
    cc = cnts.reshape(NC, NPAD)[:, :N]
    return _finish(sums, cc[0][:, None], cc[1][:, None], xr, W_l)

# --- scband reference (transcript-rebuilt; emitter-appended) ---
"""Pipeline reference for scband-graph-sage1-15839839387786 (READ-ONLY COPY).

The authoritative reference and input builder live on the scoring server;
editing this copy changes nothing except your own understanding.
"""

import jax, jax.numpy as jnp
import numpy as np

N = 10000
E = 320000
D_IN = 128
D_OUT = 128


def setup_inputs(seed: int = 0) -> dict:
    key = jax.random.key(seed)
    k1, k2, k3, k4, k5 = jax.random.split(key, 5)
    x = jax.random.normal(k1, (N, D_IN), dtype=jnp.float32)
    adj = jax.random.randint(k2, (2, E), 0, N).astype(jnp.int64)
    # SAGEConv parameters (PyG default: mean aggregation, root_weight=True)
    # lin_l: applied to aggregated neighbors (has bias); lin_r: applied to root (no bias)
    bound_l = 1.0 / np.sqrt(D_IN)
    W_l = jax.random.uniform(k3, (D_OUT, D_IN), dtype=jnp.float32, minval=-bound_l, maxval=bound_l)
    b_l = jax.random.uniform(k4, (D_OUT,), dtype=jnp.float32, minval=-bound_l, maxval=bound_l)
    W_r = jax.random.uniform(k5, (D_OUT, D_IN), dtype=jnp.float32, minval=-bound_l, maxval=bound_l)
    return {"x": x, "adj": adj, "W_l": W_l, "b_l": b_l, "W_r": W_r}


def reference(x, adj, W_l, b_l, W_r):
    # GraphSAGE1.forward: relu(SAGEConv(x, edge_index))
    # SAGEConv (mean aggr): out = lin_l(mean_{j in N(i)} x_j) + lin_r(x_i)
    src = adj[0]
    dst = adj[1]
    msg = jnp.take(x, src, axis=0)                      # gather source features [E, D_IN]
    summed = jax.ops.segment_sum(msg, dst, num_segments=N)   # scatter-add by dst [N, D_IN]
    counts = jax.ops.segment_sum(jnp.ones((msg.shape[0],), dtype=x.dtype), dst, num_segments=N)
    agg = summed / jnp.clip(counts, 1.0)[:, None]       # mean aggregation
    out = agg @ W_l.T + b_l + x @ W_r.T
    return jax.nn.relu(out)

if __name__ == "__main__":
    import jax
    _d = setup_inputs()
    print(jax.jit(kernel)(*tuple(_d.values())))

</pallas_src>

<mosaic_0001>
#map = affine_map<(d0, d1) -> (0, 0)>
#map1 = affine_map<(d0, d1) -> (0, 0, 0)>
module attributes {stable_mosaic.version = 14 : i64} {
  func.func @k(%arg0: i32, %arg1: i32, %arg2: memref<10000x128xf32, #tpu.memory_space<hbm>>, %arg3: memref<2x320000xi32, #tpu.memory_space<hbm>>, %arg4: memref<2x10240x128xf32, #tpu.memory_space<hbm>>, %arg5: memref<2x640x16xf32, #tpu.memory_space<hbm>>, %arg6: memref<2x96xi32, #tpu.memory_space<vmem>>, %arg7: memref<2x96xi32, #tpu.memory_space<vmem>>, %arg8: memref<2x96xi32, #tpu.memory_space<vmem>>, %arg9: memref<96x128xf32, #tpu.memory_space<vmem>>, %arg10: memref<96x128xf32, #tpu.memory_space<vmem>>, %arg11: memref<96x128xf32, #tpu.memory_space<vmem>>, %arg12: memref<16xi32, #tpu.memory_space<vmem>>, %arg13: memref<16xi32, #tpu.memory_space<vmem>>, %arg14: memref<640x16xf32, #tpu.memory_space<vmem>>, %arg15: memref<640xi32, #tpu.memory_space<vmem>>, %arg16: memref<10240x128xf32, #tpu.memory_space<vmem_shared>>, %arg17: memref<640x16xf32, #tpu.memory_space<vmem_shared>>, %arg18: memref<!tpu.dma_semaphore, #tpu.memory_space<semaphore_mem>>, %arg19: memref<!tpu.dma_semaphore, #tpu.memory_space<semaphore_mem>>, %arg20: memref<!tpu.dma_semaphore, #tpu.memory_space<semaphore_mem>>, %arg21: memref<!tpu.dma_semaphore, #tpu.memory_space<semaphore_mem>>, %arg22: memref<!tpu.dma_semaphore, #tpu.memory_space<semaphore_mem>>, %arg23: memref<!tpu.dma_semaphore, #tpu.memory_space<semaphore_mem>>, %arg24: memref<!tpu.dma_semaphore, #tpu.memory_space<semaphore_mem>>, %arg25: memref<!tpu.dma_semaphore, #tpu.memory_space<semaphore_mem>>, %arg26: memref<!tpu.dma_semaphore, #tpu.memory_space<semaphore_mem>>, %arg27: memref<!tpu.dma_semaphore, #tpu.memory_space<semaphore_mem>>) attributes {dimension_semantics = [#tpu.dimension_semantics<core_parallel>, #tpu.dimension_semantics<subcore_parallel>], iteration_bounds = array<i64: 2, 16>, scalar_prefetch = 0 : i64, scratch_operands = 22 : i64, tpu.core_type = #tpu.core_type<sc_vector_subcore>, window_params = [{transform_indices = #map}, {transform_indices = #map}, {transform_indices = #map1}, {transform_indices = #map1}]} {
    %mul3A = arith.constant 16 : i32
    %mul3A_0 = arith.muli %arg0, %mul3A : i32
    %add3A = arith.addi %mul3A_0, %arg1 : i32
    %mul3A_1 = arith.constant 10000 : i32
    %mul3A_2 = arith.muli %add3A, %mul3A_1 : i32
    %broadcast_in_dim3A = arith.constant 1.000000e+00 : f32
    %broadcast_in_dim3A_3 = vector.broadcast %broadcast_in_dim3A : f32 to vector<16xf32>
    %broadcast_in_dim3A_4 = arith.constant 0.000000e+00 : f32
    %broadcast_in_dim3A_5 = vector.broadcast %broadcast_in_dim3A_4 : f32 to vector<16xf32>
    %iota3A = tpu.iota {dimensions = array<i32: 0>} : vector<16xi32>
    %scan3A = arith.constant 0 : i32
    %scan3A_6 = arith.constant 40 : i32
    %scan3A_7 = arith.addi %scan3A, %scan3A_6 : i32
    %scan3A_8 = arith.constant 1 : i32
    scf.for %scan3A_759 = %scan3A to %scan3A_7 step %scan3A_8  : i32 {
      %mul3A_760 = arith.constant 1 : i32
      %mul3A_761 = arith.muli %scan3A_759, %mul3A_760 : i32
      %add3A_762 = arith.constant 0 : i32
      %add3A_763 = arith.addi %add3A_762, %mul3A_761 : i32
      %mul3A_764 = arith.constant 16 : i32
      %mul3A_765 = arith.muli %add3A_763, %mul3A_764 : i32
      %add3A_766 = vector.broadcast %mul3A_765 : i32 to vector<16xi32>
      %add3A_767 = arith.addi %iota3A, %add3A_766 : vector<16xi32>
      %mul3A_768 = arith.constant 16 : i32
      %mul3A_769 = arith.muli %add3A_763, %mul3A_768 : i32
      %swap3A = arith.index_cast %mul3A_769 : i32 to index
      %swap3A_770 = tpu.vector_load %arg15[%swap3A] {strides = array<i32>} : memref<640xi32, #tpu.memory_space<vmem>>, vector<16xi32>,
      tpu.vector_store %arg15[%swap3A], %add3A_767 {strides = array<i32>} : memref<640xi32, #tpu.memory_space<vmem>>, vector<16xi32>,
    }
    %scan3A_9 = arith.constant 40 : i32
    %scan3A_10 = arith.constant 0 : i32
    %scan3A_11 = arith.constant 640 : i32
    %scan3A_12 = arith.addi %scan3A_10, %scan3A_11 : i32
    %scan3A_13 = arith.constant 1 : i32
    scf.for %scan3A_759 = %scan3A_10 to %scan3A_12 step %scan3A_13  : i32 {
      %mul3A_760 = arith.constant 1 : i32
      %mul3A_761 = arith.muli %scan3A_759, %mul3A_760 : i32
      %add3A_762 = arith.constant 0 : i32
      %add3A_763 = arith.addi %add3A_762, %mul3A_761 : i32
      %swap3A = arith.index_cast %add3A_763 : i32 to index
      %swap3A_764 = arith.constant 0 : index
      %swap3A_765 = tpu.vector_load %arg14[%swap3A, %swap3A_764] {strides = array<i32>} : memref<640x16xf32, #tpu.memory_space<vmem>>, vector<16xf32>,
      tpu.vector_store %arg14[%swap3A, %swap3A_764], %broadcast_in_dim3A_5 {strides = array<i32>} : memref<640x16xf32, #tpu.memory_space<vmem>>, vector<16xf32>,
    }
    %scan3A_14 = arith.constant 640 : i32
    %scan3A_15 = arith.constant 0 : i32
    %scan3A_16 = arith.constant 96 : i32
    %scan3A_17 = arith.addi %scan3A_15, %scan3A_16 : i32
    %scan3A_18 = arith.constant 1 : i32
    scf.for %scan3A_759 = %scan3A_15 to %scan3A_17 step %scan3A_18  : i32 {
      %mul3A_760 = arith.constant 1 : i32
      %mul3A_761 = arith.muli %scan3A_759, %mul3A_760 : i32
      %add3A_762 = arith.constant 0 : i32
      %add3A_763 = arith.addi %add3A_762, %mul3A_761 : i32
      %scan3A_764 = arith.constant 0 : i32
      %scan3A_765 = arith.constant 8 : i32
      %scan3A_766 = arith.addi %scan3A_764, %scan3A_765 : i32
      %scan3A_767 = arith.constant 1 : i32
      scf.for %scan3A_769 = %scan3A_764 to %scan3A_766 step %scan3A_767  : i32 {
        %mul3A_770 = arith.constant 1 : i32
        %mul3A_771 = arith.muli %scan3A_769, %mul3A_770 : i32
        %add3A_772 = arith.constant 0 : i32
        %add3A_773 = arith.addi %add3A_772, %mul3A_771 : i32
        %mul3A_774 = arith.constant 16 : i32
        %mul3A_775 = arith.muli %add3A_773, %mul3A_774 : i32
        %swap3A = arith.index_cast %add3A_763 : i32 to index
        %swap3A_776 = arith.index_cast %mul3A_775 : i32 to index
        %swap3A_777 = tpu.vector_load %arg9[%swap3A, %swap3A_776] {strides = array<i32>} : memref<96x128xf32, #tpu.memory_space<vmem>>, vector<16xf32>,
        tpu.vector_store %arg9[%swap3A, %swap3A_776], %broadcast_in_dim3A_5 {strides = array<i32>} : memref<96x128xf32, #tpu.memory_space<vmem>>, vector<16xf32>,
      }
      %scan3A_768 = arith.constant 8 : i32
    }
    %scan3A_19 = arith.constant 96 : i32
    %mul3A_20 = arith.constant 640 : i32
    %mul3A_21 = arith.muli %arg1, %mul3A_20 : i32
    %add3A_22 = arith.constant 0 : i32
    %add3A_23 = arith.addi %mul3A_21, %add3A_22 : i32
    %dma_start3A = arith.constant 0 : i32
    %dma_start3A_24 = arith.constant 0 : i32
    %dma_start3A_25 = tpu.memref_slice %arg9[%dma_start3A, %dma_start3A_24] : memref<96x128xf32, #tpu.memory_space<vmem>> -> memref<64x128xf32, #tpu.memory_space<vmem>>
    %dma_start3A_26 = arith.constant 0 : i32
    %dma_start3A_27 = tpu.memref_slice %arg16[%add3A_23, %dma_start3A_26] : memref<10240x128xf32, #tpu.memory_space<vmem_shared>> -> memref<64x128xf32, #tpu.memory_space<vmem_shared>>
    %dma_start3A_28 = arith.constant 0 : i32
    %dma_start3A_29 = tpu.memref_slice %arg16[%add3A_23, %dma_start3A_28] : memref<10240x128xf32, #tpu.memory_space<vmem_shared>> -> memref<64x128xf32, #tpu.memory_space<vmem_shared>>
    %dma_start3A_30 = arith.constant 0 : i32
    %dma_start3A_31 = arith.constant 0 : i32
    %dma_start3A_32 = tpu.memref_slice %arg9[%dma_start3A_30, %dma_start3A_31] : memref<96x128xf32, #tpu.memory_space<vmem>> -> memref<64x128xf32, #tpu.memory_space<vmem>>
    tpu.enqueue_dma source(%dma_start3A_32 : memref<64x128xf32, #tpu.memory_space<vmem>>) target(%dma_start3A_29 : memref<64x128xf32, #tpu.memory_space<vmem_shared>>) target_semaphore(%arg27 : memref<!tpu.dma_semaphore, #tpu.memory_space<semaphore_mem>>)
    %add3A_33 = arith.constant 64 : i32
    %add3A_34 = arith.addi %mul3A_21, %add3A_33 : i32
    %dma_start3A_35 = arith.constant 0 : i32
    %dma_start3A_36 = arith.constant 0 : i32
    %dma_start3A_37 = tpu.memref_slice %arg9[%dma_start3A_35, %dma_start3A_36] : memref<96x128xf32, #tpu.memory_space<vmem>> -> memref<64x128xf32, #tpu.memory_space<vmem>>
    %dma_start3A_38 = arith.constant 0 : i32
    %dma_start3A_39 = tpu.memref_slice %arg16[%add3A_34, %dma_start3A_38] : memref<10240x128xf32, #tpu.memory_space<vmem_shared>> -> memref<64x128xf32, #tpu.memory_space<vmem_shared>>
    %dma_start3A_40 = arith.constant 0 : i32
    %dma_start3A_41 = tpu.memref_slice %arg16[%add3A_34, %dma_start3A_40] : memref<10240x128xf32, #tpu.memory_space<vmem_shared>> -> memref<64x128xf32, #tpu.memory_space<vmem_shared>>
    %dma_start3A_42 = arith.constant 0 : i32
    %dma_start3A_43 = arith.constant 0 : i32
    %dma_start3A_44 = tpu.memref_slice %arg9[%dma_start3A_42, %dma_start3A_43] : memref<96x128xf32, #tpu.memory_space<vmem>> -> memref<64x128xf32, #tpu.memory_space<vmem>>
    tpu.enqueue_dma source(%dma_start3A_44 : memref<64x128xf32, #tpu.memory_space<vmem>>) target(%dma_start3A_41 : memref<64x128xf32, #tpu.memory_space<vmem_shared>>) target_semaphore(%arg27 : memref<!tpu.dma_semaphore, #tpu.memory_space<semaphore_mem>>)
    %add3A_45 = arith.constant 128 : i32
    %add3A_46 = arith.addi %mul3A_21, %add3A_45 : i32
    %dma_start3A_47 = arith.constant 0 : i32
    %dma_start3A_48 = arith.constant 0 : i32
    %dma_start3A_49 = tpu.memref_slice %arg9[%dma_start3A_47, %dma_start3A_48] : memref<96x128xf32, #tpu.memory_space<vmem>> -> memref<64x128xf32, #tpu.memory_space<vmem>>
    %dma_start3A_50 = arith.constant 0 : i32
    %dma_start3A_51 = tpu.memref_slice %arg16[%add3A_46, %dma_start3A_50] : memref<10240x128xf32, #tpu.memory_space<vmem_shared>> -> memref<64x128xf32, #tpu.memory_space<vmem_shared>>
    %dma_start3A_52 = arith.constant 0 : i32
    %dma_start3A_53 = tpu.memref_slice %arg16[%add3A_46, %dma_start3A_52] : memref<10240x128xf32, #tpu.memory_space<vmem_shared>> -> memref<64x128xf32, #tpu.memory_space<vmem_shared>>
    %dma_start3A_54 = arith.constant 0 : i32
    %dma_start3A_55 = arith.constant 0 : i32
    %dma_start3A_56 = tpu.memref_slice %arg9[%dma_start3A_54, %dma_start3A_55] : memref<96x128xf32, #tpu.memory_space<vmem>> -> memref<64x128xf32, #tpu.memory_space<vmem>>
    tpu.enqueue_dma source(%dma_start3A_56 : memref<64x128xf32, #tpu.memory_space<vmem>>) target(%dma_start3A_53 : memref<64x128xf32, #tpu.memory_space<vmem_shared>>) target_semaphore(%arg27 : memref<!tpu.dma_semaphore, #tpu.memory_space<semaphore_mem>>)
    %add3A_57 = arith.constant 192 : i32
    %add3A_58 = arith.addi %mul3A_21, %add3A_57 : i32
    %dma_start3A_59 = arith.constant 0 : i32
    %dma_start3A_60 = arith.constant 0 : i32
    %dma_start3A_61 = tpu.memref_slice %arg9[%dma_start3A_59, %dma_start3A_60] : memref<96x128xf32, #tpu.memory_space<vmem>> -> memref<64x128xf32, #tpu.memory_space<vmem>>
    %dma_start3A_62 = arith.constant 0 : i32
    %dma_start3A_63 = tpu.memref_slice %arg16[%add3A_58, %dma_start3A_62] : memref<10240x128xf32, #tpu.memory_space<vmem_shared>> -> memref<64x128xf32, #tpu.memory_space<vmem_shared>>
    %dma_start3A_64 = arith.constant 0 : i32
    %dma_start3A_65 = tpu.memref_slice %arg16[%add3A_58, %dma_start3A_64] : memref<10240x128xf32, #tpu.memory_space<vmem_shared>> -> memref<64x128xf32, #tpu.memory_space<vmem_shared>>
    %dma_start3A_66 = arith.constant 0 : i32
    %dma_start3A_67 = arith.constant 0 : i32
    %dma_start3A_68 = tpu.memref_slice %arg9[%dma_start3A_66, %dma_start3A_67] : memref<96x128xf32, #tpu.memory_space<vmem>> -> memref<64x128xf32, #tpu.memory_space<vmem>>
    tpu.enqueue_dma source(%dma_start3A_68 : memref<64x128xf32, #tpu.memory_space<vmem>>) target(%dma_start3A_65 : memref<64x128xf32, #tpu.memory_space<vmem_shared>>) target_semaphore(%arg27 : memref<!tpu.dma_semaphore, #tpu.memory_space<semaphore_mem>>)
    %add3A_69 = arith.constant 256 : i32
    %add3A_70 = arith.addi %mul3A_21, %add3A_69 : i32
    %dma_start3A_71 = arith.constant 0 : i32
    %dma_start3A_72 = arith.constant 0 : i32
    %dma_start3A_73 = tpu.memref_slice %arg9[%dma_start3A_71, %dma_start3A_72] : memref<96x128xf32, #tpu.memory_space<vmem>> -> memref<64x128xf32, #tpu.memory_space<vmem>>
    %dma_start3A_74 = arith.constant 0 : i32
    %dma_start3A_75 = tpu.memref_slice %arg16[%add3A_70, %dma_start3A_74] : memref<10240x128xf32, #tpu.memory_space<vmem_shared>> -> memref<64x128xf32, #tpu.memory_space<vmem_shared>>
    %dma_start3A_76 = arith.constant 0 : i32
    %dma_start3A_77 = tpu.memref_slice %arg16[%add3A_70, %dma_start3A_76] : memref<10240x128xf32, #tpu.memory_space<vmem_shared>> -> memref<64x128xf32, #tpu.memory_space<vmem_shared>>
    %dma_start3A_78 = arith.constant 0 : i32
    %dma_start3A_79 = arith.constant 0 : i32
    %dma_start3A_80 = tpu.memref_slice %arg9[%dma_start3A_78, %dma_start3A_79] : memref<96x128xf32, #tpu.memory_space<vmem>> -> memref<64x128xf32, #tpu.memory_space<vmem>>
    tpu.enqueue_dma source(%dma_start3A_80 : memref<64x128xf32, #tpu.memory_space<vmem>>) target(%dma_start3A_77 : memref<64x128xf32, #tpu.memory_space<vmem_shared>>) target_semaphore(%arg27 : memref<!tpu.dma_semaphore, #tpu.memory_space<semaphore_mem>>)
    %add3A_81 = arith.constant 320 : i32
    %add3A_82 = arith.addi %mul3A_21, %add3A_81 : i32
    %dma_start3A_83 = arith.constant 0 : i32
    %dma_start3A_84 = arith.constant 0 : i32
    %dma_start3A_85 = tpu.memref_slice %arg9[%dma_start3A_83, %dma_start3A_84] : memref<96x128xf32, #tpu.memory_space<vmem>> -> memref<64x128xf32, #tpu.memory_space<vmem>>
    %dma_start3A_86 = arith.constant 0 : i32
    %dma_start3A_87 = tpu.memref_slice %arg16[%add3A_82, %dma_start3A_86] : memref<10240x128xf32, #tpu.memory_space<vmem_shared>> -> memref<64x128xf32, #tpu.memory_space<vmem_shared>>
    %dma_start3A_88 = arith.constant 0 : i32
    %dma_start3A_89 = tpu.memref_slice %arg16[%add3A_82, %dma_start3A_88] : memref<10240x128xf32, #tpu.memory_space<vmem_shared>> -> memref<64x128xf32, #tpu.memory_space<vmem_shared>>
    %dma_start3A_90 = arith.constant 0 : i32
    %dma_start3A_91 = arith.constant 0 : i32
    %dma_start3A_92 = tpu.memref_slice %arg9[%dma_start3A_90, %dma_start3A_91] : memref<96x128xf32, #tpu.memory_space<vmem>> -> memref<64x128xf32, #tpu.memory_space<vmem>>
    tpu.enqueue_dma source(%dma_start3A_92 : memref<64x128xf32, #tpu.memory_space<vmem>>) target(%dma_start3A_89 : memref<64x128xf32, #tpu.memory_space<vmem_shared>>) target_semaphore(%arg27 : memref<!tpu.dma_semaphore, #tpu.memory_space<semaphore_mem>>)
    %add3A_93 = arith.constant 384 : i32
    %add3A_94 = arith.addi %mul3A_21, %add3A_93 : i32
    %dma_start3A_95 = arith.constant 0 : i32
    %dma_start3A_96 = arith.constant 0 : i32
    %dma_start3A_97 = tpu.memref_slice %arg9[%dma_start3A_95, %dma_start3A_96] : memref<96x128xf32, #tpu.memory_space<vmem>> -> memref<64x128xf32, #tpu.memory_space<vmem>>
    %dma_start3A_98 = arith.constant 0 : i32
    %dma_start3A_99 = tpu.memref_slice %arg16[%add3A_94, %dma_start3A_98] : memref<10240x128xf32, #tpu.memory_space<vmem_shared>> -> memref<64x128xf32, #tpu.memory_space<vmem_shared>>
    %dma_start3A_100 = arith.constant 0 : i32
    %dma_start3A_101 = tpu.memref_slice %arg16[%add3A_94, %dma_start3A_100] : memref<10240x128xf32, #tpu.memory_space<vmem_shared>> -> memref<64x128xf32, #tpu.memory_space<vmem_shared>>
    %dma_start3A_102 = arith.constant 0 : i32
    %dma_start3A_103 = arith.constant 0 : i32
    %dma_start3A_104 = tpu.memref_slice %arg9[%dma_start3A_102, %dma_start3A_103] : memref<96x128xf32, #tpu.memory_space<vmem>> -> memref<64x128xf32, #tpu.memory_space<vmem>>
    tpu.enqueue_dma source(%dma_start3A_104 : memref<64x128xf32, #tpu.memory_space<vmem>>) target(%dma_start3A_101 : memref<64x128xf32, #tpu.memory_space<vmem_shared>>) target_semaphore(%arg27 : memref<!tpu.dma_semaphore, #tpu.memory_space<semaphore_mem>>)
    %add3A_105 = arith.constant 448 : i32
    %add3A_106 = arith.addi %mul3A_21, %add3A_105 : i32
    %dma_start3A_107 = arith.constant 0 : i32
    %dma_start3A_108 = arith.constant 0 : i32
    %dma_start3A_109 = tpu.memref_slice %arg9[%dma_start3A_107, %dma_start3A_108] : memref<96x128xf32, #tpu.memory_space<vmem>> -> memref<64x128xf32, #tpu.memory_space<vmem>>
    %dma_start3A_110 = arith.constant 0 : i32
    %dma_start3A_111 = tpu.memref_slice %arg16[%add3A_106, %dma_start3A_110] : memref<10240x128xf32, #tpu.memory_space<vmem_shared>> -> memref<64x128xf32, #tpu.memory_space<vmem_shared>>
    %dma_start3A_112 = arith.constant 0 : i32
    %dma_start3A_113 = tpu.memref_slice %arg16[%add3A_106, %dma_start3A_112] : memref<10240x128xf32, #tpu.memory_space<vmem_shared>> -> memref<64x128xf32, #tpu.memory_space<vmem_shared>>
    %dma_start3A_114 = arith.constant 0 : i32
    %dma_start3A_115 = arith.constant 0 : i32
    %dma_start3A_116 = tpu.memref_slice %arg9[%dma_start3A_114, %dma_start3A_115] : memref<96x128xf32, #tpu.memory_space<vmem>> -> memref<64x128xf32, #tpu.memory_space<vmem>>
    tpu.enqueue_dma source(%dma_start3A_116 : memref<64x128xf32, #tpu.memory_space<vmem>>) target(%dma_start3A_113 : memref<64x128xf32, #tpu.memory_space<vmem_shared>>) target_semaphore(%arg27 : memref<!tpu.dma_semaphore, #tpu.memory_space<semaphore_mem>>)
    %add3A_117 = arith.constant 512 : i32
    %add3A_118 = arith.addi %mul3A_21, %add3A_117 : i32
    %dma_start3A_119 = arith.constant 0 : i32
    %dma_start3A_120 = arith.constant 0 : i32
    %dma_start3A_121 = tpu.memref_slice %arg9[%dma_start3A_119, %dma_start3A_120] : memref<96x128xf32, #tpu.memory_space<vmem>> -> memref<64x128xf32, #tpu.memory_space<vmem>>
    %dma_start3A_122 = arith.constant 0 : i32
    %dma_start3A_123 = tpu.memref_slice %arg16[%add3A_118, %dma_start3A_122] : memref<10240x128xf32, #tpu.memory_space<vmem_shared>> -> memref<64x128xf32, #tpu.memory_space<vmem_shared>>
    %dma_start3A_124 = arith.constant 0 : i32
    %dma_start3A_125 = tpu.memref_slice %arg16[%add3A_118, %dma_start3A_124] : memref<10240x128xf32, #tpu.memory_space<vmem_shared>> -> memref<64x128xf32, #tpu.memory_space<vmem_shared>>
    %dma_start3A_126 = arith.constant 0 : i32
    %dma_start3A_127 = arith.constant 0 : i32
    %dma_start3A_128 = tpu.memref_slice %arg9[%dma_start3A_126, %dma_start3A_127] : memref<96x128xf32, #tpu.memory_space<vmem>> -> memref<64x128xf32, #tpu.memory_space<vmem>>
    tpu.enqueue_dma source(%dma_start3A_128 : memref<64x128xf32, #tpu.memory_space<vmem>>) target(%dma_start3A_125 : memref<64x128xf32, #tpu.memory_space<vmem_shared>>) target_semaphore(%arg27 : memref<!tpu.dma_semaphore, #tpu.memory_space<semaphore_mem>>)
    %add3A_129 = arith.constant 576 : i32
    %add3A_130 = arith.addi %mul3A_21, %add3A_129 : i32
    %dma_start3A_131 = arith.constant 0 : i32
    %dma_start3A_132 = arith.constant 0 : i32
    %dma_start3A_133 = tpu.memref_slice %arg9[%dma_start3A_131, %dma_start3A_132] : memref<96x128xf32, #tpu.memory_space<vmem>> -> memref<64x128xf32, #tpu.memory_space<vmem>>
    %dma_start3A_134 = arith.constant 0 : i32
    %dma_start3A_135 = tpu.memref_slice %arg16[%add3A_130, %dma_start3A_134] : memref<10240x128xf32, #tpu.memory_space<vmem_shared>> -> memref<64x128xf32, #tpu.memory_space<vmem_shared>>
    %dma_start3A_136 = arith.constant 0 : i32
    %dma_start3A_137 = tpu.memref_slice %arg16[%add3A_130, %dma_start3A_136] : memref<10240x128xf32, #tpu.memory_space<vmem_shared>> -> memref<64x128xf32, #tpu.memory_space<vmem_shared>>
    %dma_start3A_138 = arith.constant 0 : i32
    %dma_start3A_139 = arith.constant 0 : i32
    %dma_start3A_140 = tpu.memref_slice %arg9[%dma_start3A_138, %dma_start3A_139] : memref<96x128xf32, #tpu.memory_space<vmem>> -> memref<64x128xf32, #tpu.memory_space<vmem>>
    tpu.enqueue_dma source(%dma_start3A_140 : memref<64x128xf32, #tpu.memory_space<vmem>>) target(%dma_start3A_137 : memref<64x128xf32, #tpu.memory_space<vmem_shared>>) target_semaphore(%arg27 : memref<!tpu.dma_semaphore, #tpu.memory_space<semaphore_mem>>)
    %mul3A_141 = arith.constant 40 : i32
    %mul3A_142 = arith.muli %arg1, %mul3A_141 : i32
    %dma_start3A_143 = arith.constant 0 : i32
    %dma_start3A_144 = arith.constant 0 : i32
    %dma_start3A_145 = tpu.memref_slice %arg9[%dma_start3A_143, %dma_start3A_144] : memref<96x128xf32, #tpu.memory_space<vmem>> -> memref<40x16xf32, #tpu.memory_space<vmem>>
    %dma_start3A_146 = arith.constant 0 : i32
    %dma_start3A_147 = tpu.memref_slice %arg17[%mul3A_142, %dma_start3A_146] : memref<640x16xf32, #tpu.memory_space<vmem_shared>> -> memref<40x16xf32, #tpu.memory_space<vmem_shared>>
    %dma_start3A_148 = arith.constant 0 : i32
    %dma_start3A_149 = tpu.memref_slice %arg17[%mul3A_142, %dma_start3A_148] : memref<640x16xf32, #tpu.memory_space<vmem_shared>> -> memref<40x16xf32, #tpu.memory_space<vmem_shared>>
    %dma_start3A_150 = arith.constant 0 : i32
    %dma_start3A_151 = arith.constant 0 : i32
    %dma_start3A_152 = tpu.memref_slice %arg9[%dma_start3A_150, %dma_start3A_151] : memref<96x128xf32, #tpu.memory_space<vmem>> -> memref<40x16xf32, #tpu.memory_space<vmem>>
    tpu.enqueue_dma source(%dma_start3A_152 : memref<40x16xf32, #tpu.memory_space<vmem>>) target(%dma_start3A_149 : memref<40x16xf32, #tpu.memory_space<vmem_shared>>) target_semaphore(%arg27 : memref<!tpu.dma_semaphore, #tpu.memory_space<semaphore_mem>>)
    %dma_wait3A = arith.constant 0 : i32
    %dma_wait3A_153 = arith.constant 0 : i32
    %dma_wait3A_154 = tpu.memref_slice %arg9[%dma_wait3A, %dma_wait3A_153] : memref<96x128xf32, #tpu.memory_space<vmem>> -> memref<64x128xf32, #tpu.memory_space<vmem>>
    %dma_wait3A_155 = arith.constant 0 : i32
    %dma_wait3A_156 = tpu.memref_slice %arg16[%mul3A_21, %dma_wait3A_155] : memref<10240x128xf32, #tpu.memory_space<vmem_shared>> -> memref<64x128xf32, #tpu.memory_space<vmem_shared>>
    %dma_wait3A_157 = arith.constant 0 : i32
    %dma_wait3A_158 = tpu.memref_slice %arg16[%mul3A_21, %dma_wait3A_157] : memref<10240x128xf32, #tpu.memory_space<vmem_shared>> -> memref<64x128xf32, #tpu.memory_space<vmem_shared>>
    %dma_wait3A_159 = arith.constant 0 : i32
    %dma_wait3A_160 = arith.constant 0 : i32
    %dma_wait3A_161 = tpu.memref_slice %arg9[%dma_wait3A_159, %dma_wait3A_160] : memref<96x128xf32, #tpu.memory_space<vmem>> -> memref<64x128xf32, #tpu.memory_space<vmem>>
    tpu.wait_dma2 semaphore(%arg27 : memref<!tpu.dma_semaphore, #tpu.memory_space<semaphore_mem>>) src(%dma_wait3A_161 : memref<64x128xf32, #tpu.memory_space<vmem>>) dst(%dma_wait3A_158 : memref<64x128xf32, #tpu.memory_space<vmem_shared>>)
    %dma_wait3A_162 = arith.constant 0 : i32
    %dma_wait3A_163 = arith.constant 0 : i32
    %dma_wait3A_164 = tpu.memref_slice %arg9[%dma_wait3A_162, %dma_wait3A_163] : memref<96x128xf32, #tpu.memory_space<vmem>> -> memref<64x128xf32, #tpu.memory_space<vmem>>
    %dma_wait3A_165 = arith.constant 0 : i32
    %dma_wait3A_166 = tpu.memref_slice %arg16[%mul3A_21, %dma_wait3A_165] : memref<10240x128xf32, #tpu.memory_space<vmem_shared>> -> memref<64x128xf32, #tpu.memory_space<vmem_shared>>
    %dma_wait3A_167 = arith.constant 0 : i32
    %dma_wait3A_168 = tpu.memref_slice %arg16[%mul3A_21, %dma_wait3A_167] : memref<10240x128xf32, #tpu.memory_space<vmem_shared>> -> memref<64x128xf32, #tpu.memory_space<vmem_shared>>
    %dma_wait3A_169 = arith.constant 0 : i32
    %dma_wait3A_170 = arith.constant 0 : i32
    %dma_wait3A_171 = tpu.memref_slice %arg9[%dma_wait3A_169, %dma_wait3A_170] : memref<96x128xf32, #tpu.memory_space<vmem>> -> memref<64x128xf32, #tpu.memory_space<vmem>>
    tpu.wait_dma2 semaphore(%arg27 : memref<!tpu.dma_semaphore, #tpu.memory_space<semaphore_mem>>) src(%dma_wait3A_171 : memref<64x128xf32, #tpu.memory_space<vmem>>) dst(%dma_wait3A_168 : memref<64x128xf32, #tpu.memory_space<vmem_shared>>)
    %dma_wait3A_172 = arith.constant 0 : i32
    %dma_wait3A_173 = arith.constant 0 : i32
    %dma_wait3A_174 = tpu.memref_slice %arg9[%dma_wait3A_172, %dma_wait3A_173] : memref<96x128xf32, #tpu.memory_space<vmem>> -> memref<64x128xf32, #tpu.memory_space<vmem>>
    %dma_wait3A_175 = arith.constant 0 : i32
    %dma_wait3A_176 = tpu.memref_slice %arg16[%mul3A_21, %dma_wait3A_175] : memref<10240x128xf32, #tpu.memory_space<vmem_shared>> -> memref<64x128xf32, #tpu.memory_space<vmem_shared>>
    %dma_wait3A_177 = arith.constant 0 : i32
    %dma_wait3A_178 = tpu.memref_slice %arg16[%mul3A_21, %dma_wait3A_177] : memref<10240x128xf32, #tpu.memory_space<vmem_shared>> -> memref<64x128xf32, #tpu.memory_space<vmem_shared>>
    %dma_wait3A_179 = arith.constant 0 : i32
    %dma_wait3A_180 = arith.constant 0 : i32
    %dma_wait3A_181 = tpu.memref_slice %arg9[%dma_wait3A_179, %dma_wait3A_180] : memref<96x128xf32, #tpu.memory_space<vmem>> -> memref<64x128xf32, #tpu.memory_space<vmem>>
    tpu.wait_dma2 semaphore(%arg27 : memref<!tpu.dma_semaphore, #tpu.memory_space<semaphore_mem>>) src(%dma_wait3A_181 : memref<64x128xf32, #tpu.memory_space<vmem>>) dst(%dma_wait3A_178 : memref<64x128xf32, #tpu.memory_space<vmem_shared>>)
    %dma_wait3A_182 = arith.constant 0 : i32
    %dma_wait3A_183 = arith.constant 0 : i32
    %dma_wait3A_184 = tpu.memref_slice %arg9[%dma_wait3A_182, %dma_wait3A_183] : memref<96x128xf32, #tpu.memory_space<vmem>> -> memref<64x128xf32, #tpu.memory_space<vmem>>
    %dma_wait3A_185 = arith.constant 0 : i32
    %dma_wait3A_186 = tpu.memref_slice %arg16[%mul3A_21, %dma_wait3A_185] : memref<10240x128xf32, #tpu.memory_space<vmem_shared>> -> memref<64x128xf32, #tpu.memory_space<vmem_shared>>
    %dma_wait3A_187 = arith.constant 0 : i32
    %dma_wait3A_188 = tpu.memref_slice %arg16[%mul3A_21, %dma_wait3A_187] : memref<10240x128xf32, #tpu.memory_space<vmem_shared>> -> memref<64x128xf32, #tpu.memory_space<vmem_shared>>
    %dma_wait3A_189 = arith.constant 0 : i32
    %dma_wait3A_190 = arith.constant 0 : i32
    %dma_wait3A_191 = tpu.memref_slice %arg9[%dma_wait3A_189, %dma_wait3A_190] : memref<96x128xf32, #tpu.memory_space<vmem>> -> memref<64x128xf32, #tpu.memory_space<vmem>>
    tpu.wait_dma2 semaphore(%arg27 : memref<!tpu.dma_semaphore, #tpu.memory_space<semaphore_mem>>) src(%dma_wait3A_191 : memref<64x128xf32, #tpu.memory_space<vmem>>) dst(%dma_wait3A_188 : memref<64x128xf32, #tpu.memory_space<vmem_shared>>)
    %dma_wait3A_192 = arith.constant 0 : i32
    %dma_wait3A_193 = arith.constant 0 : i32
    %dma_wait3A_194 = tpu.memref_slice %arg9[%dma_wait3A_192, %dma_wait3A_193] : memref<96x128xf32, #tpu.memory_space<vmem>> -> memref<64x128xf32, #tpu.memory_space<vmem>>
    %dma_wait3A_195 = arith.constant 0 : i32
    %dma_wait3A_196 = tpu.memref_slice %arg16[%mul3A_21, %dma_wait3A_195] : memref<10240x128xf32, #tpu.memory_space<vmem_shared>> -> memref<64x128xf32, #tpu.memory_space<vmem_shared>>
    %dma_wait3A_197 = arith.constant 0 : i32
    %dma_wait3A_198 = tpu.memref_slice %arg16[%mul3A_21, %dma_wait3A_197] : memref<10240x128xf32, #tpu.memory_space<vmem_shared>> -> memref<64x128xf32, #tpu.memory_space<vmem_shared>>
    %dma_wait3A_199 = arith.constant 0 : i32
    %dma_wait3A_200 = arith.constant 0 : i32
    %dma_wait3A_201 = tpu.memref_slice %arg9[%dma_wait3A_199, %dma_wait3A_200] : memref<96x128xf32, #tpu.memory_space<vmem>> -> memref<64x128xf32, #tpu.memory_space<vmem>>
    tpu.wait_dma2 semaphore(%arg27 : memref<!tpu.dma_semaphore, #tpu.memory_space<semaphore_mem>>) src(%dma_wait3A_201 : memref<64x128xf32, #tpu.memory_space<vmem>>) dst(%dma_wait3A_198 : memref<64x128xf32, #tpu.memory_space<vmem_shared>>)
    %dma_wait3A_202 = arith.constant 0 : i32
    %dma_wait3A_203 = arith.constant 0 : i32
    %dma_wait3A_204 = tpu.memref_slice %arg9[%dma_wait3A_202, %dma_wait3A_203] : memref<96x128xf32, #tpu.memory_space<vmem>> -> memref<64x128xf32, #tpu.memory_space<vmem>>
    %dma_wait3A_205 = arith.constant 0 : i32
    %dma_wait3A_206 = tpu.memref_slice %arg16[%mul3A_21, %dma_wait3A_205] : memref<10240x128xf32, #tpu.memory_space<vmem_shared>> -> memref<64x128xf32, #tpu.memory_space<vmem_shared>>
    %dma_wait3A_207 = arith.constant 0 : i32
    %dma_wait3A_208 = tpu.memref_slice %arg16[%mul3A_21, %dma_wait3A_207] : memref<10240x128xf32, #tpu.memory_space<vmem_shared>> -> memref<64x128xf32, #tpu.memory_space<vmem_shared>>
    %dma_wait3A_209 = arith.constant 0 : i32
    %dma_wait3A_210 = arith.constant 0 : i32
    %dma_wait3A_211 = tpu.memref_slice %arg9[%dma_wait3A_209, %dma_wait3A_210] : memref<96x128xf32, #tpu.memory_space<vmem>> -> memref<64x128xf32, #tpu.memory_space<vmem>>
    tpu.wait_dma2 semaphore(%arg27 : memref<!tpu.dma_semaphore, #tpu.memory_space<semaphore_mem>>) src(%dma_wait3A_211 : memref<64x128xf32, #tpu.memory_space<vmem>>) dst(%dma_wait3A_208 : memref<64x128xf32, #tpu.memory_space<vmem_shared>>)
    %dma_wait3A_212 = arith.constant 0 : i32
    %dma_wait3A_213 = arith.constant 0 : i32
    %dma_wait3A_214 = tpu.memref_slice %arg9[%dma_wait3A_212, %dma_wait3A_213] : memref<96x128xf32, #tpu.memory_space<vmem>> -> memref<64x128xf32, #tpu.memory_space<vmem>>
    %dma_wait3A_215 = arith.constant 0 : i32
    %dma_wait3A_216 = tpu.memref_slice %arg16[%mul3A_21, %dma_wait3A_215] : memref<10240x128xf32, #tpu.memory_space<vmem_shared>> -> memref<64x128xf32, #tpu.memory_space<vmem_shared>>
    %dma_wait3A_217 = arith.constant 0 : i32
    %dma_wait3A_218 = tpu.memref_slice %arg16[%mul3A_21, %dma_wait3A_217] : memref<10240x128xf32, #tpu.memory_space<vmem_shared>> -> memref<64x128xf32, #tpu.memory_space<vmem_shared>>
    %dma_wait3A_219 = arith.constant 0 : i32
    %dma_wait3A_220 = arith.constant 0 : i32
    %dma_wait3A_221 = tpu.memref_slice %arg9[%dma_wait3A_219, %dma_wait3A_220] : memref<96x128xf32, #tpu.memory_space<vmem>> -> memref<64x128xf32, #tpu.memory_space<vmem>>
    tpu.wait_dma2 semaphore(%arg27 : memref<!tpu.dma_semaphore, #tpu.memory_space<semaphore_mem>>) src(%dma_wait3A_221 : memref<64x128xf32, #tpu.memory_space<vmem>>) dst(%dma_wait3A_218 : memref<64x128xf32, #tpu.memory_space<vmem_shared>>)
    %dma_wait3A_222 = arith.constant 0 : i32
    %dma_wait3A_223 = arith.constant 0 : i32
    %dma_wait3A_224 = tpu.memref_slice %arg9[%dma_wait3A_222, %dma_wait3A_223] : memref<96x128xf32, #tpu.memory_space<vmem>> -> memref<64x128xf32, #tpu.memory_space<vmem>>
    %dma_wait3A_225 = arith.constant 0 : i32
    %dma_wait3A_226 = tpu.memref_slice %arg16[%mul3A_21, %dma_wait3A_225] : memref<10240x128xf32, #tpu.memory_space<vmem_shared>> -> memref<64x128xf32, #tpu.memory_space<vmem_shared>>
    %dma_wait3A_227 = arith.constant 0 : i32
    %dma_wait3A_228 = tpu.memref_slice %arg16[%mul3A_21, %dma_wait3A_227] : memref<10240x128xf32, #tpu.memory_space<vmem_shared>> -> memref<64x128xf32, #tpu.memory_space<vmem_shared>>
    %dma_wait3A_229 = arith.constant 0 : i32
    %dma_wait3A_230 = arith.constant 0 : i32
    %dma_wait3A_231 = tpu.memref_slice %arg9[%dma_wait3A_229, %dma_wait3A_230] : memref<96x128xf32, #tpu.memory_space<vmem>> -> memref<64x128xf32, #tpu.memory_space<vmem>>
    tpu.wait_dma2 semaphore(%arg27 : memref<!tpu.dma_semaphore, #tpu.memory_space<semaphore_mem>>) src(%dma_wait3A_231 : memref<64x128xf32, #tpu.memory_space<vmem>>) dst(%dma_wait3A_228 : memref<64x128xf32, #tpu.memory_space<vmem_shared>>)
    %dma_wait3A_232 = arith.constant 0 : i32
    %dma_wait3A_233 = arith.constant 0 : i32
    %dma_wait3A_234 = tpu.memref_slice %arg9[%dma_wait3A_232, %dma_wait3A_233] : memref<96x128xf32, #tpu.memory_space<vmem>> -> memref<64x128xf32, #tpu.memory_space<vmem>>
    %dma_wait3A_235 = arith.constant 0 : i32
    %dma_wait3A_236 = tpu.memref_slice %arg16[%mul3A_21, %dma_wait3A_235] : memref<10240x128xf32, #tpu.memory_space<vmem_shared>> -> memref<64x128xf32, #tpu.memory_space<vmem_shared>>
    %dma_wait3A_237 = arith.constant 0 : i32
    %dma_wait3A_238 = tpu.memref_slice %arg16[%mul3A_21, %dma_wait3A_237] : memref<10240x128xf32, #tpu.memory_space<vmem_shared>> -> memref<64x128xf32, #tpu.memory_space<vmem_shared>>
    %dma_wait3A_239 = arith.constant 0 : i32
    %dma_wait3A_240 = arith.constant 0 : i32
    %dma_wait3A_241 = tpu.memref_slice %arg9[%dma_wait3A_239, %dma_wait3A_240] : memref<96x128xf32, #tpu.memory_space<vmem>> -> memref<64x128xf32, #tpu.memory_space<vmem>>
    tpu.wait_dma2 semaphore(%arg27 : memref<!tpu.dma_semaphore, #tpu.memory_space<semaphore_mem>>) src(%dma_wait3A_241 : memref<64x128xf32, #tpu.memory_space<vmem>>) dst(%dma_wait3A_238 : memref<64x128xf32, #tpu.memory_space<vmem_shared>>)
    %dma_wait3A_242 = arith.constant 0 : i32
    %dma_wait3A_243 = arith.constant 0 : i32
    %dma_wait3A_244 = tpu.memref_slice %arg9[%dma_wait3A_242, %dma_wait3A_243] : memref<96x128xf32, #tpu.memory_space<vmem>> -> memref<64x128xf32, #tpu.memory_space<vmem>>
    %dma_wait3A_245 = arith.constant 0 : i32
    %dma_wait3A_246 = tpu.memref_slice %arg16[%mul3A_21, %dma_wait3A_245] : memref<10240x128xf32, #tpu.memory_space<vmem_shared>> -> memref<64x128xf32, #tpu.memory_space<vmem_shared>>
    %dma_wait3A_247 = arith.constant 0 : i32
    %dma_wait3A_248 = tpu.memref_slice %arg16[%mul3A_21, %dma_wait3A_247] : memref<10240x128xf32, #tpu.memory_space<vmem_shared>> -> memref<64x128xf32, #tpu.memory_space<vmem_shared>>
    %dma_wait3A_249 = arith.constant 0 : i32
    %dma_wait3A_250 = arith.constant 0 : i32
    %dma_wait3A_251 = tpu.memref_slice %arg9[%dma_wait3A_249, %dma_wait3A_250] : memref<96x128xf32, #tpu.memory_space<vmem>> -> memref<64x128xf32, #tpu.memory_space<vmem>>
    tpu.wait_dma2 semaphore(%arg27 : memref<!tpu.dma_semaphore, #tpu.memory_space<semaphore_mem>>) src(%dma_wait3A_251 : memref<64x128xf32, #tpu.memory_space<vmem>>) dst(%dma_wait3A_248 : memref<64x128xf32, #tpu.memory_space<vmem_shared>>)
    %mul3A_252 = arith.constant 40 : i32
    %mul3A_253 = arith.muli %arg1, %mul3A_252 : i32
    %dma_wait3A_254 = arith.constant 0 : i32
    %dma_wait3A_255 = arith.constant 0 : i32
    %dma_wait3A_256 = tpu.memref_slice %arg9[%dma_wait3A_254, %dma_wait3A_255] : memref<96x128xf32, #tpu.memory_space<vmem>> -> memref<40x16xf32, #tpu.memory_space<vmem>>
    %dma_wait3A_257 = arith.constant 0 : i32
    %dma_wait3A_258 = tpu.memref_slice %arg17[%mul3A_253, %dma_wait3A_257] : memref<640x16xf32, #tpu.memory_space<vmem_shared>> -> memref<40x16xf32, #tpu.memory_space<vmem_shared>>
    %dma_wait3A_259 = arith.constant 0 : i32
    %dma_wait3A_260 = tpu.memref_slice %arg17[%mul3A_253, %dma_wait3A_259] : memref<640x16xf32, #tpu.memory_space<vmem_shared>> -> memref<40x16xf32, #tpu.memory_space<vmem_shared>>
    %dma_wait3A_261 = arith.constant 0 : i32
    %dma_wait3A_262 = arith.constant 0 : i32
    %dma_wait3A_263 = tpu.memref_slice %arg9[%dma_wait3A_261, %dma_wait3A_262] : memref<96x128xf32, #tpu.memory_space<vmem>> -> memref<40x16xf32, #tpu.memory_space<vmem>>
    tpu.wait_dma2 semaphore(%arg27 : memref<!tpu.dma_semaphore, #tpu.memory_space<semaphore_mem>>) src(%dma_wait3A_263 : memref<40x16xf32, #tpu.memory_space<vmem>>) dst(%dma_wait3A_260 : memref<40x16xf32, #tpu.memory_space<vmem_shared>>)
    %barrier3A = arith.constant 0 : index
    tpu.barrier barrier_id(%barrier3A)
    %add3A_264 = arith.constant 0 : i32
    %add3A_265 = arith.addi %mul3A_2, %add3A_264 : i32
    %dma_start3A_266 = arith.constant 0 : i32
    %dma_start3A_267 = tpu.memref_slice %arg3[%dma_start3A_266, %add3A_265] : memref<2x320000xi32, #tpu.memory_space<hbm>> -> memref<2x96xi32, #tpu.memory_space<hbm>>
    %dma_start3A_268 = arith.constant 0 : i32
    %dma_start3A_269 = tpu.memref_slice %arg3[%dma_start3A_268, %add3A_265] : memref<2x320000xi32, #tpu.memory_space<hbm>> -> memref<2x96xi32, #tpu.memory_space<hbm>>
    tpu.enqueue_dma source(%dma_start3A_269 : memref<2x96xi32, #tpu.memory_space<hbm>>) target(%arg6 : memref<2x96xi32, #tpu.memory_space<vmem>>) target_semaphore(%arg18 : memref<!tpu.dma_semaphore, #tpu.memory_space<semaphore_mem>>)
    %add3A_270 = arith.constant 96 : i32
    %add3A_271 = arith.addi %mul3A_2, %add3A_270 : i32
    %dma_start3A_272 = arith.constant 0 : i32
    %dma_start3A_273 = tpu.memref_slice %arg3[%dma_start3A_272, %add3A_271] : memref<2x320000xi32, #tpu.memory_space<hbm>> -> memref<2x96xi32, #tpu.memory_space<hbm>>
    %dma_start3A_274 = arith.constant 0 : i32
    %dma_start3A_275 = tpu.memref_slice %arg3[%dma_start3A_274, %add3A_271] : memref<2x320000xi32, #tpu.memory_space<hbm>> -> memref<2x96xi32, #tpu.memory_space<hbm>>
    tpu.enqueue_dma source(%dma_start3A_275 : memref<2x96xi32, #tpu.memory_space<hbm>>) target(%arg7 : memref<2x96xi32, #tpu.memory_space<vmem>>) target_semaphore(%arg19 : memref<!tpu.dma_semaphore, #tpu.memory_space<semaphore_mem>>)
    %dma_wait3A_276 = arith.constant 0 : i32
    %dma_wait3A_277 = tpu.memref_slice %arg3[%dma_wait3A_276, %mul3A_2] : memref<2x320000xi32, #tpu.memory_space<hbm>> -> memref<2x96xi32, #tpu.memory_space<hbm>>
    %dma_wait3A_278 = arith.constant 0 : i32
    %dma_wait3A_279 = tpu.memref_slice %arg3[%dma_wait3A_278, %mul3A_2] : memref<2x320000xi32, #tpu.memory_space<hbm>> -> memref<2x96xi32, #tpu.memory_space<hbm>>
    tpu.wait_dma2 semaphore(%arg18 : memref<!tpu.dma_semaphore, #tpu.memory_space<semaphore_mem>>) src(%dma_wait3A_279 : memref<2x96xi32, #tpu.memory_space<hbm>>) dst(%arg6 : memref<2x96xi32, #tpu.memory_space<vmem>>)
    %dma_start3A_280 = arith.constant 0 : i32
    %dma_start3A_281 = arith.constant 0 : i32
    %dma_start3A_282 = tpu.memref_slice %arg6[%dma_start3A_280, %dma_start3A_281] : memref<2x96xi32, #tpu.memory_space<vmem>> -> memref<1x96xi32, #tpu.memory_space<vmem>>
    %dma_start3A_283 = tpu.memref_squeeze %dma_start3A_282 : memref<1x96xi32, #tpu.memory_space<vmem>> -> memref<96xi32, #tpu.memory_space<vmem>>
    %dma_start3A_284 = arith.constant 0 : i32
    %dma_start3A_285 = arith.constant 0 : i32
    %dma_start3A_286 = tpu.memref_slice %arg2[%dma_start3A_284, %dma_start3A_285] : memref<10000x128xf32, #tpu.memory_space<hbm>> -> memref<10000x128xf32, #tpu.memory_space<hbm>>
    tpu.enqueue_indirect_dma source(%dma_start3A_286 : memref<10000x128xf32, #tpu.memory_space<hbm>>) target(%arg9 : memref<96x128xf32, #tpu.memory_space<vmem>>) offsets(%dma_start3A_283 : memref<96xi32, #tpu.memory_space<vmem>>) semaphore(%arg21 : memref<!tpu.dma_semaphore, #tpu.memory_space<semaphore_mem>>)
    %scan3A_287 = arith.constant 0 : i32
    %scan3A_288 = arith.constant 34 : i32
    %scan3A_289 = arith.addi %scan3A_287, %scan3A_288 : i32
    %scan3A_290 = arith.constant 1 : i32
    scf.for %scan3A_759 = %scan3A_287 to %scan3A_289 step %scan3A_290  : i32 {
      %mul3A_760 = arith.constant 1 : i32
      %mul3A_761 = arith.muli %scan3A_759, %mul3A_760 : i32
      %add3A_762 = arith.constant 0 : i32
      %add3A_763 = arith.addi %add3A_762, %mul3A_761 : i32
      %mul3A_764 = arith.constant 3 : i32
      %mul3A_765 = arith.muli %add3A_763, %mul3A_764 : i32
      %add3A_766 = arith.constant 0 : i32
      %add3A_767 = arith.addi %mul3A_765, %add3A_766 : i32
      %add3A_768 = arith.constant 1 : i32
      %add3A_769 = arith.addi %add3A_767, %add3A_768 : i32
      %lt3A = arith.constant 104 : i32
      %lt3A_770 = arith.cmpi slt, %add3A_769, %lt3A : i32
      %convert_element_type3A = arith.extui %lt3A_770 : i1 to i32
      %cond3A = arith.constant 0 : i32
      %cond3A_771 = arith.cmpi ne, %convert_element_type3A, %cond3A : i32
      scf.if %cond3A_771 {
        %add3A_1047 = arith.constant 1 : i32
        %add3A_1048 = arith.addi %add3A_767, %add3A_1047 : i32
        %mul3A_1049 = arith.constant 96 : i32
        %mul3A_1050 = arith.muli %add3A_1048, %mul3A_1049 : i32
        %add3A_1051 = arith.addi %mul3A_2, %mul3A_1050 : i32
        %dma_wait3A_1052 = arith.constant 0 : i32
        %dma_wait3A_1053 = tpu.memref_slice %arg3[%dma_wait3A_1052, %add3A_1051] : memref<2x320000xi32, #tpu.memory_space<hbm>> -> memref<2x96xi32, #tpu.memory_space<hbm>>
        %dma_wait3A_1054 = arith.constant 0 : i32
        %dma_wait3A_1055 = tpu.memref_slice %arg3[%dma_wait3A_1054, %add3A_1051] : memref<2x320000xi32, #tpu.memory_space<hbm>> -> memref<2x96xi32, #tpu.memory_space<hbm>>
        tpu.wait_dma2 semaphore(%arg19 : memref<!tpu.dma_semaphore, #tpu.memory_space<semaphore_mem>>) src(%dma_wait3A_1055 : memref<2x96xi32, #tpu.memory_space<hbm>>) dst(%arg7 : memref<2x96xi32, #tpu.memory_space<vmem>>)
        %dma_start3A_1056 = arith.constant 0 : i32
        %dma_start3A_1057 = arith.constant 0 : i32
        %dma_start3A_1058 = tpu.memref_slice %arg7[%dma_start3A_1056, %dma_start3A_1057] : memref<2x96xi32, #tpu.memory_space<vmem>> -> memref<1x96xi32, #tpu.memory_space<vmem>>
        %dma_start3A_1059 = tpu.memref_squeeze %dma_start3A_1058 : memref<1x96xi32, #tpu.memory_space<vmem>> -> memref<96xi32, #tpu.memory_space<vmem>>
        %dma_start3A_1060 = arith.constant 0 : i32
        %dma_start3A_1061 = arith.constant 0 : i32
        %dma_start3A_1062 = tpu.memref_slice %arg2[%dma_start3A_1060, %dma_start3A_1061] : memref<10000x128xf32, #tpu.memory_space<hbm>> -> memref<10000x128xf32, #tpu.memory_space<hbm>>
        tpu.enqueue_indirect_dma source(%dma_start3A_1062 : memref<10000x128xf32, #tpu.memory_space<hbm>>) target(%arg10 : memref<96x128xf32, #tpu.memory_space<vmem>>) offsets(%dma_start3A_1059 : memref<96xi32, #tpu.memory_space<vmem>>) semaphore(%arg22 : memref<!tpu.dma_semaphore, #tpu.memory_space<semaphore_mem>>)
      } else {
      }
      %dma_wait3A_772 = arith.constant 0 : i32
      %dma_wait3A_773 = arith.constant 0 : i32
      %dma_wait3A_774 = tpu.memref_slice %arg6[%dma_wait3A_772, %dma_wait3A_773] : memref<2x96xi32, #tpu.memory_space<vmem>> -> memref<1x96xi32, #tpu.memory_space<vmem>>
      %dma_wait3A_775 = tpu.memref_squeeze %dma_wait3A_774 : memref<1x96xi32, #tpu.memory_space<vmem>> -> memref<96xi32, #tpu.memory_space<vmem>>
      %dma_wait3A_776 = arith.constant 0 : i32
      %dma_wait3A_777 = arith.constant 0 : i32
      %dma_wait3A_778 = tpu.memref_slice %arg2[%dma_wait3A_776, %dma_wait3A_777] : memref<10000x128xf32, #tpu.memory_space<hbm>> -> memref<10000x128xf32, #tpu.memory_space<hbm>>
      tpu.wait_indirect_dma semaphore(%arg21 : memref<!tpu.dma_semaphore, #tpu.memory_space<semaphore_mem>>) src(%dma_wait3A_778 : memref<10000x128xf32, #tpu.memory_space<hbm>>) dst(%arg9 : memref<96x128xf32, #tpu.memory_space<vmem>>)
      %get3A_779 = arith.constant 1 : i32
      %get3A_780 = arith.index_cast %get3A_779 : i32 to index
      %get3A_781 = arith.constant 0 : index
      %get3A_782 = tpu.vector_load %arg6[%get3A_780, %get3A_781] {strides = array<i32>} : memref<2x96xi32, #tpu.memory_space<vmem>>, vector<16xi32>,
      %shift_right_logical3A_783 = arith.constant 4 : i32
      %shift_right_logical3A_784 = vector.broadcast %shift_right_logical3A_783 : i32 to vector<16xi32>
      %shift_right_logical3A_785 = arith.shrui %get3A_782, %shift_right_logical3A_784 : vector<16xi32>
      %and3A_786 = arith.constant 15 : i32
      %and3A_787 = vector.broadcast %and3A_786 : i32 to vector<16xi32>
      %and3A_788 = arith.andi %get3A_782, %and3A_787 : vector<16xi32>
      tpu.vector_store_idx %arg14[%shift_right_logical3A_785, %and3A_788], %broadcast_in_dim3A_3 {add = true} : memref<640x16xf32, #tpu.memory_space<vmem>>[vector<16xi32>, vector<16xi32>], vector<16xf32>,
      %get3A_789 = arith.constant 1 : i32
      %get3A_790 = arith.index_cast %get3A_789 : i32 to index
      %get3A_791 = arith.constant 16 : index
      %get3A_792 = tpu.vector_load %arg6[%get3A_790, %get3A_791] {strides = array<i32>} : memref<2x96xi32, #tpu.memory_space<vmem>>, vector<16xi32>,
      %shift_right_logical3A_793 = arith.constant 4 : i32
      %shift_right_logical3A_794 = vector.broadcast %shift_right_logical3A_793 : i32 to vector<16xi32>
      %shift_right_logical3A_795 = arith.shrui %get3A_792, %shift_right_logical3A_794 : vector<16xi32>
      %and3A_796 = arith.constant 15 : i32
      %and3A_797 = vector.broadcast %and3A_796 : i32 to vector<16xi32>
      %and3A_798 = arith.andi %get3A_792, %and3A_797 : vector<16xi32>
      tpu.vector_store_idx %arg14[%shift_right_logical3A_795, %and3A_798], %broadcast_in_dim3A_3 {add = true} : memref<640x16xf32, #tpu.memory_space<vmem>>[vector<16xi32>, vector<16xi32>], vector<16xf32>,
      %get3A_799 = arith.constant 1 : i32
      %get3A_800 = arith.index_cast %get3A_799 : i32 to index
      %get3A_801 = arith.constant 32 : index
      %get3A_802 = tpu.vector_load %arg6[%get3A_800, %get3A_801] {strides = array<i32>} : memref<2x96xi32, #tpu.memory_space<vmem>>, vector<16xi32>,
      %shift_right_logical3A_803 = arith.constant 4 : i32
      %shift_right_logical3A_804 = vector.broadcast %shift_right_logical3A_803 : i32 to vector<16xi32>
      %shift_right_logical3A_805 = arith.shrui %get3A_802, %shift_right_logical3A_804 : vector<16xi32>
      %and3A_806 = arith.constant 15 : i32
      %and3A_807 = vector.broadcast %and3A_806 : i32 to vector<16xi32>
      %and3A_808 = arith.andi %get3A_802, %and3A_807 : vector<16xi32>
      tpu.vector_store_idx %arg14[%shift_right_logical3A_805, %and3A_808], %broadcast_in_dim3A_3 {add = true} : memref<640x16xf32, #tpu.memory_space<vmem>>[vector<16xi32>, vector<16xi32>], vector<16xf32>,
      %get3A_809 = arith.constant 1 : i32
      %get3A_810 = arith.index_cast %get3A_809 : i32 to index
      %get3A_811 = arith.constant 48 : index
      %get3A_812 = tpu.vector_load %arg6[%get3A_810, %get3A_811] {strides = array<i32>} : memref<2x96xi32, #tpu.memory_space<vmem>>, vector<16xi32>,
      %shift_right_logical3A_813 = arith.constant 4 : i32
      %shift_right_logical3A_814 = vector.broadcast %shift_right_logical3A_813 : i32 to vector<16xi32>
      %shift_right_logical3A_815 = arith.shrui %get3A_812, %shift_right_logical3A_814 : vector<16xi32>
      %and3A_816 = arith.constant 15 : i32
      %and3A_817 = vector.broadcast %and3A_816 : i32 to vector<16xi32>
      %and3A_818 = arith.andi %get3A_812, %and3A_817 : vector<16xi32>
      tpu.vector_store_idx %arg14[%shift_right_logical3A_815, %and3A_818], %broadcast_in_dim3A_3 {add = true} : memref<640x16xf32, #tpu.memory_space<vmem>>[vector<16xi32>, vector<16xi32>], vector<16xf32>,
      %get3A_819 = arith.constant 1 : i32
      %get3A_820 = arith.index_cast %get3A_819 : i32 to index
      %get3A_821 = arith.constant 64 : index
      %get3A_822 = tpu.vector_load %arg6[%get3A_820, %get3A_821] {strides = array<i32>} : memref<2x96xi32, #tpu.memory_space<vmem>>, vector<16xi32>,
      %shift_right_logical3A_823 = arith.constant 4 : i32
      %shift_right_logical3A_824 = vector.broadcast %shift_right_logical3A_823 : i32 to vector<16xi32>
      %shift_right_logical3A_825 = arith.shrui %get3A_822, %shift_right_logical3A_824 : vector<16xi32>
      %and3A_826 = arith.constant 15 : i32
      %and3A_827 = vector.broadcast %and3A_826 : i32 to vector<16xi32>
      %and3A_828 = arith.andi %get3A_822, %and3A_827 : vector<16xi32>
      tpu.vector_store_idx %arg14[%shift_right_logical3A_825, %and3A_828], %broadcast_in_dim3A_3 {add = true} : memref<640x16xf32, #tpu.memory_space<vmem>>[vector<16xi32>, vector<16xi32>], vector<16xf32>,
      %get3A_829 = arith.constant 1 : i32
      %get3A_830 = arith.index_cast %get3A_829 : i32 to index
      %get3A_831 = arith.constant 80 : index
      %get3A_832 = tpu.vector_load %arg6[%get3A_830, %get3A_831] {strides = array<i32>} : memref<2x96xi32, #tpu.memory_space<vmem>>, vector<16xi32>,
      %shift_right_logical3A_833 = arith.constant 4 : i32
      %shift_right_logical3A_834 = vector.broadcast %shift_right_logical3A_833 : i32 to vector<16xi32>
      %shift_right_logical3A_835 = arith.shrui %get3A_832, %shift_right_logical3A_834 : vector<16xi32>
      %and3A_836 = arith.constant 15 : i32
      %and3A_837 = vector.broadcast %and3A_836 : i32 to vector<16xi32>
      %and3A_838 = arith.andi %get3A_832, %and3A_837 : vector<16xi32>
      tpu.vector_store_idx %arg14[%shift_right_logical3A_835, %and3A_838], %broadcast_in_dim3A_3 {add = true} : memref<640x16xf32, #tpu.memory_space<vmem>>[vector<16xi32>, vector<16xi32>], vector<16xf32>,
      %ge3A = arith.constant 1 : i32
      %ge3A_839 = arith.cmpi sge, %add3A_767, %ge3A : i32
      %convert_element_type3A_840 = arith.extui %ge3A_839 : i1 to i32
      %cond3A_841 = arith.constant 0 : i32
      %cond3A_842 = arith.cmpi ne, %convert_element_type3A_840, %cond3A_841 : i32
      scf.if %cond3A_842 {
        %dma_wait3A_1047 = arith.constant 1 : i32
        %dma_wait3A_1048 = arith.constant 0 : i32
        %dma_wait3A_1049 = tpu.memref_slice %arg8[%dma_wait3A_1047, %dma_wait3A_1048] : memref<2x96xi32, #tpu.memory_space<vmem>> -> memref<1x96xi32, #tpu.memory_space<vmem>>
        %dma_wait3A_1050 = tpu.memref_squeeze %dma_wait3A_1049 : memref<1x96xi32, #tpu.memory_space<vmem>> -> memref<96xi32, #tpu.memory_space<vmem>>
        %dma_wait3A_1051 = arith.constant 0 : i32
        %dma_wait3A_1052 = arith.constant 0 : i32
        %dma_wait3A_1053 = tpu.memref_slice %arg16[%dma_wait3A_1051, %dma_wait3A_1052] : memref<10240x128xf32, #tpu.memory_space<vmem_shared>> -> memref<10240x128xf32, #tpu.memory_space<vmem_shared>>
        tpu.wait_indirect_dma semaphore(%arg26 : memref<!tpu.dma_semaphore, #tpu.memory_space<semaphore_mem>>) src(%arg11 : memref<96x128xf32, #tpu.memory_space<vmem>>) dst(%dma_wait3A_1053 : memref<10240x128xf32, #tpu.memory_space<vmem_shared>>)
      } else {
      }
      %add3A_843 = arith.constant 2 : i32
      %add3A_844 = arith.addi %add3A_767, %add3A_843 : i32
      %lt3A_845 = arith.constant 104 : i32
      %lt3A_846 = arith.cmpi slt, %add3A_844, %lt3A_845 : i32
      %convert_element_type3A_847 = arith.extui %lt3A_846 : i1 to i32
      %cond3A_848 = arith.constant 0 : i32
      %cond3A_849 = arith.cmpi ne, %convert_element_type3A_847, %cond3A_848 : i32
      scf.if %cond3A_849 {
        %add3A_1047 = arith.constant 2 : i32
        %add3A_1048 = arith.addi %add3A_767, %add3A_1047 : i32
        %mul3A_1049 = arith.constant 96 : i32
        %mul3A_1050 = arith.muli %add3A_1048, %mul3A_1049 : i32
        %add3A_1051 = arith.addi %mul3A_2, %mul3A_1050 : i32
        %dma_start3A_1052 = arith.constant 0 : i32
        %dma_start3A_1053 = tpu.memref_slice %arg3[%dma_start3A_1052, %add3A_1051] : memref<2x320000xi32, #tpu.memory_space<hbm>> -> memref<2x96xi32, #tpu.memory_space<hbm>>
        %dma_start3A_1054 = arith.constant 0 : i32
        %dma_start3A_1055 = tpu.memref_slice %arg3[%dma_start3A_1054, %add3A_1051] : memref<2x320000xi32, #tpu.memory_space<hbm>> -> memref<2x96xi32, #tpu.memory_space<hbm>>
        tpu.enqueue_dma source(%dma_start3A_1055 : memref<2x96xi32, #tpu.memory_space<hbm>>) target(%arg8 : memref<2x96xi32, #tpu.memory_space<vmem>>) target_semaphore(%arg20 : memref<!tpu.dma_semaphore, #tpu.memory_space<semaphore_mem>>)
      } else {
      }
      %dma_start3A_850 = arith.constant 1 : i32
      %dma_start3A_851 = arith.constant 0 : i32
      %dma_start3A_852 = tpu.memref_slice %arg6[%dma_start3A_850, %dma_start3A_851] : memref<2x96xi32, #tpu.memory_space<vmem>> -> memref<1x96xi32, #tpu.memory_space<vmem>>
      %dma_start3A_853 = tpu.memref_squeeze %dma_start3A_852 : memref<1x96xi32, #tpu.memory_space<vmem>> -> memref<96xi32, #tpu.memory_space<vmem>>
      %dma_start3A_854 = arith.constant 0 : i32
      %dma_start3A_855 = arith.constant 0 : i32
      %dma_start3A_856 = tpu.memref_slice %arg16[%dma_start3A_854, %dma_start3A_855] : memref<10240x128xf32, #tpu.memory_space<vmem_shared>> -> memref<10240x128xf32, #tpu.memory_space<vmem_shared>>
      tpu.enqueue_indirect_dma source(%arg9 : memref<96x128xf32, #tpu.memory_space<vmem>>) target(%dma_start3A_856 : memref<10240x128xf32, #tpu.memory_space<vmem_shared>>) offsets(%dma_start3A_853 : memref<96xi32, #tpu.memory_space<vmem>>) semaphore(%arg24 : memref<!tpu.dma_semaphore, #tpu.memory_space<semaphore_mem>>) {add = true}
      %add3A_857 = arith.constant 1 : i32
      %add3A_858 = arith.addi %mul3A_765, %add3A_857 : i32
      %add3A_859 = arith.constant 1 : i32
      %add3A_860 = arith.addi %add3A_858, %add3A_859 : i32
      %lt3A_861 = arith.constant 104 : i32
      %lt3A_862 = arith.cmpi slt, %add3A_860, %lt3A_861 : i32
      %convert_element_type3A_863 = arith.extui %lt3A_862 : i1 to i32
      %cond3A_864 = arith.constant 0 : i32
      %cond3A_865 = arith.cmpi ne, %convert_element_type3A_863, %cond3A_864 : i32
      scf.if %cond3A_865 {
        %add3A_1047 = arith.constant 1 : i32
        %add3A_1048 = arith.addi %add3A_858, %add3A_1047 : i32
        %mul3A_1049 = arith.constant 96 : i32
        %mul3A_1050 = arith.muli %add3A_1048, %mul3A_1049 : i32
        %add3A_1051 = arith.addi %mul3A_2, %mul3A_1050 : i32
        %dma_wait3A_1052 = arith.constant 0 : i32
        %dma_wait3A_1053 = tpu.memref_slice %arg3[%dma_wait3A_1052, %add3A_1051] : memref<2x320000xi32, #tpu.memory_space<hbm>> -> memref<2x96xi32, #tpu.memory_space<hbm>>
        %dma_wait3A_1054 = arith.constant 0 : i32
        %dma_wait3A_1055 = tpu.memref_slice %arg3[%dma_wait3A_1054, %add3A_1051] : memref<2x320000xi32, #tpu.memory_space<hbm>> -> memref<2x96xi32, #tpu.memory_space<hbm>>
        tpu.wait_dma2 semaphore(%arg20 : memref<!tpu.dma_semaphore, #tpu.memory_space<semaphore_mem>>) src(%dma_wait3A_1055 : memref<2x96xi32, #tpu.memory_space<hbm>>) dst(%arg8 : memref<2x96xi32, #tpu.memory_space<vmem>>)
        %dma_start3A_1056 = arith.constant 0 : i32
        %dma_start3A_1057 = arith.constant 0 : i32
        %dma_start3A_1058 = tpu.memref_slice %arg8[%dma_start3A_1056, %dma_start3A_1057] : memref<2x96xi32, #tpu.memory_space<vmem>> -> memref<1x96xi32, #tpu.memory_space<vmem>>
        %dma_start3A_1059 = tpu.memref_squeeze %dma_start3A_1058 : memref<1x96xi32, #tpu.memory_space<vmem>> -> memref<96xi32, #tpu.memory_space<vmem>>
        %dma_start3A_1060 = arith.constant 0 : i32
        %dma_start3A_1061 = arith.constant 0 : i32
        %dma_start3A_1062 = tpu.memref_slice %arg2[%dma_start3A_1060, %dma_start3A_1061] : memref<10000x128xf32, #tpu.memory_space<hbm>> -> memref<10000x128xf32, #tpu.memory_space<hbm>>
        tpu.enqueue_indirect_dma source(%dma_start3A_1062 : memref<10000x128xf32, #tpu.memory_space<hbm>>) target(%arg11 : memref<96x128xf32, #tpu.memory_space<vmem>>) offsets(%dma_start3A_1059 : memref<96xi32, #tpu.memory_space<vmem>>) semaphore(%arg23 : memref<!tpu.dma_semaphore, #tpu.memory_space<semaphore_mem>>)
      } else {
      }
      %dma_wait3A_866 = arith.constant 0 : i32
      %dma_wait3A_867 = arith.constant 0 : i32
      %dma_wait3A_868 = tpu.memref_slice %arg7[%dma_wait3A_866, %dma_wait3A_867] : memref<2x96xi32, #tpu.memory_space<vmem>> -> memref<1x96xi32, #tpu.memory_space<vmem>>
      %dma_wait3A_869 = tpu.memref_squeeze %dma_wait3A_868 : memref<1x96xi32, #tpu.memory_space<vmem>> -> memref<96xi32, #tpu.memory_space<vmem>>
      %dma_wait3A_870 = arith.constant 0 : i32
      %dma_wait3A_871 = arith.constant 0 : i32
      %dma_wait3A_872 = tpu.memref_slice %arg2[%dma_wait3A_870, %dma_wait3A_871] : memref<10000x128xf32, #tpu.memory_space<hbm>> -> memref<10000x128xf32, #tpu.memory_space<hbm>>
      tpu.wait_indirect_dma semaphore(%arg22 : memref<!tpu.dma_semaphore, #tpu.memory_space<semaphore_mem>>) src(%dma_wait3A_872 : memref<10000x128xf32, #tpu.memory_space<hbm>>) dst(%arg10 : memref<96x128xf32, #tpu.memory_space<vmem>>)
      %get3A_873 = arith.constant 1 : i32
      %get3A_874 = arith.index_cast %get3A_873 : i32 to index
      %get3A_875 = arith.constant 0 : index
      %get3A_876 = tpu.vector_load %arg7[%get3A_874, %get3A_875] {strides = array<i32>} : memref<2x96xi32, #tpu.memory_space<vmem>>, vector<16xi32>,
      %shift_right_logical3A_877 = arith.constant 4 : i32
      %shift_right_logical3A_878 = vector.broadcast %shift_right_logical3A_877 : i32 to vector<16xi32>
      %shift_right_logical3A_879 = arith.shrui %get3A_876, %shift_right_logical3A_878 : vector<16xi32>
      %and3A_880 = arith.constant 15 : i32
      %and3A_881 = vector.broadcast %and3A_880 : i32 to vector<16xi32>
      %and3A_882 = arith.andi %get3A_876, %and3A_881 : vector<16xi32>
      tpu.vector_store_idx %arg14[%shift_right_logical3A_879, %and3A_882], %broadcast_in_dim3A_3 {add = true} : memref<640x16xf32, #tpu.memory_space<vmem>>[vector<16xi32>, vector<16xi32>], vector<16xf32>,
      %get3A_883 = arith.constant 1 : i32
      %get3A_884 = arith.index_cast %get3A_883 : i32 to index
      %get3A_885 = arith.constant 16 : index
      %get3A_886 = tpu.vector_load %arg7[%get3A_884, %get3A_885] {strides = array<i32>} : memref<2x96xi32, #tpu.memory_space<vmem>>, vector<16xi32>,
      %shift_right_logical3A_887 = arith.constant 4 : i32
      %shift_right_logical3A_888 = vector.broadcast %shift_right_logical3A_887 : i32 to vector<16xi32>
      %shift_right_logical3A_889 = arith.shrui %get3A_886, %shift_right_logical3A_888 : vector<16xi32>
      %and3A_890 = arith.constant 15 : i32
      %and3A_891 = vector.broadcast %and3A_890 : i32 to vector<16xi32>
      %and3A_892 = arith.andi %get3A_886, %and3A_891 : vector<16xi32>
      tpu.vector_store_idx %arg14[%shift_right_logical3A_889, %and3A_892], %broadcast_in_dim3A_3 {add = true} : memref<640x16xf32, #tpu.memory_space<vmem>>[vector<16xi32>, vector<16xi32>], vector<16xf32>,
      %get3A_893 = arith.constant 1 : i32
      %get3A_894 = arith.index_cast %get3A_893 : i32 to index
      %get3A_895 = arith.constant 32 : index
      %get3A_896 = tpu.vector_load %arg7[%get3A_894, %get3A_895] {strides = array<i32>} : memref<2x96xi32, #tpu.memory_space<vmem>>, vector<16xi32>,
      %shift_right_logical3A_897 = arith.constant 4 : i32
      %shift_right_logical3A_898 = vector.broadcast %shift_right_logical3A_897 : i32 to vector<16xi32>
      %shift_right_logical3A_899 = arith.shrui %get3A_896, %shift_right_logical3A_898 : vector<16xi32>
      %and3A_900 = arith.constant 15 : i32
      %and3A_901 = vector.broadcast %and3A_900 : i32 to vector<16xi32>
      %and3A_902 = arith.andi %get3A_896, %and3A_901 : vector<16xi32>
      tpu.vector_store_idx %arg14[%shift_right_logical3A_899, %and3A_902], %broadcast_in_dim3A_3 {add = true} : memref<640x16xf32, #tpu.memory_space<vmem>>[vector<16xi32>, vector<16xi32>], vector<16xf32>,
      %get3A_903 = arith.constant 1 : i32
      %get3A_904 = arith.index_cast %get3A_903 : i32 to index
      %get3A_905 = arith.constant 48 : index
      %get3A_906 = tpu.vector_load %arg7[%get3A_904, %get3A_905] {strides = array<i32>} : memref<2x96xi32, #tpu.memory_space<vmem>>, vector<16xi32>,
      %shift_right_logical3A_907 = arith.constant 4 : i32
      %shift_right_logical3A_908 = vector.broadcast %shift_right_logical3A_907 : i32 to vector<16xi32>
      %shift_right_logical3A_909 = arith.shrui %get3A_906, %shift_right_logical3A_908 : vector<16xi32>
      %and3A_910 = arith.constant 15 : i32
      %and3A_911 = vector.broadcast %and3A_910 : i32 to vector<16xi32>
      %and3A_912 = arith.andi %get3A_906, %and3A_911 : vector<16xi32>
      tpu.vector_store_idx %arg14[%shift_right_logical3A_909, %and3A_912], %broadcast_in_dim3A_3 {add = true} : memref<640x16xf32, #tpu.memory_space<vmem>>[vector<16xi32>, vector<16xi32>], vector<16xf32>,
      %get3A_913 = arith.constant 1 : i32
      %get3A_914 = arith.index_cast %get3A_913 : i32 to index
      %get3A_915 = arith.constant 64 : index
      %get3A_916 = tpu.vector_load %arg7[%get3A_914, %get3A_915] {strides = array<i32>} : memref<2x96xi32, #tpu.memory_space<vmem>>, vector<16xi32>,
      %shift_right_logical3A_917 = arith.constant 4 : i32
      %shift_right_logical3A_918 = vector.broadcast %shift_right_logical3A_917 : i32 to vector<16xi32>
      %shift_right_logical3A_919 = arith.shrui %get3A_916, %shift_right_logical3A_918 : vector<16xi32>
      %and3A_920 = arith.constant 15 : i32
      %and3A_921 = vector.broadcast %and3A_920 : i32 to vector<16xi32>
      %and3A_922 = arith.andi %get3A_916, %and3A_921 : vector<16xi32>
      tpu.vector_store_idx %arg14[%shift_right_logical3A_919, %and3A_922], %broadcast_in_dim3A_3 {add = true} : memref<640x16xf32, #tpu.memory_space<vmem>>[vector<16xi32>, vector<16xi32>], vector<16xf32>,
      %get3A_923 = arith.constant 1 : i32
      %get3A_924 = arith.index_cast %get3A_923 : i32 to index
      %get3A_925 = arith.constant 80 : index
      %get3A_926 = tpu.vector_load %arg7[%get3A_924, %get3A_925] {strides = array<i32>} : memref<2x96xi32, #tpu.memory_space<vmem>>, vector<16xi32>,
      %shift_right_logical3A_927 = arith.constant 4 : i32
      %shift_right_logical3A_928 = vector.broadcast %shift_right_logical3A_927 : i32 to vector<16xi32>
      %shift_right_logical3A_929 = arith.shrui %get3A_926, %shift_right_logical3A_928 : vector<16xi32>
      %and3A_930 = arith.constant 15 : i32
      %and3A_931 = vector.broadcast %and3A_930 : i32 to vector<16xi32>
      %and3A_932 = arith.andi %get3A_926, %and3A_931 : vector<16xi32>
      tpu.vector_store_idx %arg14[%shift_right_logical3A_929, %and3A_932], %broadcast_in_dim3A_3 {add = true} : memref<640x16xf32, #tpu.memory_space<vmem>>[vector<16xi32>, vector<16xi32>], vector<16xf32>,
      %ge3A_933 = arith.constant 1 : i32
      %ge3A_934 = arith.cmpi sge, %add3A_858, %ge3A_933 : i32
      %convert_element_type3A_935 = arith.extui %ge3A_934 : i1 to i32
      %cond3A_936 = arith.constant 0 : i32
      %cond3A_937 = arith.cmpi ne, %convert_element_type3A_935, %cond3A_936 : i32
      scf.if %cond3A_937 {
        %dma_wait3A_1047 = arith.constant 1 : i32
        %dma_wait3A_1048 = arith.constant 0 : i32
        %dma_wait3A_1049 = tpu.memref_slice %arg6[%dma_wait3A_1047, %dma_wait3A_1048] : memref<2x96xi32, #tpu.memory_space<vmem>> -> memref<1x96xi32, #tpu.memory_space<vmem>>
        %dma_wait3A_1050 = tpu.memref_squeeze %dma_wait3A_1049 : memref<1x96xi32, #tpu.memory_space<vmem>> -> memref<96xi32, #tpu.memory_space<vmem>>
        %dma_wait3A_1051 = arith.constant 0 : i32
        %dma_wait3A_1052 = arith.constant 0 : i32
        %dma_wait3A_1053 = tpu.memref_slice %arg16[%dma_wait3A_1051, %dma_wait3A_1052] : memref<10240x128xf32, #tpu.memory_space<vmem_shared>> -> memref<10240x128xf32, #tpu.memory_space<vmem_shared>>
        tpu.wait_indirect_dma semaphore(%arg24 : memref<!tpu.dma_semaphore, #tpu.memory_space<semaphore_mem>>) src(%arg9 : memref<96x128xf32, #tpu.memory_space<vmem>>) dst(%dma_wait3A_1053 : memref<10240x128xf32, #tpu.memory_space<vmem_shared>>)
      } else {
      }
      %add3A_938 = arith.constant 2 : i32
      %add3A_939 = arith.addi %add3A_858, %add3A_938 : i32
      %lt3A_940 = arith.constant 104 : i32
      %lt3A_941 = arith.cmpi slt, %add3A_939, %lt3A_940 : i32
      %convert_element_type3A_942 = arith.extui %lt3A_941 : i1 to i32
      %cond3A_943 = arith.constant 0 : i32
      %cond3A_944 = arith.cmpi ne, %convert_element_type3A_942, %cond3A_943 : i32
      scf.if %cond3A_944 {
        %add3A_1047 = arith.constant 2 : i32
        %add3A_1048 = arith.addi %add3A_858, %add3A_1047 : i32
        %mul3A_1049 = arith.constant 96 : i32
        %mul3A_1050 = arith.muli %add3A_1048, %mul3A_1049 : i32
        %add3A_1051 = arith.addi %mul3A_2, %mul3A_1050 : i32
        %dma_start3A_1052 = arith.constant 0 : i32
        %dma_start3A_1053 = tpu.memref_slice %arg3[%dma_start3A_1052, %add3A_1051] : memref<2x320000xi32, #tpu.memory_space<hbm>> -> memref<2x96xi32, #tpu.memory_space<hbm>>
        %dma_start3A_1054 = arith.constant 0 : i32
        %dma_start3A_1055 = tpu.memref_slice %arg3[%dma_start3A_1054, %add3A_1051] : memref<2x320000xi32, #tpu.memory_space<hbm>> -> memref<2x96xi32, #tpu.memory_space<hbm>>
        tpu.enqueue_dma source(%dma_start3A_1055 : memref<2x96xi32, #tpu.memory_space<hbm>>) target(%arg6 : memref<2x96xi32, #tpu.memory_space<vmem>>) target_semaphore(%arg18 : memref<!tpu.dma_semaphore, #tpu.memory_space<semaphore_mem>>)
      } else {
      }
      %dma_start3A_945 = arith.constant 1 : i32
      %dma_start3A_946 = arith.constant 0 : i32
      %dma_start3A_947 = tpu.memref_slice %arg7[%dma_start3A_945, %dma_start3A_946] : memref<2x96xi32, #tpu.memory_space<vmem>> -> memref<1x96xi32, #tpu.memory_space<vmem>>
      %dma_start3A_948 = tpu.memref_squeeze %dma_start3A_947 : memref<1x96xi32, #tpu.memory_space<vmem>> -> memref<96xi32, #tpu.memory_space<vmem>>
      %dma_start3A_949 = arith.constant 0 : i32
      %dma_start3A_950 = arith.constant 0 : i32
      %dma_start3A_951 = tpu.memref_slice %arg16[%dma_start3A_949, %dma_start3A_950] : memref<10240x128xf32, #tpu.memory_space<vmem_shared>> -> memref<10240x128xf32, #tpu.memory_space<vmem_shared>>
      tpu.enqueue_indirect_dma source(%arg10 : memref<96x128xf32, #tpu.memory_space<vmem>>) target(%dma_start3A_951 : memref<10240x128xf32, #tpu.memory_space<vmem_shared>>) offsets(%dma_start3A_948 : memref<96xi32, #tpu.memory_space<vmem>>) semaphore(%arg25 : memref<!tpu.dma_semaphore, #tpu.memory_space<semaphore_mem>>) {add = true}
      %add3A_952 = arith.constant 2 : i32
      %add3A_953 = arith.addi %mul3A_765, %add3A_952 : i32
      %add3A_954 = arith.constant 1 : i32
      %add3A_955 = arith.addi %add3A_953, %add3A_954 : i32
      %lt3A_956 = arith.constant 104 : i32
      %lt3A_957 = arith.cmpi slt, %add3A_955, %lt3A_956 : i32
      %convert_element_type3A_958 = arith.extui %lt3A_957 : i1 to i32
      %cond3A_959 = arith.constant 0 : i32
      %cond3A_960 = arith.cmpi ne, %convert_element_type3A_958, %cond3A_959 : i32
      scf.if %cond3A_960 {
        %add3A_1047 = arith.constant 1 : i32
        %add3A_1048 = arith.addi %add3A_953, %add3A_1047 : i32
        %mul3A_1049 = arith.constant 96 : i32
        %mul3A_1050 = arith.muli %add3A_1048, %mul3A_1049 : i32
        %add3A_1051 = arith.addi %mul3A_2, %mul3A_1050 : i32
        %dma_wait3A_1052 = arith.constant 0 : i32
        %dma_wait3A_1053 = tpu.memref_slice %arg3[%dma_wait3A_1052, %add3A_1051] : memref<2x320000xi32, #tpu.memory_space<hbm>> -> memref<2x96xi32, #tpu.memory_space<hbm>>
        %dma_wait3A_1054 = arith.constant 0 : i32
        %dma_wait3A_1055 = tpu.memref_slice %arg3[%dma_wait3A_1054, %add3A_1051] : memref<2x320000xi32, #tpu.memory_space<hbm>> -> memref<2x96xi32, #tpu.memory_space<hbm>>
        tpu.wait_dma2 semaphore(%arg18 : memref<!tpu.dma_semaphore, #tpu.memory_space<semaphore_mem>>) src(%dma_wait3A_1055 : memref<2x96xi32, #tpu.memory_space<hbm>>) dst(%arg6 : memref<2x96xi32, #tpu.memory_space<vmem>>)
        %dma_start3A_1056 = arith.constant 0 : i32
        %dma_start3A_1057 = arith.constant 0 : i32
        %dma_start3A_1058 = tpu.memref_slice %arg6[%dma_start3A_1056, %dma_start3A_1057] : memref<2x96xi32, #tpu.memory_space<vmem>> -> memref<1x96xi32, #tpu.memory_space<vmem>>
        %dma_start3A_1059 = tpu.memref_squeeze %dma_start3A_1058 : memref<1x96xi32, #tpu.memory_space<vmem>> -> memref<96xi32, #tpu.memory_space<vmem>>
        %dma_start3A_1060 = arith.constant 0 : i32
        %dma_start3A_1061 = arith.constant 0 : i32
        %dma_start3A_1062 = tpu.memref_slice %arg2[%dma_start3A_1060, %dma_start3A_1061] : memref<10000x128xf32, #tpu.memory_space<hbm>> -> memref<10000x128xf32, #tpu.memory_space<hbm>>
        tpu.enqueue_indirect_dma source(%dma_start3A_1062 : memref<10000x128xf32, #tpu.memory_space<hbm>>) target(%arg9 : memref<96x128xf32, #tpu.memory_space<vmem>>) offsets(%dma_start3A_1059 : memref<96xi32, #tpu.memory_space<vmem>>) semaphore(%arg21 : memref<!tpu.dma_semaphore, #tpu.memory_space<semaphore_mem>>)
      } else {
      }
      %dma_wait3A_961 = arith.constant 0 : i32
      %dma_wait3A_962 = arith.constant 0 : i32
      %dma_wait3A_963 = tpu.memref_slice %arg8[%dma_wait3A_961, %dma_wait3A_962] : memref<2x96xi32, #tpu.memory_space<vmem>> -> memref<1x96xi32, #tpu.memory_space<vmem>>
      %dma_wait3A_964 = tpu.memref_squeeze %dma_wait3A_963 : memref<1x96xi32, #tpu.memory_space<vmem>> -> memref<96xi32, #tpu.memory_space<vmem>>
      %dma_wait3A_965 = arith.constant 0 : i32
      %dma_wait3A_966 = arith.constant 0 : i32
      %dma_wait3A_967 = tpu.memref_slice %arg2[%dma_wait3A_965, %dma_wait3A_966] : memref<10000x128xf32, #tpu.memory_space<hbm>> -> memref<10000x128xf32, #tpu.memory_space<hbm>>
      tpu.wait_indirect_dma semaphore(%arg23 : memref<!tpu.dma_semaphore, #tpu.memory_space<semaphore_mem>>) src(%dma_wait3A_967 : memref<10000x128xf32, #tpu.memory_space<hbm>>) dst(%arg11 : memref<96x128xf32, #tpu.memory_space<vmem>>)
      %get3A_968 = arith.constant 1 : i32
      %get3A_969 = arith.index_cast %get3A_968 : i32 to index
      %get3A_970 = arith.constant 0 : index
      %get3A_971 = tpu.vector_load %arg8[%get3A_969, %get3A_970] {strides = array<i32>} : memref<2x96xi32, #tpu.memory_space<vmem>>, vector<16xi32>,
      %shift_right_logical3A_972 = arith.constant 4 : i32
      %shift_right_logical3A_973 = vector.broadcast %shift_right_logical3A_972 : i32 to vector<16xi32>
      %shift_right_logical3A_974 = arith.shrui %get3A_971, %shift_right_logical3A_973 : vector<16xi32>
      %and3A_975 = arith.constant 15 : i32
      %and3A_976 = vector.broadcast %and3A_975 : i32 to vector<16xi32>
      %and3A_977 = arith.andi %get3A_971, %and3A_976 : vector<16xi32>
      tpu.vector_store_idx %arg14[%shift_right_logical3A_974, %and3A_977], %broadcast_in_dim3A_3 {add = true} : memref<640x16xf32, #tpu.memory_space<vmem>>[vector<16xi32>, vector<16xi32>], vector<16xf32>,
      %get3A_978 = arith.constant 1 : i32
      %get3A_979 = arith.index_cast %get3A_978 : i32 to index
      %get3A_980 = arith.constant 16 : index
      %get3A_981 = tpu.vector_load %arg8[%get3A_979, %get3A_980] {strides = array<i32>} : memref<2x96xi32, #tpu.memory_space<vmem>>, vector<16xi32>,
      %shift_right_logical3A_982 = arith.constant 4 : i32
      %shift_right_logical3A_983 = vector.broadcast %shift_right_logical3A_982 : i32 to vector<16xi32>
      %shift_right_logical3A_984 = arith.shrui %get3A_981, %shift_right_logical3A_983 : vector<16xi32>
      %and3A_985 = arith.constant 15 : i32
      %and3A_986 = vector.broadcast %and3A_985 : i32 to vector<16xi32>
      %and3A_987 = arith.andi %get3A_981, %and3A_986 : vector<16xi32>
      tpu.vector_store_idx %arg14[%shift_right_logical3A_984, %and3A_987], %broadcast_in_dim3A_3 {add = true} : memref<640x16xf32, #tpu.memory_space<vmem>>[vector<16xi32>, vector<16xi32>], vector<16xf32>,
      %get3A_988 = arith.constant 1 : i32
      %get3A_989 = arith.index_cast %get3A_988 : i32 to index
      %get3A_990 = arith.constant 32 : index
      %get3A_991 = tpu.vector_load %arg8[%get3A_989, %get3A_990] {strides = array<i32>} : memref<2x96xi32, #tpu.memory_space<vmem>>, vector<16xi32>,
      %shift_right_logical3A_992 = arith.constant 4 : i32
      %shift_right_logical3A_993 = vector.broadcast %shift_right_logical3A_992 : i32 to vector<16xi32>
      %shift_right_logical3A_994 = arith.shrui %get3A_991, %shift_right_logical3A_993 : vector<16xi32>
      %and3A_995 = arith.constant 15 : i32
      %and3A_996 = vector.broadcast %and3A_995 : i32 to vector<16xi32>
      %and3A_997 = arith.andi %get3A_991, %and3A_996 : vector<16xi32>
      tpu.vector_store_idx %arg14[%shift_right_logical3A_994, %and3A_997], %broadcast_in_dim3A_3 {add = true} : memref<640x16xf32, #tpu.memory_space<vmem>>[vector<16xi32>, vector<16xi32>], vector<16xf32>,
      %get3A_998 = arith.constant 1 : i32
      %get3A_999 = arith.index_cast %get3A_998 : i32 to index
      %get3A_1000 = arith.constant 48 : index
      %get3A_1001 = tpu.vector_load %arg8[%get3A_999, %get3A_1000] {strides = array<i32>} : memref<2x96xi32, #tpu.memory_space<vmem>>, vector<16xi32>,
      %shift_right_logical3A_1002 = arith.constant 4 : i32
      %shift_right_logical3A_1003 = vector.broadcast %shift_right_logical3A_1002 : i32 to vector<16xi32>
      %shift_right_logical3A_1004 = arith.shrui %get3A_1001, %shift_right_logical3A_1003 : vector<16xi32>
      %and3A_1005 = arith.constant 15 : i32
      %and3A_1006 = vector.broadcast %and3A_1005 : i32 to vector<16xi32>
      %and3A_1007 = arith.andi %get3A_1001, %and3A_1006 : vector<16xi32>
      tpu.vector_store_idx %arg14[%shift_right_logical3A_1004, %and3A_1007], %broadcast_in_dim3A_3 {add = true} : memref<640x16xf32, #tpu.memory_space<vmem>>[vector<16xi32>, vector<16xi32>], vector<16xf32>,
      %get3A_1008 = arith.constant 1 : i32
      %get3A_1009 = arith.index_cast %get3A_1008 : i32 to index
      %get3A_1010 = arith.constant 64 : index
      %get3A_1011 = tpu.vector_load %arg8[%get3A_1009, %get3A_1010] {strides = array<i32>} : memref<2x96xi32, #tpu.memory_space<vmem>>, vector<16xi32>,
      %shift_right_logical3A_1012 = arith.constant 4 : i32
      %shift_right_logical3A_1013 = vector.broadcast %shift_right_logical3A_1012 : i32 to vector<16xi32>
      %shift_right_logical3A_1014 = arith.shrui %get3A_1011, %shift_right_logical3A_1013 : vector<16xi32>
      %and3A_1015 = arith.constant 15 : i32
      %and3A_1016 = vector.broadcast %and3A_1015 : i32 to vector<16xi32>
      %and3A_1017 = arith.andi %get3A_1011, %and3A_1016 : vector<16xi32>
      tpu.vector_store_idx %arg14[%shift_right_logical3A_1014, %and3A_1017], %broadcast_in_dim3A_3 {add = true} : memref<640x16xf32, #tpu.memory_space<vmem>>[vector<16xi32>, vector<16xi32>], vector<16xf32>,
      %get3A_1018 = arith.constant 1 : i32
      %get3A_1019 = arith.index_cast %get3A_1018 : i32 to index
      %get3A_1020 = arith.constant 80 : index
      %get3A_1021 = tpu.vector_load %arg8[%get3A_1019, %get3A_1020] {strides = array<i32>} : memref<2x96xi32, #tpu.memory_space<vmem>>, vector<16xi32>,
      %shift_right_logical3A_1022 = arith.constant 4 : i32
      %shift_right_logical3A_1023 = vector.broadcast %shift_right_logical3A_1022 : i32 to vector<16xi32>
      %shift_right_logical3A_1024 = arith.shrui %get3A_1021, %shift_right_logical3A_1023 : vector<16xi32>
      %and3A_1025 = arith.constant 15 : i32
      %and3A_1026 = vector.broadcast %and3A_1025 : i32 to vector<16xi32>
      %and3A_1027 = arith.andi %get3A_1021, %and3A_1026 : vector<16xi32>
      tpu.vector_store_idx %arg14[%shift_right_logical3A_1024, %and3A_1027], %broadcast_in_dim3A_3 {add = true} : memref<640x16xf32, #tpu.memory_space<vmem>>[vector<16xi32>, vector<16xi32>], vector<16xf32>,
      %ge3A_1028 = arith.constant 1 : i32
      %ge3A_1029 = arith.cmpi sge, %add3A_953, %ge3A_1028 : i32
      %convert_element_type3A_1030 = arith.extui %ge3A_1029 : i1 to i32
      %cond3A_1031 = arith.constant 0 : i32
      %cond3A_1032 = arith.cmpi ne, %convert_element_type3A_1030, %cond3A_1031 : i32
      scf.if %cond3A_1032 {
        %dma_wait3A_1047 = arith.constant 1 : i32
        %dma_wait3A_1048 = arith.constant 0 : i32
        %dma_wait3A_1049 = tpu.memref_slice %arg7[%dma_wait3A_1047, %dma_wait3A_1048] : memref<2x96xi32, #tpu.memory_space<vmem>> -> memref<1x96xi32, #tpu.memory_space<vmem>>
        %dma_wait3A_1050 = tpu.memref_squeeze %dma_wait3A_1049 : memref<1x96xi32, #tpu.memory_space<vmem>> -> memref<96xi32, #tpu.memory_space<vmem>>
        %dma_wait3A_1051 = arith.constant 0 : i32
        %dma_wait3A_1052 = arith.constant 0 : i32
        %dma_wait3A_1053 = tpu.memref_slice %arg16[%dma_wait3A_1051, %dma_wait3A_1052] : memref<10240x128xf32, #tpu.memory_space<vmem_shared>> -> memref<10240x128xf32, #tpu.memory_space<vmem_shared>>
        tpu.wait_indirect_dma semaphore(%arg25 : memref<!tpu.dma_semaphore, #tpu.memory_space<semaphore_mem>>) src(%arg10 : memref<96x128xf32, #tpu.memory_space<vmem>>) dst(%dma_wait3A_1053 : memref<10240x128xf32, #tpu.memory_space<vmem_shared>>)
      } else {
      }
      %add3A_1033 = arith.constant 2 : i32
      %add3A_1034 = arith.addi %add3A_953, %add3A_1033 : i32
      %lt3A_1035 = arith.constant 104 : i32
      %lt3A_1036 = arith.cmpi slt, %add3A_1034, %lt3A_1035 : i32
      %convert_element_type3A_1037 = arith.extui %lt3A_1036 : i1 to i32
      %cond3A_1038 = arith.constant 0 : i32
      %cond3A_1039 = arith.cmpi ne, %convert_element_type3A_1037, %cond3A_1038 : i32
      scf.if %cond3A_1039 {
        %add3A_1047 = arith.constant 2 : i32
        %add3A_1048 = arith.addi %add3A_953, %add3A_1047 : i32
        %mul3A_1049 = arith.constant 96 : i32
        %mul3A_1050 = arith.muli %add3A_1048, %mul3A_1049 : i32
        %add3A_1051 = arith.addi %mul3A_2, %mul3A_1050 : i32
        %dma_start3A_1052 = arith.constant 0 : i32
        %dma_start3A_1053 = tpu.memref_slice %arg3[%dma_start3A_1052, %add3A_1051] : memref<2x320000xi32, #tpu.memory_space<hbm>> -> memref<2x96xi32, #tpu.memory_space<hbm>>
        %dma_start3A_1054 = arith.constant 0 : i32
        %dma_start3A_1055 = tpu.memref_slice %arg3[%dma_start3A_1054, %add3A_1051] : memref<2x320000xi32, #tpu.memory_space<hbm>> -> memref<2x96xi32, #tpu.memory_space<hbm>>
        tpu.enqueue_dma source(%dma_start3A_1055 : memref<2x96xi32, #tpu.memory_space<hbm>>) target(%arg7 : memref<2x96xi32, #tpu.memory_space<vmem>>) target_semaphore(%arg19 : memref<!tpu.dma_semaphore, #tpu.memory_space<semaphore_mem>>)
      } else {
      }
      %dma_start3A_1040 = arith.constant 1 : i32
      %dma_start3A_1041 = arith.constant 0 : i32
      %dma_start3A_1042 = tpu.memref_slice %arg8[%dma_start3A_1040, %dma_start3A_1041] : memref<2x96xi32, #tpu.memory_space<vmem>> -> memref<1x96xi32, #tpu.memory_space<vmem>>
      %dma_start3A_1043 = tpu.memref_squeeze %dma_start3A_1042 : memref<1x96xi32, #tpu.memory_space<vmem>> -> memref<96xi32, #tpu.memory_space<vmem>>
      %dma_start3A_1044 = arith.constant 0 : i32
      %dma_start3A_1045 = arith.constant 0 : i32
      %dma_start3A_1046 = tpu.memref_slice %arg16[%dma_start3A_1044, %dma_start3A_1045] : memref<10240x128xf32, #tpu.memory_space<vmem_shared>> -> memref<10240x128xf32, #tpu.memory_space<vmem_shared>>
      tpu.enqueue_indirect_dma source(%arg11 : memref<96x128xf32, #tpu.memory_space<vmem>>) target(%dma_start3A_1046 : memref<10240x128xf32, #tpu.memory_space<vmem_shared>>) offsets(%dma_start3A_1043 : memref<96xi32, #tpu.memory_space<vmem>>) semaphore(%arg26 : memref<!tpu.dma_semaphore, #tpu.memory_space<semaphore_mem>>) {add = true}
    }
    %scan3A_291 = arith.constant 34 : i32
    %add3A_292 = arith.constant 9888 : i32
    %add3A_293 = arith.addi %mul3A_2, %add3A_292 : i32
    %dma_wait3A_294 = arith.constant 0 : i32
    %dma_wait3A_295 = tpu.memref_slice %arg3[%dma_wait3A_294, %add3A_293] : memref<2x320000xi32, #tpu.memory_space<hbm>> -> memref<2x96xi32, #tpu.memory_space<hbm>>
    %dma_wait3A_296 = arith.constant 0 : i32
    %dma_wait3A_297 = tpu.memref_slice %arg3[%dma_wait3A_296, %add3A_293] : memref<2x320000xi32, #tpu.memory_space<hbm>> -> memref<2x96xi32, #tpu.memory_space<hbm>>
    tpu.wait_dma2 semaphore(%arg19 : memref<!tpu.dma_semaphore, #tpu.memory_space<semaphore_mem>>) src(%dma_wait3A_297 : memref<2x96xi32, #tpu.memory_space<hbm>>) dst(%arg7 : memref<2x96xi32, #tpu.memory_space<vmem>>)
    %dma_start3A_298 = arith.constant 0 : i32
    %dma_start3A_299 = arith.constant 0 : i32
    %dma_start3A_300 = tpu.memref_slice %arg7[%dma_start3A_298, %dma_start3A_299] : memref<2x96xi32, #tpu.memory_space<vmem>> -> memref<1x96xi32, #tpu.memory_space<vmem>>
    %dma_start3A_301 = tpu.memref_squeeze %dma_start3A_300 : memref<1x96xi32, #tpu.memory_space<vmem>> -> memref<96xi32, #tpu.memory_space<vmem>>
    %dma_start3A_302 = arith.constant 0 : i32
    %dma_start3A_303 = arith.constant 0 : i32
    %dma_start3A_304 = tpu.memref_slice %arg2[%dma_start3A_302, %dma_start3A_303] : memref<10000x128xf32, #tpu.memory_space<hbm>> -> memref<10000x128xf32, #tpu.memory_space<hbm>>
    tpu.enqueue_indirect_dma source(%dma_start3A_304 : memref<10000x128xf32, #tpu.memory_space<hbm>>) target(%arg10 : memref<96x128xf32, #tpu.memory_space<vmem>>) offsets(%dma_start3A_301 : memref<96xi32, #tpu.memory_space<vmem>>) semaphore(%arg22 : memref<!tpu.dma_semaphore, #tpu.memory_space<semaphore_mem>>)
    %dma_wait3A_305 = arith.constant 0 : i32
    %dma_wait3A_306 = arith.constant 0 : i32
    %dma_wait3A_307 = tpu.memref_slice %arg6[%dma_wait3A_305, %dma_wait3A_306] : memref<2x96xi32, #tpu.memory_space<vmem>> -> memref<1x96xi32, #tpu.memory_space<vmem>>
    %dma_wait3A_308 = tpu.memref_squeeze %dma_wait3A_307 : memref<1x96xi32, #tpu.memory_space<vmem>> -> memref<96xi32, #tpu.memory_space<vmem>>
    %dma_wait3A_309 = arith.constant 0 : i32
    %dma_wait3A_310 = arith.constant 0 : i32
    %dma_wait3A_311 = tpu.memref_slice %arg2[%dma_wait3A_309, %dma_wait3A_310] : memref<10000x128xf32, #tpu.memory_space<hbm>> -> memref<10000x128xf32, #tpu.memory_space<hbm>>
    tpu.wait_indirect_dma semaphore(%arg21 : memref<!tpu.dma_semaphore, #tpu.memory_space<semaphore_mem>>) src(%dma_wait3A_311 : memref<10000x128xf32, #tpu.memory_space<hbm>>) dst(%arg9 : memref<96x128xf32, #tpu.memory_space<vmem>>)
    %get3A = arith.constant 1 : i32
    %get3A_312 = arith.index_cast %get3A : i32 to index
    %get3A_313 = arith.constant 0 : index
    %get3A_314 = tpu.vector_load %arg6[%get3A_312, %get3A_313] {strides = array<i32>} : memref<2x96xi32, #tpu.memory_space<vmem>>, vector<16xi32>,
    %shift_right_logical3A = arith.constant 4 : i32
    %shift_right_logical3A_315 = vector.broadcast %shift_right_logical3A : i32 to vector<16xi32>
    %shift_right_logical3A_316 = arith.shrui %get3A_314, %shift_right_logical3A_315 : vector<16xi32>
    %and3A = arith.constant 15 : i32
    %and3A_317 = vector.broadcast %and3A : i32 to vector<16xi32>
    %and3A_318 = arith.andi %get3A_314, %and3A_317 : vector<16xi32>
    tpu.vector_store_idx %arg14[%shift_right_logical3A_316, %and3A_318], %broadcast_in_dim3A_3 {add = true} : memref<640x16xf32, #tpu.memory_space<vmem>>[vector<16xi32>, vector<16xi32>], vector<16xf32>,
    %get3A_319 = arith.constant 1 : i32
    %get3A_320 = arith.index_cast %get3A_319 : i32 to index
    %get3A_321 = arith.constant 16 : index
    %get3A_322 = tpu.vector_load %arg6[%get3A_320, %get3A_321] {strides = array<i32>} : memref<2x96xi32, #tpu.memory_space<vmem>>, vector<16xi32>,
    %shift_right_logical3A_323 = arith.constant 4 : i32
    %shift_right_logical3A_324 = vector.broadcast %shift_right_logical3A_323 : i32 to vector<16xi32>
    %shift_right_logical3A_325 = arith.shrui %get3A_322, %shift_right_logical3A_324 : vector<16xi32>
    %and3A_326 = arith.constant 15 : i32
    %and3A_327 = vector.broadcast %and3A_326 : i32 to vector<16xi32>
    %and3A_328 = arith.andi %get3A_322, %and3A_327 : vector<16xi32>
    tpu.vector_store_idx %arg14[%shift_right_logical3A_325, %and3A_328], %broadcast_in_dim3A_3 {add = true} : memref<640x16xf32, #tpu.memory_space<vmem>>[vector<16xi32>, vector<16xi32>], vector<16xf32>,
    %get3A_329 = arith.constant 1 : i32
    %get3A_330 = arith.index_cast %get3A_329 : i32 to index
    %get3A_331 = arith.constant 32 : index
    %get3A_332 = tpu.vector_load %arg6[%get3A_330, %get3A_331] {strides = array<i32>} : memref<2x96xi32, #tpu.memory_space<vmem>>, vector<16xi32>,
    %shift_right_logical3A_333 = arith.constant 4 : i32
    %shift_right_logical3A_334 = vector.broadcast %shift_right_logical3A_333 : i32 to vector<16xi32>
    %shift_right_logical3A_335 = arith.shrui %get3A_332, %shift_right_logical3A_334 : vector<16xi32>
    %and3A_336 = arith.constant 15 : i32
    %and3A_337 = vector.broadcast %and3A_336 : i32 to vector<16xi32>
    %and3A_338 = arith.andi %get3A_332, %and3A_337 : vector<16xi32>
    tpu.vector_store_idx %arg14[%shift_right_logical3A_335, %and3A_338], %broadcast_in_dim3A_3 {add = true} : memref<640x16xf32, #tpu.memory_space<vmem>>[vector<16xi32>, vector<16xi32>], vector<16xf32>,
    %get3A_339 = arith.constant 1 : i32
    %get3A_340 = arith.index_cast %get3A_339 : i32 to index
    %get3A_341 = arith.constant 48 : index
    %get3A_342 = tpu.vector_load %arg6[%get3A_340, %get3A_341] {strides = array<i32>} : memref<2x96xi32, #tpu.memory_space<vmem>>, vector<16xi32>,
    %shift_right_logical3A_343 = arith.constant 4 : i32
    %shift_right_logical3A_344 = vector.broadcast %shift_right_logical3A_343 : i32 to vector<16xi32>
    %shift_right_logical3A_345 = arith.shrui %get3A_342, %shift_right_logical3A_344 : vector<16xi32>
    %and3A_346 = arith.constant 15 : i32
    %and3A_347 = vector.broadcast %and3A_346 : i32 to vector<16xi32>
    %and3A_348 = arith.andi %get3A_342, %and3A_347 : vector<16xi32>
    tpu.vector_store_idx %arg14[%shift_right_logical3A_345, %and3A_348], %broadcast_in_dim3A_3 {add = true} : memref<640x16xf32, #tpu.memory_space<vmem>>[vector<16xi32>, vector<16xi32>], vector<16xf32>,
    %get3A_349 = arith.constant 1 : i32
    %get3A_350 = arith.index_cast %get3A_349 : i32 to index
    %get3A_351 = arith.constant 64 : index
    %get3A_352 = tpu.vector_load %arg6[%get3A_350, %get3A_351] {strides = array<i32>} : memref<2x96xi32, #tpu.memory_space<vmem>>, vector<16xi32>,
    %shift_right_logical3A_353 = arith.constant 4 : i32
    %shift_right_logical3A_354 = vector.broadcast %shift_right_logical3A_353 : i32 to vector<16xi32>
    %shift_right_logical3A_355 = arith.shrui %get3A_352, %shift_right_logical3A_354 : vector<16xi32>
    %and3A_356 = arith.constant 15 : i32
    %and3A_357 = vector.broadcast %and3A_356 : i32 to vector<16xi32>
    %and3A_358 = arith.andi %get3A_352, %and3A_357 : vector<16xi32>
    tpu.vector_store_idx %arg14[%shift_right_logical3A_355, %and3A_358], %broadcast_in_dim3A_3 {add = true} : memref<640x16xf32, #tpu.memory_space<vmem>>[vector<16xi32>, vector<16xi32>], vector<16xf32>,
    %get3A_359 = arith.constant 1 : i32
    %get3A_360 = arith.index_cast %get3A_359 : i32 to index
    %get3A_361 = arith.constant 80 : index
    %get3A_362 = tpu.vector_load %arg6[%get3A_360, %get3A_361] {strides = array<i32>} : memref<2x96xi32, #tpu.memory_space<vmem>>, vector<16xi32>,
    %shift_right_logical3A_363 = arith.constant 4 : i32
    %shift_right_logical3A_364 = vector.broadcast %shift_right_logical3A_363 : i32 to vector<16xi32>
    %shift_right_logical3A_365 = arith.shrui %get3A_362, %shift_right_logical3A_364 : vector<16xi32>
    %and3A_366 = arith.constant 15 : i32
    %and3A_367 = vector.broadcast %and3A_366 : i32 to vector<16xi32>
    %and3A_368 = arith.andi %get3A_362, %and3A_367 : vector<16xi32>
    tpu.vector_store_idx %arg14[%shift_right_logical3A_365, %and3A_368], %broadcast_in_dim3A_3 {add = true} : memref<640x16xf32, #tpu.memory_space<vmem>>[vector<16xi32>, vector<16xi32>], vector<16xf32>,
    %dma_wait3A_369 = arith.constant 1 : i32
    %dma_wait3A_370 = arith.constant 0 : i32
    %dma_wait3A_371 = tpu.memref_slice %arg8[%dma_wait3A_369, %dma_wait3A_370] : memref<2x96xi32, #tpu.memory_space<vmem>> -> memref<1x96xi32, #tpu.memory_space<vmem>>
    %dma_wait3A_372 = tpu.memref_squeeze %dma_wait3A_371 : memref<1x96xi32, #tpu.memory_space<vmem>> -> memref<96xi32, #tpu.memory_space<vmem>>
    %dma_wait3A_373 = arith.constant 0 : i32
    %dma_wait3A_374 = arith.constant 0 : i32
    %dma_wait3A_375 = tpu.memref_slice %arg16[%dma_wait3A_373, %dma_wait3A_374] : memref<10240x128xf32, #tpu.memory_space<vmem_shared>> -> memref<10240x128xf32, #tpu.memory_space<vmem_shared>>
    tpu.wait_indirect_dma semaphore(%arg26 : memref<!tpu.dma_semaphore, #tpu.memory_space<semaphore_mem>>) src(%arg11 : memref<96x128xf32, #tpu.memory_space<vmem>>) dst(%dma_wait3A_375 : memref<10240x128xf32, #tpu.memory_space<vmem_shared>>)
    %dma_start3A_376 = arith.constant 1 : i32
    %dma_start3A_377 = arith.constant 0 : i32
    %dma_start3A_378 = tpu.memref_slice %arg6[%dma_start3A_376, %dma_start3A_377] : memref<2x96xi32, #tpu.memory_space<vmem>> -> memref<1x96xi32, #tpu.memory_space<vmem>>
    %dma_start3A_379 = tpu.memref_squeeze %dma_start3A_378 : memref<1x96xi32, #tpu.memory_space<vmem>> -> memref<96xi32, #tpu.memory_space<vmem>>
    %dma_start3A_380 = arith.constant 0 : i32
    %dma_start3A_381 = arith.constant 0 : i32
    %dma_start3A_382 = tpu.memref_slice %arg16[%dma_start3A_380, %dma_start3A_381] : memref<10240x128xf32, #tpu.memory_space<vmem_shared>> -> memref<10240x128xf32, #tpu.memory_space<vmem_shared>>
    tpu.enqueue_indirect_dma source(%arg9 : memref<96x128xf32, #tpu.memory_space<vmem>>) target(%dma_start3A_382 : memref<10240x128xf32, #tpu.memory_space<vmem_shared>>) offsets(%dma_start3A_379 : memref<96xi32, #tpu.memory_space<vmem>>) semaphore(%arg24 : memref<!tpu.dma_semaphore, #tpu.memory_space<semaphore_mem>>) {add = true}
    %dma_wait3A_383 = arith.constant 0 : i32
    %dma_wait3A_384 = arith.constant 0 : i32
    %dma_wait3A_385 = tpu.memref_slice %arg7[%dma_wait3A_383, %dma_wait3A_384] : memref<2x96xi32, #tpu.memory_space<vmem>> -> memref<1x96xi32, #tpu.memory_space<vmem>>
    %dma_wait3A_386 = tpu.memref_squeeze %dma_wait3A_385 : memref<1x96xi32, #tpu.memory_space<vmem>> -> memref<96xi32, #tpu.memory_space<vmem>>
    %dma_wait3A_387 = arith.constant 0 : i32
    %dma_wait3A_388 = arith.constant 0 : i32
    %dma_wait3A_389 = tpu.memref_slice %arg2[%dma_wait3A_387, %dma_wait3A_388] : memref<10000x128xf32, #tpu.memory_space<hbm>> -> memref<10000x128xf32, #tpu.memory_space<hbm>>
    tpu.wait_indirect_dma semaphore(%arg22 : memref<!tpu.dma_semaphore, #tpu.memory_space<semaphore_mem>>) src(%dma_wait3A_389 : memref<10000x128xf32, #tpu.memory_space<hbm>>) dst(%arg10 : memref<96x128xf32, #tpu.memory_space<vmem>>)
    %get3A_390 = arith.constant 1 : i32
    %get3A_391 = arith.index_cast %get3A_390 : i32 to index
    %get3A_392 = arith.constant 0 : index
    %get3A_393 = tpu.vector_load %arg7[%get3A_391, %get3A_392] {strides = array<i32>} : memref<2x96xi32, #tpu.memory_space<vmem>>, vector<16xi32>,
    %shift_right_logical3A_394 = arith.constant 4 : i32
    %shift_right_logical3A_395 = vector.broadcast %shift_right_logical3A_394 : i32 to vector<16xi32>
    %shift_right_logical3A_396 = arith.shrui %get3A_393, %shift_right_logical3A_395 : vector<16xi32>
    %and3A_397 = arith.constant 15 : i32
    %and3A_398 = vector.broadcast %and3A_397 : i32 to vector<16xi32>
    %and3A_399 = arith.andi %get3A_393, %and3A_398 : vector<16xi32>
    tpu.vector_store_idx %arg14[%shift_right_logical3A_396, %and3A_399], %broadcast_in_dim3A_3 {add = true} : memref<640x16xf32, #tpu.memory_space<vmem>>[vector<16xi32>, vector<16xi32>], vector<16xf32>,
    %get3A_400 = arith.constant 1 : i32
    %get3A_401 = arith.index_cast %get3A_400 : i32 to index
    %get3A_402 = arith.constant 16 : index
    %get3A_403 = tpu.vector_load %arg7[%get3A_401, %get3A_402] {strides = array<i32>} : memref<2x96xi32, #tpu.memory_space<vmem>>, vector<16xi32>,
    %shift_right_logical3A_404 = arith.constant 4 : i32
    %shift_right_logical3A_405 = vector.broadcast %shift_right_logical3A_404 : i32 to vector<16xi32>
    %shift_right_logical3A_406 = arith.shrui %get3A_403, %shift_right_logical3A_405 : vector<16xi32>
    %and3A_407 = arith.constant 15 : i32
    %and3A_408 = vector.broadcast %and3A_407 : i32 to vector<16xi32>
    %and3A_409 = arith.andi %get3A_403, %and3A_408 : vector<16xi32>
    tpu.vector_store_idx %arg14[%shift_right_logical3A_406, %and3A_409], %broadcast_in_dim3A_3 {add = true} : memref<640x16xf32, #tpu.memory_space<vmem>>[vector<16xi32>, vector<16xi32>], vector<16xf32>,
    %get3A_410 = arith.constant 1 : i32
    %get3A_411 = arith.index_cast %get3A_410 : i32 to index
    %get3A_412 = arith.constant 32 : index
    %get3A_413 = tpu.vector_load %arg7[%get3A_411, %get3A_412] {strides = array<i32>} : memref<2x96xi32, #tpu.memory_space<vmem>>, vector<16xi32>,
    %shift_right_logical3A_414 = arith.constant 4 : i32
    %shift_right_logical3A_415 = vector.broadcast %shift_right_logical3A_414 : i32 to vector<16xi32>
    %shift_right_logical3A_416 = arith.shrui %get3A_413, %shift_right_logical3A_415 : vector<16xi32>
    %and3A_417 = arith.constant 15 : i32
    %and3A_418 = vector.broadcast %and3A_417 : i32 to vector<16xi32>
    %and3A_419 = arith.andi %get3A_413, %and3A_418 : vector<16xi32>
    tpu.vector_store_idx %arg14[%shift_right_logical3A_416, %and3A_419], %broadcast_in_dim3A_3 {add = true} : memref<640x16xf32, #tpu.memory_space<vmem>>[vector<16xi32>, vector<16xi32>], vector<16xf32>,
    %get3A_420 = arith.constant 1 : i32
    %get3A_421 = arith.index_cast %get3A_420 : i32 to index
    %get3A_422 = arith.constant 48 : index
    %get3A_423 = tpu.vector_load %arg7[%get3A_421, %get3A_422] {strides = array<i32>} : memref<2x96xi32, #tpu.memory_space<vmem>>, vector<16xi32>,
    %shift_right_logical3A_424 = arith.constant 4 : i32
    %shift_right_logical3A_425 = vector.broadcast %shift_right_logical3A_424 : i32 to vector<16xi32>
    %shift_right_logical3A_426 = arith.shrui %get3A_423, %shift_right_logical3A_425 : vector<16xi32>
    %and3A_427 = arith.constant 15 : i32
    %and3A_428 = vector.broadcast %and3A_427 : i32 to vector<16xi32>
    %and3A_429 = arith.andi %get3A_423, %and3A_428 : vector<16xi32>
    tpu.vector_store_idx %arg14[%shift_right_logical3A_426, %and3A_429], %broadcast_in_dim3A_3 {add = true} : memref<640x16xf32, #tpu.memory_space<vmem>>[vector<16xi32>, vector<16xi32>], vector<16xf32>,
    %get3A_430 = arith.constant 1 : i32
    %get3A_431 = arith.index_cast %get3A_430 : i32 to index
    %get3A_432 = arith.constant 64 : index
    %get3A_433 = tpu.vector_load %arg7[%get3A_431, %get3A_432] {strides = array<i32>} : memref<2x96xi32, #tpu.memory_space<vmem>>, vector<16xi32>,
    %shift_right_logical3A_434 = arith.constant 4 : i32
    %shift_right_logical3A_435 = vector.broadcast %shift_right_logical3A_434 : i32 to vector<16xi32>
    %shift_right_logical3A_436 = arith.shrui %get3A_433, %shift_right_logical3A_435 : vector<16xi32>
    %and3A_437 = arith.constant 15 : i32
    %and3A_438 = vector.broadcast %and3A_437 : i32 to vector<16xi32>
    %and3A_439 = arith.andi %get3A_433, %and3A_438 : vector<16xi32>
    tpu.vector_store_idx %arg14[%shift_right_logical3A_436, %and3A_439], %broadcast_in_dim3A_3 {add = true} : memref<640x16xf32, #tpu.memory_space<vmem>>[vector<16xi32>, vector<16xi32>], vector<16xf32>,
    %get3A_440 = arith.constant 1 : i32
    %get3A_441 = arith.index_cast %get3A_440 : i32 to index
    %get3A_442 = arith.constant 80 : index
    %get3A_443 = tpu.vector_load %arg7[%get3A_441, %get3A_442] {strides = array<i32>} : memref<2x96xi32, #tpu.memory_space<vmem>>, vector<16xi32>,
    %shift_right_logical3A_444 = arith.constant 4 : i32
    %shift_right_logical3A_445 = vector.broadcast %shift_right_logical3A_444 : i32 to vector<16xi32>
    %shift_right_logical3A_446 = arith.shrui %get3A_443, %shift_right_logical3A_445 : vector<16xi32>
    %and3A_447 = arith.constant 15 : i32
    %and3A_448 = vector.broadcast %and3A_447 : i32 to vector<16xi32>
    %and3A_449 = arith.andi %get3A_443, %and3A_448 : vector<16xi32>
    tpu.vector_store_idx %arg14[%shift_right_logical3A_446, %and3A_449], %broadcast_in_dim3A_3 {add = true} : memref<640x16xf32, #tpu.memory_space<vmem>>[vector<16xi32>, vector<16xi32>], vector<16xf32>,
    %dma_wait3A_450 = arith.constant 1 : i32
    %dma_wait3A_451 = arith.constant 0 : i32
    %dma_wait3A_452 = tpu.memref_slice %arg6[%dma_wait3A_450, %dma_wait3A_451] : memref<2x96xi32, #tpu.memory_space<vmem>> -> memref<1x96xi32, #tpu.memory_space<vmem>>
    %dma_wait3A_453 = tpu.memref_squeeze %dma_wait3A_452 : memref<1x96xi32, #tpu.memory_space<vmem>> -> memref<96xi32, #tpu.memory_space<vmem>>
    %dma_wait3A_454 = arith.constant 0 : i32
    %dma_wait3A_455 = arith.constant 0 : i32
    %dma_wait3A_456 = tpu.memref_slice %arg16[%dma_wait3A_454, %dma_wait3A_455] : memref<10240x128xf32, #tpu.memory_space<vmem_shared>> -> memref<10240x128xf32, #tpu.memory_space<vmem_shared>>
    tpu.wait_indirect_dma semaphore(%arg24 : memref<!tpu.dma_semaphore, #tpu.memory_space<semaphore_mem>>) src(%arg9 : memref<96x128xf32, #tpu.memory_space<vmem>>) dst(%dma_wait3A_456 : memref<10240x128xf32, #tpu.memory_space<vmem_shared>>)
    %dma_start3A_457 = arith.constant 1 : i32
    %dma_start3A_458 = arith.constant 0 : i32
    %dma_start3A_459 = tpu.memref_slice %arg7[%dma_start3A_457, %dma_start3A_458] : memref<2x96xi32, #tpu.memory_space<vmem>> -> memref<1x96xi32, #tpu.memory_space<vmem>>
    %dma_start3A_460 = tpu.memref_squeeze %dma_start3A_459 : memref<1x96xi32, #tpu.memory_space<vmem>> -> memref<96xi32, #tpu.memory_space<vmem>>
    %dma_start3A_461 = arith.constant 0 : i32
    %dma_start3A_462 = arith.constant 0 : i32
    %dma_start3A_463 = tpu.memref_slice %arg16[%dma_start3A_461, %dma_start3A_462] : memref<10240x128xf32, #tpu.memory_space<vmem_shared>> -> memref<10240x128xf32, #tpu.memory_space<vmem_shared>>
    tpu.enqueue_indirect_dma source(%arg10 : memref<96x128xf32, #tpu.memory_space<vmem>>) target(%dma_start3A_463 : memref<10240x128xf32, #tpu.memory_space<vmem_shared>>) offsets(%dma_start3A_460 : memref<96xi32, #tpu.memory_space<vmem>>) semaphore(%arg25 : memref<!tpu.dma_semaphore, #tpu.memory_space<semaphore_mem>>) {add = true}
    %dma_wait3A_464 = arith.constant 1 : i32
    %dma_wait3A_465 = arith.constant 0 : i32
    %dma_wait3A_466 = tpu.memref_slice %arg7[%dma_wait3A_464, %dma_wait3A_465] : memref<2x96xi32, #tpu.memory_space<vmem>> -> memref<1x96xi32, #tpu.memory_space<vmem>>
    %dma_wait3A_467 = tpu.memref_squeeze %dma_wait3A_466 : memref<1x96xi32, #tpu.memory_space<vmem>> -> memref<96xi32, #tpu.memory_space<vmem>>
    %dma_wait3A_468 = arith.constant 0 : i32
    %dma_wait3A_469 = arith.constant 0 : i32
    %dma_wait3A_470 = tpu.memref_slice %arg16[%dma_wait3A_468, %dma_wait3A_469] : memref<10240x128xf32, #tpu.memory_space<vmem_shared>> -> memref<10240x128xf32, #tpu.memory_space<vmem_shared>>
    tpu.wait_indirect_dma semaphore(%arg25 : memref<!tpu.dma_semaphore, #tpu.memory_space<semaphore_mem>>) src(%arg10 : memref<96x128xf32, #tpu.memory_space<vmem>>) dst(%dma_wait3A_470 : memref<10240x128xf32, #tpu.memory_space<vmem_shared>>)
    %add3A_471 = arith.constant 9984 : i32
    %add3A_472 = arith.addi %mul3A_2, %add3A_471 : i32
    %run_scoped3A = arith.constant 0 : i32
    "tpu.region"() ({
      %run_scoped3A_759 = tpu.sem_alloc : memref<!tpu.dma_semaphore, #tpu.memory_space<semaphore_mem>>
      %dma_start3A_760 = tpu.memref_slice %arg3[%run_scoped3A, %add3A_472] : memref<2x320000xi32, #tpu.memory_space<hbm>> -> memref<1x16xi32, #tpu.memory_space<hbm>>
      %dma_start3A_761 = tpu.memref_squeeze %dma_start3A_760 : memref<1x16xi32, #tpu.memory_space<hbm>> -> memref<16xi32, #tpu.memory_space<hbm>>
      %dma_start3A_762 = tpu.memref_slice %arg3[%run_scoped3A, %add3A_472] : memref<2x320000xi32, #tpu.memory_space<hbm>> -> memref<1x16xi32, #tpu.memory_space<hbm>>
      %dma_start3A_763 = tpu.memref_squeeze %dma_start3A_762 : memref<1x16xi32, #tpu.memory_space<hbm>> -> memref<16xi32, #tpu.memory_space<hbm>>
      tpu.enqueue_dma source(%dma_start3A_763 : memref<16xi32, #tpu.memory_space<hbm>>) target(%arg12 : memref<16xi32, #tpu.memory_space<vmem>>) target_semaphore(%run_scoped3A_759 : memref<!tpu.dma_semaphore, #tpu.memory_space<semaphore_mem>>)
      %dma_wait3A_764 = tpu.memref_slice %arg3[%run_scoped3A, %add3A_472] : memref<2x320000xi32, #tpu.memory_space<hbm>> -> memref<1x16xi32, #tpu.memory_space<hbm>>
      %dma_wait3A_765 = tpu.memref_squeeze %dma_wait3A_764 : memref<1x16xi32, #tpu.memory_space<hbm>> -> memref<16xi32, #tpu.memory_space<hbm>>
      %dma_wait3A_766 = tpu.memref_slice %arg3[%run_scoped3A, %add3A_472] : memref<2x320000xi32, #tpu.memory_space<hbm>> -> memref<1x16xi32, #tpu.memory_space<hbm>>
      %dma_wait3A_767 = tpu.memref_squeeze %dma_wait3A_766 : memref<1x16xi32, #tpu.memory_space<hbm>> -> memref<16xi32, #tpu.memory_space<hbm>>
      tpu.wait_dma2 semaphore(%run_scoped3A_759 : memref<!tpu.dma_semaphore, #tpu.memory_space<semaphore_mem>>) src(%dma_wait3A_767 : memref<16xi32, #tpu.memory_space<hbm>>) dst(%arg12 : memref<16xi32, #tpu.memory_space<vmem>>)
      tpu.yield
    }) : () -> ()
    %run_scoped3A_473 = arith.constant 1 : i32
    "tpu.region"() ({
      %run_scoped3A_759 = tpu.sem_alloc : memref<!tpu.dma_semaphore, #tpu.memory_space<semaphore_mem>>
      %dma_start3A_760 = tpu.memref_slice %arg3[%run_scoped3A_473, %add3A_472] : memref<2x320000xi32, #tpu.memory_space<hbm>> -> memref<1x16xi32, #tpu.memory_space<hbm>>
      %dma_start3A_761 = tpu.memref_squeeze %dma_start3A_760 : memref<1x16xi32, #tpu.memory_space<hbm>> -> memref<16xi32, #tpu.memory_space<hbm>>
      %dma_start3A_762 = tpu.memref_slice %arg3[%run_scoped3A_473, %add3A_472] : memref<2x320000xi32, #tpu.memory_space<hbm>> -> memref<1x16xi32, #tpu.memory_space<hbm>>
      %dma_start3A_763 = tpu.memref_squeeze %dma_start3A_762 : memref<1x16xi32, #tpu.memory_space<hbm>> -> memref<16xi32, #tpu.memory_space<hbm>>
      tpu.enqueue_dma source(%dma_start3A_763 : memref<16xi32, #tpu.memory_space<hbm>>) target(%arg13 : memref<16xi32, #tpu.memory_space<vmem>>) target_semaphore(%run_scoped3A_759 : memref<!tpu.dma_semaphore, #tpu.memory_space<semaphore_mem>>)
      %dma_wait3A_764 = tpu.memref_slice %arg3[%run_scoped3A_473, %add3A_472] : memref<2x320000xi32, #tpu.memory_space<hbm>> -> memref<1x16xi32, #tpu.memory_space<hbm>>
      %dma_wait3A_765 = tpu.memref_squeeze %dma_wait3A_764 : memref<1x16xi32, #tpu.memory_space<hbm>> -> memref<16xi32, #tpu.memory_space<hbm>>
      %dma_wait3A_766 = tpu.memref_slice %arg3[%run_scoped3A_473, %add3A_472] : memref<2x320000xi32, #tpu.memory_space<hbm>> -> memref<1x16xi32, #tpu.memory_space<hbm>>
      %dma_wait3A_767 = tpu.memref_squeeze %dma_wait3A_766 : memref<1x16xi32, #tpu.memory_space<hbm>> -> memref<16xi32, #tpu.memory_space<hbm>>
      tpu.wait_dma2 semaphore(%run_scoped3A_759 : memref<!tpu.dma_semaphore, #tpu.memory_space<semaphore_mem>>) src(%dma_wait3A_767 : memref<16xi32, #tpu.memory_space<hbm>>) dst(%arg13 : memref<16xi32, #tpu.memory_space<vmem>>)
      tpu.yield
    }) : () -> ()
    %dma_start3A_474 = arith.constant 0 : i32
    %dma_start3A_475 = arith.constant 0 : i32
    %dma_start3A_476 = tpu.memref_slice %arg9[%dma_start3A_474, %dma_start3A_475] : memref<96x128xf32, #tpu.memory_space<vmem>> -> memref<16x128xf32, #tpu.memory_space<vmem>>
    %dma_start3A_477 = arith.constant 0 : i32
    %dma_start3A_478 = arith.constant 0 : i32
    %dma_start3A_479 = tpu.memref_slice %arg2[%dma_start3A_477, %dma_start3A_478] : memref<10000x128xf32, #tpu.memory_space<hbm>> -> memref<10000x128xf32, #tpu.memory_space<hbm>>
    tpu.enqueue_indirect_dma source(%dma_start3A_479 : memref<10000x128xf32, #tpu.memory_space<hbm>>) target(%dma_start3A_476 : memref<16x128xf32, #tpu.memory_space<vmem>>) offsets(%arg12 : memref<16xi32, #tpu.memory_space<vmem>>) semaphore(%arg21 : memref<!tpu.dma_semaphore, #tpu.memory_space<semaphore_mem>>)
    %dma_wait3A_480 = arith.constant 0 : i32
    %dma_wait3A_481 = arith.constant 0 : i32
    %dma_wait3A_482 = tpu.memref_slice %arg9[%dma_wait3A_480, %dma_wait3A_481] : memref<96x128xf32, #tpu.memory_space<vmem>> -> memref<16x128xf32, #tpu.memory_space<vmem>>
    %dma_wait3A_483 = arith.constant 0 : i32
    %dma_wait3A_484 = arith.constant 0 : i32
    %dma_wait3A_485 = tpu.memref_slice %arg2[%dma_wait3A_483, %dma_wait3A_484] : memref<10000x128xf32, #tpu.memory_space<hbm>> -> memref<10000x128xf32, #tpu.memory_space<hbm>>
    tpu.wait_indirect_dma semaphore(%arg21 : memref<!tpu.dma_semaphore, #tpu.memory_space<semaphore_mem>>) src(%dma_wait3A_485 : memref<10000x128xf32, #tpu.memory_space<hbm>>) dst(%dma_wait3A_482 : memref<16x128xf32, #tpu.memory_space<vmem>>)
    %get3A_486 = arith.constant 0 : index
    %get3A_487 = tpu.vector_load %arg13[%get3A_486] {strides = array<i32>} : memref<16xi32, #tpu.memory_space<vmem>>, vector<16xi32>,
    %shift_right_logical3A_488 = arith.constant 4 : i32
    %shift_right_logical3A_489 = vector.broadcast %shift_right_logical3A_488 : i32 to vector<16xi32>
    %shift_right_logical3A_490 = arith.shrui %get3A_487, %shift_right_logical3A_489 : vector<16xi32>
    %and3A_491 = arith.constant 15 : i32
    %and3A_492 = vector.broadcast %and3A_491 : i32 to vector<16xi32>
    %and3A_493 = arith.andi %get3A_487, %and3A_492 : vector<16xi32>
    tpu.vector_store_idx %arg14[%shift_right_logical3A_490, %and3A_493], %broadcast_in_dim3A_3 {add = true} : memref<640x16xf32, #tpu.memory_space<vmem>>[vector<16xi32>, vector<16xi32>], vector<16xf32>,
    "tpu.region"() ({
      %run_scoped3A_759 = tpu.sem_alloc : memref<!tpu.dma_semaphore, #tpu.memory_space<semaphore_mem>>
      %dma_start3A_760 = arith.constant 0 : i32
      %dma_start3A_761 = arith.constant 0 : i32
      %dma_start3A_762 = tpu.memref_slice %arg9[%dma_start3A_760, %dma_start3A_761] : memref<96x128xf32, #tpu.memory_space<vmem>> -> memref<16x128xf32, #tpu.memory_space<vmem>>
      %dma_start3A_763 = arith.constant 0 : i32
      %dma_start3A_764 = arith.constant 0 : i32
      %dma_start3A_765 = tpu.memref_slice %arg16[%dma_start3A_763, %dma_start3A_764] : memref<10240x128xf32, #tpu.memory_space<vmem_shared>> -> memref<10240x128xf32, #tpu.memory_space<vmem_shared>>
      tpu.enqueue_indirect_dma source(%dma_start3A_762 : memref<16x128xf32, #tpu.memory_space<vmem>>) target(%dma_start3A_765 : memref<10240x128xf32, #tpu.memory_space<vmem_shared>>) offsets(%arg13 : memref<16xi32, #tpu.memory_space<vmem>>) semaphore(%run_scoped3A_759 : memref<!tpu.dma_semaphore, #tpu.memory_space<semaphore_mem>>) {add = true}
      %dma_wait3A_766 = arith.constant 0 : i32
      %dma_wait3A_767 = arith.constant 0 : i32
      %dma_wait3A_768 = tpu.memref_slice %arg9[%dma_wait3A_766, %dma_wait3A_767] : memref<96x128xf32, #tpu.memory_space<vmem>> -> memref<16x128xf32, #tpu.memory_space<vmem>>
      %dma_wait3A_769 = arith.constant 0 : i32
      %dma_wait3A_770 = arith.constant 0 : i32
      %dma_wait3A_771 = tpu.memref_slice %arg16[%dma_wait3A_769, %dma_wait3A_770] : memref<10240x128xf32, #tpu.memory_space<vmem_shared>> -> memref<10240x128xf32, #tpu.memory_space<vmem_shared>>
      tpu.wait_indirect_dma semaphore(%run_scoped3A_759 : memref<!tpu.dma_semaphore, #tpu.memory_space<semaphore_mem>>) src(%dma_wait3A_768 : memref<16x128xf32, #tpu.memory_space<vmem>>) dst(%dma_wait3A_771 : memref<10240x128xf32, #tpu.memory_space<vmem_shared>>)
      tpu.yield
    }) : () -> ()
    "tpu.region"() ({
      %run_scoped3A_759 = tpu.sem_alloc : memref<!tpu.dma_semaphore, #tpu.memory_space<semaphore_mem>>
      %dma_start3A_760 = arith.constant 0 : i32
      %dma_start3A_761 = arith.constant 0 : i32
      %dma_start3A_762 = tpu.memref_slice %arg17[%dma_start3A_760, %dma_start3A_761] : memref<640x16xf32, #tpu.memory_space<vmem_shared>> -> memref<640x16xf32, #tpu.memory_space<vmem_shared>>
      tpu.enqueue_indirect_dma source(%arg14 : memref<640x16xf32, #tpu.memory_space<vmem>>) target(%dma_start3A_762 : memref<640x16xf32, #tpu.memory_space<vmem_shared>>) offsets(%arg15 : memref<640xi32, #tpu.memory_space<vmem>>) semaphore(%run_scoped3A_759 : memref<!tpu.dma_semaphore, #tpu.memory_space<semaphore_mem>>) {add = true}
      %dma_wait3A_763 = arith.constant 0 : i32
      %dma_wait3A_764 = arith.constant 0 : i32
      %dma_wait3A_765 = tpu.memref_slice %arg17[%dma_wait3A_763, %dma_wait3A_764] : memref<640x16xf32, #tpu.memory_space<vmem_shared>> -> memref<640x16xf32, #tpu.memory_space<vmem_shared>>
      tpu.wait_indirect_dma semaphore(%run_scoped3A_759 : memref<!tpu.dma_semaphore, #tpu.memory_space<semaphore_mem>>) src(%arg14 : memref<640x16xf32, #tpu.memory_space<vmem>>) dst(%dma_wait3A_765 : memref<640x16xf32, #tpu.memory_space<vmem_shared>>)
      tpu.yield
    }) : () -> ()
    %barrier3A_494 = arith.constant 0 : index
    tpu.barrier barrier_id(%barrier3A_494)
    %add3A_495 = arith.constant 0 : i32
    %add3A_496 = arith.addi %mul3A_21, %add3A_495 : i32
    "tpu.region"() ({
      %run_scoped3A_759 = tpu.sem_alloc : memref<!tpu.dma_semaphore, #tpu.memory_space<semaphore_mem>>
      %dma_start3A_760 = arith.constant 0 : i32
      %dma_start3A_761 = arith.constant 0 : i32
      %dma_start3A_762 = tpu.memref_slice %arg9[%dma_start3A_760, %dma_start3A_761] : memref<96x128xf32, #tpu.memory_space<vmem>> -> memref<64x128xf32, #tpu.memory_space<vmem>>
      %dma_start3A_763 = arith.constant 0 : i32
      %dma_start3A_764 = tpu.memref_slice %arg16[%add3A_496, %dma_start3A_763] : memref<10240x128xf32, #tpu.memory_space<vmem_shared>> -> memref<64x128xf32, #tpu.memory_space<vmem_shared>>
      %dma_start3A_765 = arith.constant 0 : i32
      %dma_start3A_766 = arith.constant 0 : i32
      %dma_start3A_767 = tpu.memref_slice %arg9[%dma_start3A_765, %dma_start3A_766] : memref<96x128xf32, #tpu.memory_space<vmem>> -> memref<64x128xf32, #tpu.memory_space<vmem>>
      %dma_start3A_768 = arith.constant 0 : i32
      %dma_start3A_769 = tpu.memref_slice %arg16[%add3A_496, %dma_start3A_768] : memref<10240x128xf32, #tpu.memory_space<vmem_shared>> -> memref<64x128xf32, #tpu.memory_space<vmem_shared>>
      tpu.enqueue_dma source(%dma_start3A_769 : memref<64x128xf32, #tpu.memory_space<vmem_shared>>) target(%dma_start3A_767 : memref<64x128xf32, #tpu.memory_space<vmem>>) target_semaphore(%run_scoped3A_759 : memref<!tpu.dma_semaphore, #tpu.memory_space<semaphore_mem>>)
      %dma_wait3A_770 = arith.constant 0 : i32
      %dma_wait3A_771 = arith.constant 0 : i32
      %dma_wait3A_772 = tpu.memref_slice %arg9[%dma_wait3A_770, %dma_wait3A_771] : memref<96x128xf32, #tpu.memory_space<vmem>> -> memref<64x128xf32, #tpu.memory_space<vmem>>
      %dma_wait3A_773 = arith.constant 0 : i32
      %dma_wait3A_774 = tpu.memref_slice %arg16[%add3A_496, %dma_wait3A_773] : memref<10240x128xf32, #tpu.memory_space<vmem_shared>> -> memref<64x128xf32, #tpu.memory_space<vmem_shared>>
      %dma_wait3A_775 = arith.constant 0 : i32
      %dma_wait3A_776 = arith.constant 0 : i32
      %dma_wait3A_777 = tpu.memref_slice %arg9[%dma_wait3A_775, %dma_wait3A_776] : memref<96x128xf32, #tpu.memory_space<vmem>> -> memref<64x128xf32, #tpu.memory_space<vmem>>
      %dma_wait3A_778 = arith.constant 0 : i32
      %dma_wait3A_779 = tpu.memref_slice %arg16[%add3A_496, %dma_wait3A_778] : memref<10240x128xf32, #tpu.memory_space<vmem_shared>> -> memref<64x128xf32, #tpu.memory_space<vmem_shared>>
      tpu.wait_dma2 semaphore(%run_scoped3A_759 : memref<!tpu.dma_semaphore, #tpu.memory_space<semaphore_mem>>) src(%dma_wait3A_779 : memref<64x128xf32, #tpu.memory_space<vmem_shared>>) dst(%dma_wait3A_777 : memref<64x128xf32, #tpu.memory_space<vmem>>)
      tpu.yield
    }) : () -> ()
    %dma_start3A_497 = arith.constant 0 : i32
    %dma_start3A_498 = arith.constant 0 : i32
    %dma_start3A_499 = tpu.memref_slice %arg9[%dma_start3A_497, %dma_start3A_498] : memref<96x128xf32, #tpu.memory_space<vmem>> -> memref<64x128xf32, #tpu.memory_space<vmem>>
    %dma_start3A_500 = arith.constant 0 : i32
    %dma_start3A_501 = tpu.memref_slice %arg4[%arg0, %add3A_496, %dma_start3A_500] : memref<2x10240x128xf32, #tpu.memory_space<hbm>> -> memref<1x64x128xf32, #tpu.memory_space<hbm>>
    %dma_start3A_502 = tpu.memref_squeeze %dma_start3A_501 : memref<1x64x128xf32, #tpu.memory_space<hbm>> -> memref<64x128xf32, #tpu.memory_space<hbm>>
    %dma_start3A_503 = arith.constant 0 : i32
    %dma_start3A_504 = tpu.memref_slice %arg4[%arg0, %add3A_496, %dma_start3A_503] : memref<2x10240x128xf32, #tpu.memory_space<hbm>> -> memref<1x64x128xf32, #tpu.memory_space<hbm>>
    %dma_start3A_505 = tpu.memref_squeeze %dma_start3A_504 : memref<1x64x128xf32, #tpu.memory_space<hbm>> -> memref<64x128xf32, #tpu.memory_space<hbm>>
    %dma_start3A_506 = arith.constant 0 : i32
    %dma_start3A_507 = arith.constant 0 : i32
    %dma_start3A_508 = tpu.memref_slice %arg9[%dma_start3A_506, %dma_start3A_507] : memref<96x128xf32, #tpu.memory_space<vmem>> -> memref<64x128xf32, #tpu.memory_space<vmem>>
    tpu.enqueue_dma source(%dma_start3A_508 : memref<64x128xf32, #tpu.memory_space<vmem>>) target(%dma_start3A_505 : memref<64x128xf32, #tpu.memory_space<hbm>>) target_semaphore(%arg21 : memref<!tpu.dma_semaphore, #tpu.memory_space<semaphore_mem>>)
    %add3A_509 = arith.constant 64 : i32
    %add3A_510 = arith.addi %mul3A_21, %add3A_509 : i32
    "tpu.region"() ({
      %run_scoped3A_759 = tpu.sem_alloc : memref<!tpu.dma_semaphore, #tpu.memory_space<semaphore_mem>>
      %dma_start3A_760 = arith.constant 0 : i32
      %dma_start3A_761 = arith.constant 0 : i32
      %dma_start3A_762 = tpu.memref_slice %arg10[%dma_start3A_760, %dma_start3A_761] : memref<96x128xf32, #tpu.memory_space<vmem>> -> memref<64x128xf32, #tpu.memory_space<vmem>>
      %dma_start3A_763 = arith.constant 0 : i32
      %dma_start3A_764 = tpu.memref_slice %arg16[%add3A_510, %dma_start3A_763] : memref<10240x128xf32, #tpu.memory_space<vmem_shared>> -> memref<64x128xf32, #tpu.memory_space<vmem_shared>>
      %dma_start3A_765 = arith.constant 0 : i32
      %dma_start3A_766 = arith.constant 0 : i32
      %dma_start3A_767 = tpu.memref_slice %arg10[%dma_start3A_765, %dma_start3A_766] : memref<96x128xf32, #tpu.memory_space<vmem>> -> memref<64x128xf32, #tpu.memory_space<vmem>>
      %dma_start3A_768 = arith.constant 0 : i32
      %dma_start3A_769 = tpu.memref_slice %arg16[%add3A_510, %dma_start3A_768] : memref<10240x128xf32, #tpu.memory_space<vmem_shared>> -> memref<64x128xf32, #tpu.memory_space<vmem_shared>>
      tpu.enqueue_dma source(%dma_start3A_769 : memref<64x128xf32, #tpu.memory_space<vmem_shared>>) target(%dma_start3A_767 : memref<64x128xf32, #tpu.memory_space<vmem>>) target_semaphore(%run_scoped3A_759 : memref<!tpu.dma_semaphore, #tpu.memory_space<semaphore_mem>>)
      %dma_wait3A_770 = arith.constant 0 : i32
      %dma_wait3A_771 = arith.constant 0 : i32
      %dma_wait3A_772 = tpu.memref_slice %arg10[%dma_wait3A_770, %dma_wait3A_771] : memref<96x128xf32, #tpu.memory_space<vmem>> -> memref<64x128xf32, #tpu.memory_space<vmem>>
      %dma_wait3A_773 = arith.constant 0 : i32
      %dma_wait3A_774 = tpu.memref_slice %arg16[%add3A_510, %dma_wait3A_773] : memref<10240x128xf32, #tpu.memory_space<vmem_shared>> -> memref<64x128xf32, #tpu.memory_space<vmem_shared>>
      %dma_wait3A_775 = arith.constant 0 : i32
      %dma_wait3A_776 = arith.constant 0 : i32
      %dma_wait3A_777 = tpu.memref_slice %arg10[%dma_wait3A_775, %dma_wait3A_776] : memref<96x128xf32, #tpu.memory_space<vmem>> -> memref<64x128xf32, #tpu.memory_space<vmem>>
      %dma_wait3A_778 = arith.constant 0 : i32
      %dma_wait3A_779 = tpu.memref_slice %arg16[%add3A_510, %dma_wait3A_778] : memref<10240x128xf32, #tpu.memory_space<vmem_shared>> -> memref<64x128xf32, #tpu.memory_space<vmem_shared>>
      tpu.wait_dma2 semaphore(%run_scoped3A_759 : memref<!tpu.dma_semaphore, #tpu.memory_space<semaphore_mem>>) src(%dma_wait3A_779 : memref<64x128xf32, #tpu.memory_space<vmem_shared>>) dst(%dma_wait3A_777 : memref<64x128xf32, #tpu.memory_space<vmem>>)
      tpu.yield
    }) : () -> ()
    %dma_start3A_511 = arith.constant 0 : i32
    %dma_start3A_512 = arith.constant 0 : i32
    %dma_start3A_513 = tpu.memref_slice %arg10[%dma_start3A_511, %dma_start3A_512] : memref<96x128xf32, #tpu.memory_space<vmem>> -> memref<64x128xf32, #tpu.memory_space<vmem>>
    %dma_start3A_514 = arith.constant 0 : i32
    %dma_start3A_515 = tpu.memref_slice %arg4[%arg0, %add3A_510, %dma_start3A_514] : memref<2x10240x128xf32, #tpu.memory_space<hbm>> -> memref<1x64x128xf32, #tpu.memory_space<hbm>>
    %dma_start3A_516 = tpu.memref_squeeze %dma_start3A_515 : memref<1x64x128xf32, #tpu.memory_space<hbm>> -> memref<64x128xf32, #tpu.memory_space<hbm>>
    %dma_start3A_517 = arith.constant 0 : i32
    %dma_start3A_518 = tpu.memref_slice %arg4[%arg0, %add3A_510, %dma_start3A_517] : memref<2x10240x128xf32, #tpu.memory_space<hbm>> -> memref<1x64x128xf32, #tpu.memory_space<hbm>>
    %dma_start3A_519 = tpu.memref_squeeze %dma_start3A_518 : memref<1x64x128xf32, #tpu.memory_space<hbm>> -> memref<64x128xf32, #tpu.memory_space<hbm>>
    %dma_start3A_520 = arith.constant 0 : i32
    %dma_start3A_521 = arith.constant 0 : i32
    %dma_start3A_522 = tpu.memref_slice %arg10[%dma_start3A_520, %dma_start3A_521] : memref<96x128xf32, #tpu.memory_space<vmem>> -> memref<64x128xf32, #tpu.memory_space<vmem>>
    tpu.enqueue_dma source(%dma_start3A_522 : memref<64x128xf32, #tpu.memory_space<vmem>>) target(%dma_start3A_519 : memref<64x128xf32, #tpu.memory_space<hbm>>) target_semaphore(%arg22 : memref<!tpu.dma_semaphore, #tpu.memory_space<semaphore_mem>>)
    %add3A_523 = arith.constant 128 : i32
    %add3A_524 = arith.addi %mul3A_21, %add3A_523 : i32
    "tpu.region"() ({
      %run_scoped3A_759 = tpu.sem_alloc : memref<!tpu.dma_semaphore, #tpu.memory_space<semaphore_mem>>
      %dma_start3A_760 = arith.constant 0 : i32
      %dma_start3A_761 = arith.constant 0 : i32
      %dma_start3A_762 = tpu.memref_slice %arg11[%dma_start3A_760, %dma_start3A_761] : memref<96x128xf32, #tpu.memory_space<vmem>> -> memref<64x128xf32, #tpu.memory_space<vmem>>
      %dma_start3A_763 = arith.constant 0 : i32
      %dma_start3A_764 = tpu.memref_slice %arg16[%add3A_524, %dma_start3A_763] : memref<10240x128xf32, #tpu.memory_space<vmem_shared>> -> memref<64x128xf32, #tpu.memory_space<vmem_shared>>
      %dma_start3A_765 = arith.constant 0 : i32
      %dma_start3A_766 = arith.constant 0 : i32
      %dma_start3A_767 = tpu.memref_slice %arg11[%dma_start3A_765, %dma_start3A_766] : memref<96x128xf32, #tpu.memory_space<vmem>> -> memref<64x128xf32, #tpu.memory_space<vmem>>
      %dma_start3A_768 = arith.constant 0 : i32
      %dma_start3A_769 = tpu.memref_slice %arg16[%add3A_524, %dma_start3A_768] : memref<10240x128xf32, #tpu.memory_space<vmem_shared>> -> memref<64x128xf32, #tpu.memory_space<vmem_shared>>
      tpu.enqueue_dma source(%dma_start3A_769 : memref<64x128xf32, #tpu.memory_space<vmem_shared>>) target(%dma_start3A_767 : memref<64x128xf32, #tpu.memory_space<vmem>>) target_semaphore(%run_scoped3A_759 : memref<!tpu.dma_semaphore, #tpu.memory_space<semaphore_mem>>)
      %dma_wait3A_770 = arith.constant 0 : i32
      %dma_wait3A_771 = arith.constant 0 : i32
      %dma_wait3A_772 = tpu.memref_slice %arg11[%dma_wait3A_770, %dma_wait3A_771] : memref<96x128xf32, #tpu.memory_space<vmem>> -> memref<64x128xf32, #tpu.memory_space<vmem>>
      %dma_wait3A_773 = arith.constant 0 : i32
      %dma_wait3A_774 = tpu.memref_slice %arg16[%add3A_524, %dma_wait3A_773] : memref<10240x128xf32, #tpu.memory_space<vmem_shared>> -> memref<64x128xf32, #tpu.memory_space<vmem_shared>>
      %dma_wait3A_775 = arith.constant 0 : i32
      %dma_wait3A_776 = arith.constant 0 : i32
      %dma_wait3A_777 = tpu.memref_slice %arg11[%dma_wait3A_775, %dma_wait3A_776] : memref<96x128xf32, #tpu.memory_space<vmem>> -> memref<64x128xf32, #tpu.memory_space<vmem>>
      %dma_wait3A_778 = arith.constant 0 : i32
      %dma_wait3A_779 = tpu.memref_slice %arg16[%add3A_524, %dma_wait3A_778] : memref<10240x128xf32, #tpu.memory_space<vmem_shared>> -> memref<64x128xf32, #tpu.memory_space<vmem_shared>>
      tpu.wait_dma2 semaphore(%run_scoped3A_759 : memref<!tpu.dma_semaphore, #tpu.memory_space<semaphore_mem>>) src(%dma_wait3A_779 : memref<64x128xf32, #tpu.memory_space<vmem_shared>>) dst(%dma_wait3A_777 : memref<64x128xf32, #tpu.memory_space<vmem>>)
      tpu.yield
    }) : () -> ()
    %dma_start3A_525 = arith.constant 0 : i32
    %dma_start3A_526 = arith.constant 0 : i32
    %dma_start3A_527 = tpu.memref_slice %arg11[%dma_start3A_525, %dma_start3A_526] : memref<96x128xf32, #tpu.memory_space<vmem>> -> memref<64x128xf32, #tpu.memory_space<vmem>>
    %dma_start3A_528 = arith.constant 0 : i32
    %dma_start3A_529 = tpu.memref_slice %arg4[%arg0, %add3A_524, %dma_start3A_528] : memref<2x10240x128xf32, #tpu.memory_space<hbm>> -> memref<1x64x128xf32, #tpu.memory_space<hbm>>
    %dma_start3A_530 = tpu.memref_squeeze %dma_start3A_529 : memref<1x64x128xf32, #tpu.memory_space<hbm>> -> memref<64x128xf32, #tpu.memory_space<hbm>>
    %dma_start3A_531 = arith.constant 0 : i32
    %dma_start3A_532 = tpu.memref_slice %arg4[%arg0, %add3A_524, %dma_start3A_531] : memref<2x10240x128xf32, #tpu.memory_space<hbm>> -> memref<1x64x128xf32, #tpu.memory_space<hbm>>
    %dma_start3A_533 = tpu.memref_squeeze %dma_start3A_532 : memref<1x64x128xf32, #tpu.memory_space<hbm>> -> memref<64x128xf32, #tpu.memory_space<hbm>>
    %dma_start3A_534 = arith.constant 0 : i32
    %dma_start3A_535 = arith.constant 0 : i32
    %dma_start3A_536 = tpu.memref_slice %arg11[%dma_start3A_534, %dma_start3A_535] : memref<96x128xf32, #tpu.memory_space<vmem>> -> memref<64x128xf32, #tpu.memory_space<vmem>>
    tpu.enqueue_dma source(%dma_start3A_536 : memref<64x128xf32, #tpu.memory_space<vmem>>) target(%dma_start3A_533 : memref<64x128xf32, #tpu.memory_space<hbm>>) target_semaphore(%arg23 : memref<!tpu.dma_semaphore, #tpu.memory_space<semaphore_mem>>)
    %add3A_537 = arith.constant 192 : i32
    %add3A_538 = arith.addi %mul3A_21, %add3A_537 : i32
    %dma_wait3A_539 = arith.constant 0 : i32
    %dma_wait3A_540 = arith.constant 0 : i32
    %dma_wait3A_541 = tpu.memref_slice %arg9[%dma_wait3A_539, %dma_wait3A_540] : memref<96x128xf32, #tpu.memory_space<vmem>> -> memref<64x128xf32, #tpu.memory_space<vmem>>
    %dma_wait3A_542 = arith.constant 0 : i32
    %dma_wait3A_543 = tpu.memref_slice %arg4[%arg0, %mul3A_21, %dma_wait3A_542] : memref<2x10240x128xf32, #tpu.memory_space<hbm>> -> memref<1x64x128xf32, #tpu.memory_space<hbm>>
    %dma_wait3A_544 = tpu.memref_squeeze %dma_wait3A_543 : memref<1x64x128xf32, #tpu.memory_space<hbm>> -> memref<64x128xf32, #tpu.memory_space<hbm>>
    %dma_wait3A_545 = arith.constant 0 : i32
    %dma_wait3A_546 = tpu.memref_slice %arg4[%arg0, %mul3A_21, %dma_wait3A_545] : memref<2x10240x128xf32, #tpu.memory_space<hbm>> -> memref<1x64x128xf32, #tpu.memory_space<hbm>>
    %dma_wait3A_547 = tpu.memref_squeeze %dma_wait3A_546 : memref<1x64x128xf32, #tpu.memory_space<hbm>> -> memref<64x128xf32, #tpu.memory_space<hbm>>
    %dma_wait3A_548 = arith.constant 0 : i32
    %dma_wait3A_549 = arith.constant 0 : i32
    %dma_wait3A_550 = tpu.memref_slice %arg9[%dma_wait3A_548, %dma_wait3A_549] : memref<96x128xf32, #tpu.memory_space<vmem>> -> memref<64x128xf32, #tpu.memory_space<vmem>>
    tpu.wait_dma2 semaphore(%arg21 : memref<!tpu.dma_semaphore, #tpu.memory_space<semaphore_mem>>) src(%dma_wait3A_550 : memref<64x128xf32, #tpu.memory_space<vmem>>) dst(%dma_wait3A_547 : memref<64x128xf32, #tpu.memory_space<hbm>>)
    "tpu.region"() ({
      %run_scoped3A_759 = tpu.sem_alloc : memref<!tpu.dma_semaphore, #tpu.memory_space<semaphore_mem>>
      %dma_start3A_760 = arith.constant 0 : i32
      %dma_start3A_761 = arith.constant 0 : i32
      %dma_start3A_762 = tpu.memref_slice %arg9[%dma_start3A_760, %dma_start3A_761] : memref<96x128xf32, #tpu.memory_space<vmem>> -> memref<64x128xf32, #tpu.memory_space<vmem>>
      %dma_start3A_763 = arith.constant 0 : i32
      %dma_start3A_764 = tpu.memref_slice %arg16[%add3A_538, %dma_start3A_763] : memref<10240x128xf32, #tpu.memory_space<vmem_shared>> -> memref<64x128xf32, #tpu.memory_space<vmem_shared>>
      %dma_start3A_765 = arith.constant 0 : i32
      %dma_start3A_766 = arith.constant 0 : i32
      %dma_start3A_767 = tpu.memref_slice %arg9[%dma_start3A_765, %dma_start3A_766] : memref<96x128xf32, #tpu.memory_space<vmem>> -> memref<64x128xf32, #tpu.memory_space<vmem>>
      %dma_start3A_768 = arith.constant 0 : i32
      %dma_start3A_769 = tpu.memref_slice %arg16[%add3A_538, %dma_start3A_768] : memref<10240x128xf32, #tpu.memory_space<vmem_shared>> -> memref<64x128xf32, #tpu.memory_space<vmem_shared>>
      tpu.enqueue_dma source(%dma_start3A_769 : memref<64x128xf32, #tpu.memory_space<vmem_shared>>) target(%dma_start3A_767 : memref<64x128xf32, #tpu.memory_space<vmem>>) target_semaphore(%run_scoped3A_759 : memref<!tpu.dma_semaphore, #tpu.memory_space<semaphore_mem>>)
      %dma_wait3A_770 = arith.constant 0 : i32
      %dma_wait3A_771 = arith.constant 0 : i32
      %dma_wait3A_772 = tpu.memref_slice %arg9[%dma_wait3A_770, %dma_wait3A_771] : memref<96x128xf32, #tpu.memory_space<vmem>> -> memref<64x128xf32, #tpu.memory_space<vmem>>
      %dma_wait3A_773 = arith.constant 0 : i32
      %dma_wait3A_774 = tpu.memref_slice %arg16[%add3A_538, %dma_wait3A_773] : memref<10240x128xf32, #tpu.memory_space<vmem_shared>> -> memref<64x128xf32, #tpu.memory_space<vmem_shared>>
      %dma_wait3A_775 = arith.constant 0 : i32
      %dma_wait3A_776 = arith.constant 0 : i32
      %dma_wait3A_777 = tpu.memref_slice %arg9[%dma_wait3A_775, %dma_wait3A_776] : memref<96x128xf32, #tpu.memory_space<vmem>> -> memref<64x128xf32, #tpu.memory_space<vmem>>
      %dma_wait3A_778 = arith.constant 0 : i32
      %dma_wait3A_779 = tpu.memref_slice %arg16[%add3A_538, %dma_wait3A_778] : memref<10240x128xf32, #tpu.memory_space<vmem_shared>> -> memref<64x128xf32, #tpu.memory_space<vmem_shared>>
      tpu.wait_dma2 semaphore(%run_scoped3A_759 : memref<!tpu.dma_semaphore, #tpu.memory_space<semaphore_mem>>) src(%dma_wait3A_779 : memref<64x128xf32, #tpu.memory_space<vmem_shared>>) dst(%dma_wait3A_777 : memref<64x128xf32, #tpu.memory_space<vmem>>)
      tpu.yield
    }) : () -> ()
    %dma_start3A_551 = arith.constant 0 : i32
    %dma_start3A_552 = arith.constant 0 : i32
    %dma_start3A_553 = tpu.memref_slice %arg9[%dma_start3A_551, %dma_start3A_552] : memref<96x128xf32, #tpu.memory_space<vmem>> -> memref<64x128xf32, #tpu.memory_space<vmem>>
    %dma_start3A_554 = arith.constant 0 : i32
    %dma_start3A_555 = tpu.memref_slice %arg4[%arg0, %add3A_538, %dma_start3A_554] : memref<2x10240x128xf32, #tpu.memory_space<hbm>> -> memref<1x64x128xf32, #tpu.memory_space<hbm>>
    %dma_start3A_556 = tpu.memref_squeeze %dma_start3A_555 : memref<1x64x128xf32, #tpu.memory_space<hbm>> -> memref<64x128xf32, #tpu.memory_space<hbm>>
    %dma_start3A_557 = arith.constant 0 : i32
    %dma_start3A_558 = tpu.memref_slice %arg4[%arg0, %add3A_538, %dma_start3A_557] : memref<2x10240x128xf32, #tpu.memory_space<hbm>> -> memref<1x64x128xf32, #tpu.memory_space<hbm>>
    %dma_start3A_559 = tpu.memref_squeeze %dma_start3A_558 : memref<1x64x128xf32, #tpu.memory_space<hbm>> -> memref<64x128xf32, #tpu.memory_space<hbm>>
    %dma_start3A_560 = arith.constant 0 : i32
    %dma_start3A_561 = arith.constant 0 : i32
    %dma_start3A_562 = tpu.memref_slice %arg9[%dma_start3A_560, %dma_start3A_561] : memref<96x128xf32, #tpu.memory_space<vmem>> -> memref<64x128xf32, #tpu.memory_space<vmem>>
    tpu.enqueue_dma source(%dma_start3A_562 : memref<64x128xf32, #tpu.memory_space<vmem>>) target(%dma_start3A_559 : memref<64x128xf32, #tpu.memory_space<hbm>>) target_semaphore(%arg21 : memref<!tpu.dma_semaphore, #tpu.memory_space<semaphore_mem>>)
    %add3A_563 = arith.constant 256 : i32
    %add3A_564 = arith.addi %mul3A_21, %add3A_563 : i32
    %dma_wait3A_565 = arith.constant 0 : i32
    %dma_wait3A_566 = arith.constant 0 : i32
    %dma_wait3A_567 = tpu.memref_slice %arg10[%dma_wait3A_565, %dma_wait3A_566] : memref<96x128xf32, #tpu.memory_space<vmem>> -> memref<64x128xf32, #tpu.memory_space<vmem>>
    %dma_wait3A_568 = arith.constant 0 : i32
    %dma_wait3A_569 = tpu.memref_slice %arg4[%arg0, %mul3A_21, %dma_wait3A_568] : memref<2x10240x128xf32, #tpu.memory_space<hbm>> -> memref<1x64x128xf32, #tpu.memory_space<hbm>>
    %dma_wait3A_570 = tpu.memref_squeeze %dma_wait3A_569 : memref<1x64x128xf32, #tpu.memory_space<hbm>> -> memref<64x128xf32, #tpu.memory_space<hbm>>
    %dma_wait3A_571 = arith.constant 0 : i32
    %dma_wait3A_572 = tpu.memref_slice %arg4[%arg0, %mul3A_21, %dma_wait3A_571] : memref<2x10240x128xf32, #tpu.memory_space<hbm>> -> memref<1x64x128xf32, #tpu.memory_space<hbm>>
    %dma_wait3A_573 = tpu.memref_squeeze %dma_wait3A_572 : memref<1x64x128xf32, #tpu.memory_space<hbm>> -> memref<64x128xf32, #tpu.memory_space<hbm>>
    %dma_wait3A_574 = arith.constant 0 : i32
    %dma_wait3A_575 = arith.constant 0 : i32
    %dma_wait3A_576 = tpu.memref_slice %arg10[%dma_wait3A_574, %dma_wait3A_575] : memref<96x128xf32, #tpu.memory_space<vmem>> -> memref<64x128xf32, #tpu.memory_space<vmem>>
    tpu.wait_dma2 semaphore(%arg22 : memref<!tpu.dma_semaphore, #tpu.memory_space<semaphore_mem>>) src(%dma_wait3A_576 : memref<64x128xf32, #tpu.memory_space<vmem>>) dst(%dma_wait3A_573 : memref<64x128xf32, #tpu.memory_space<hbm>>)
    "tpu.region"() ({
      %run_scoped3A_759 = tpu.sem_alloc : memref<!tpu.dma_semaphore, #tpu.memory_space<semaphore_mem>>
      %dma_start3A_760 = arith.constant 0 : i32
      %dma_start3A_761 = arith.constant 0 : i32
      %dma_start3A_762 = tpu.memref_slice %arg10[%dma_start3A_760, %dma_start3A_761] : memref<96x128xf32, #tpu.memory_space<vmem>> -> memref<64x128xf32, #tpu.memory_space<vmem>>
      %dma_start3A_763 = arith.constant 0 : i32
      %dma_start3A_764 = tpu.memref_slice %arg16[%add3A_564, %dma_start3A_763] : memref<10240x128xf32, #tpu.memory_space<vmem_shared>> -> memref<64x128xf32, #tpu.memory_space<vmem_shared>>
      %dma_start3A_765 = arith.constant 0 : i32
      %dma_start3A_766 = arith.constant 0 : i32
      %dma_start3A_767 = tpu.memref_slice %arg10[%dma_start3A_765, %dma_start3A_766] : memref<96x128xf32, #tpu.memory_space<vmem>> -> memref<64x128xf32, #tpu.memory_space<vmem>>
      %dma_start3A_768 = arith.constant 0 : i32
      %dma_start3A_769 = tpu.memref_slice %arg16[%add3A_564, %dma_start3A_768] : memref<10240x128xf32, #tpu.memory_space<vmem_shared>> -> memref<64x128xf32, #tpu.memory_space<vmem_shared>>
      tpu.enqueue_dma source(%dma_start3A_769 : memref<64x128xf32, #tpu.memory_space<vmem_shared>>) target(%dma_start3A_767 : memref<64x128xf32, #tpu.memory_space<vmem>>) target_semaphore(%run_scoped3A_759 : memref<!tpu.dma_semaphore, #tpu.memory_space<semaphore_mem>>)
      %dma_wait3A_770 = arith.constant 0 : i32
      %dma_wait3A_771 = arith.constant 0 : i32
      %dma_wait3A_772 = tpu.memref_slice %arg10[%dma_wait3A_770, %dma_wait3A_771] : memref<96x128xf32, #tpu.memory_space<vmem>> -> memref<64x128xf32, #tpu.memory_space<vmem>>
      %dma_wait3A_773 = arith.constant 0 : i32
      %dma_wait3A_774 = tpu.memref_slice %arg16[%add3A_564, %dma_wait3A_773] : memref<10240x128xf32, #tpu.memory_space<vmem_shared>> -> memref<64x128xf32, #tpu.memory_space<vmem_shared>>
      %dma_wait3A_775 = arith.constant 0 : i32
      %dma_wait3A_776 = arith.constant 0 : i32
      %dma_wait3A_777 = tpu.memref_slice %arg10[%dma_wait3A_775, %dma_wait3A_776] : memref<96x128xf32, #tpu.memory_space<vmem>> -> memref<64x128xf32, #tpu.memory_space<vmem>>
      %dma_wait3A_778 = arith.constant 0 : i32
      %dma_wait3A_779 = tpu.memref_slice %arg16[%add3A_564, %dma_wait3A_778] : memref<10240x128xf32, #tpu.memory_space<vmem_shared>> -> memref<64x128xf32, #tpu.memory_space<vmem_shared>>
      tpu.wait_dma2 semaphore(%run_scoped3A_759 : memref<!tpu.dma_semaphore, #tpu.memory_space<semaphore_mem>>) src(%dma_wait3A_779 : memref<64x128xf32, #tpu.memory_space<vmem_shared>>) dst(%dma_wait3A_777 : memref<64x128xf32, #tpu.memory_space<vmem>>)
      tpu.yield
    }) : () -> ()
    %dma_start3A_577 = arith.constant 0 : i32
    %dma_start3A_578 = arith.constant 0 : i32
    %dma_start3A_579 = tpu.memref_slice %arg10[%dma_start3A_577, %dma_start3A_578] : memref<96x128xf32, #tpu.memory_space<vmem>> -> memref<64x128xf32, #tpu.memory_space<vmem>>
    %dma_start3A_580 = arith.constant 0 : i32
    %dma_start3A_581 = tpu.memref_slice %arg4[%arg0, %add3A_564, %dma_start3A_580] : memref<2x10240x128xf32, #tpu.memory_space<hbm>> -> memref<1x64x128xf32, #tpu.memory_space<hbm>>
    %dma_start3A_582 = tpu.memref_squeeze %dma_start3A_581 : memref<1x64x128xf32, #tpu.memory_space<hbm>> -> memref<64x128xf32, #tpu.memory_space<hbm>>
    %dma_start3A_583 = arith.constant 0 : i32
    %dma_start3A_584 = tpu.memref_slice %arg4[%arg0, %add3A_564, %dma_start3A_583] : memref<2x10240x128xf32, #tpu.memory_space<hbm>> -> memref<1x64x128xf32, #tpu.memory_space<hbm>>
    %dma_start3A_585 = tpu.memref_squeeze %dma_start3A_584 : memref<1x64x128xf32, #tpu.memory_space<hbm>> -> memref<64x128xf32, #tpu.memory_space<hbm>>
    %dma_start3A_586 = arith.constant 0 : i32
    %dma_start3A_587 = arith.constant 0 : i32
    %dma_start3A_588 = tpu.memref_slice %arg10[%dma_start3A_586, %dma_start3A_587] : memref<96x128xf32, #tpu.memory_space<vmem>> -> memref<64x128xf32, #tpu.memory_space<vmem>>
    tpu.enqueue_dma source(%dma_start3A_588 : memref<64x128xf32, #tpu.memory_space<vmem>>) target(%dma_start3A_585 : memref<64x128xf32, #tpu.memory_space<hbm>>) target_semaphore(%arg22 : memref<!tpu.dma_semaphore, #tpu.memory_space<semaphore_mem>>)
    %add3A_589 = arith.constant 320 : i32
    %add3A_590 = arith.addi %mul3A_21, %add3A_589 : i32
    %dma_wait3A_591 = arith.constant 0 : i32
    %dma_wait3A_592 = arith.constant 0 : i32
    %dma_wait3A_593 = tpu.memref_slice %arg11[%dma_wait3A_591, %dma_wait3A_592] : memref<96x128xf32, #tpu.memory_space<vmem>> -> memref<64x128xf32, #tpu.memory_space<vmem>>
    %dma_wait3A_594 = arith.constant 0 : i32
    %dma_wait3A_595 = tpu.memref_slice %arg4[%arg0, %mul3A_21, %dma_wait3A_594] : memref<2x10240x128xf32, #tpu.memory_space<hbm>> -> memref<1x64x128xf32, #tpu.memory_space<hbm>>
    %dma_wait3A_596 = tpu.memref_squeeze %dma_wait3A_595 : memref<1x64x128xf32, #tpu.memory_space<hbm>> -> memref<64x128xf32, #tpu.memory_space<hbm>>
    %dma_wait3A_597 = arith.constant 0 : i32
    %dma_wait3A_598 = tpu.memref_slice %arg4[%arg0, %mul3A_21, %dma_wait3A_597] : memref<2x10240x128xf32, #tpu.memory_space<hbm>> -> memref<1x64x128xf32, #tpu.memory_space<hbm>>
    %dma_wait3A_599 = tpu.memref_squeeze %dma_wait3A_598 : memref<1x64x128xf32, #tpu.memory_space<hbm>> -> memref<64x128xf32, #tpu.memory_space<hbm>>
    %dma_wait3A_600 = arith.constant 0 : i32
    %dma_wait3A_601 = arith.constant 0 : i32
    %dma_wait3A_602 = tpu.memref_slice %arg11[%dma_wait3A_600, %dma_wait3A_601] : memref<96x128xf32, #tpu.memory_space<vmem>> -> memref<64x128xf32, #tpu.memory_space<vmem>>
    tpu.wait_dma2 semaphore(%arg23 : memref<!tpu.dma_semaphore, #tpu.memory_space<semaphore_mem>>) src(%dma_wait3A_602 : memref<64x128xf32, #tpu.memory_space<vmem>>) dst(%dma_wait3A_599 : memref<64x128xf32, #tpu.memory_space<hbm>>)
    "tpu.region"() ({
      %run_scoped3A_759 = tpu.sem_alloc : memref<!tpu.dma_semaphore, #tpu.memory_space<semaphore_mem>>
      %dma_start3A_760 = arith.constant 0 : i32
      %dma_start3A_761 = arith.constant 0 : i32
      %dma_start3A_762 = tpu.memref_slice %arg11[%dma_start3A_760, %dma_start3A_761] : memref<96x128xf32, #tpu.memory_space<vmem>> -> memref<64x128xf32, #tpu.memory_space<vmem>>
      %dma_start3A_763 = arith.constant 0 : i32
      %dma_start3A_764 = tpu.memref_slice %arg16[%add3A_590, %dma_start3A_763] : memref<10240x128xf32, #tpu.memory_space<vmem_shared>> -> memref<64x128xf32, #tpu.memory_space<vmem_shared>>
      %dma_start3A_765 = arith.constant 0 : i32
      %dma_start3A_766 = arith.constant 0 : i32
      %dma_start3A_767 = tpu.memref_slice %arg11[%dma_start3A_765, %dma_start3A_766] : memref<96x128xf32, #tpu.memory_space<vmem>> -> memref<64x128xf32, #tpu.memory_space<vmem>>
      %dma_start3A_768 = arith.constant 0 : i32
      %dma_start3A_769 = tpu.memref_slice %arg16[%add3A_590, %dma_start3A_768] : memref<10240x128xf32, #tpu.memory_space<vmem_shared>> -> memref<64x128xf32, #tpu.memory_space<vmem_shared>>
      tpu.enqueue_dma source(%dma_start3A_769 : memref<64x128xf32, #tpu.memory_space<vmem_shared>>) target(%dma_start3A_767 : memref<64x128xf32, #tpu.memory_space<vmem>>) target_semaphore(%run_scoped3A_759 : memref<!tpu.dma_semaphore, #tpu.memory_space<semaphore_mem>>)
      %dma_wait3A_770 = arith.constant 0 : i32
      %dma_wait3A_771 = arith.constant 0 : i32
      %dma_wait3A_772 = tpu.memref_slice %arg11[%dma_wait3A_770, %dma_wait3A_771] : memref<96x128xf32, #tpu.memory_space<vmem>> -> memref<64x128xf32, #tpu.memory_space<vmem>>
      %dma_wait3A_773 = arith.constant 0 : i32
      %dma_wait3A_774 = tpu.memref_slice %arg16[%add3A_590, %dma_wait3A_773] : memref<10240x128xf32, #tpu.memory_space<vmem_shared>> -> memref<64x128xf32, #tpu.memory_space<vmem_shared>>
      %dma_wait3A_775 = arith.constant 0 : i32
      %dma_wait3A_776 = arith.constant 0 : i32
      %dma_wait3A_777 = tpu.memref_slice %arg11[%dma_wait3A_775, %dma_wait3A_776] : memref<96x128xf32, #tpu.memory_space<vmem>> -> memref<64x128xf32, #tpu.memory_space<vmem>>
      %dma_wait3A_778 = arith.constant 0 : i32
      %dma_wait3A_779 = tpu.memref_slice %arg16[%add3A_590, %dma_wait3A_778] : memref<10240x128xf32, #tpu.memory_space<vmem_shared>> -> memref<64x128xf32, #tpu.memory_space<vmem_shared>>
      tpu.wait_dma2 semaphore(%run_scoped3A_759 : memref<!tpu.dma_semaphore, #tpu.memory_space<semaphore_mem>>) src(%dma_wait3A_779 : memref<64x128xf32, #tpu.memory_space<vmem_shared>>) dst(%dma_wait3A_777 : memref<64x128xf32, #tpu.memory_space<vmem>>)
      tpu.yield
    }) : () -> ()
    %dma_start3A_603 = arith.constant 0 : i32
    %dma_start3A_604 = arith.constant 0 : i32
    %dma_start3A_605 = tpu.memref_slice %arg11[%dma_start3A_603, %dma_start3A_604] : memref<96x128xf32, #tpu.memory_space<vmem>> -> memref<64x128xf32, #tpu.memory_space<vmem>>
    %dma_start3A_606 = arith.constant 0 : i32
    %dma_start3A_607 = tpu.memref_slice %arg4[%arg0, %add3A_590, %dma_start3A_606] : memref<2x10240x128xf32, #tpu.memory_space<hbm>> -> memref<1x64x128xf32, #tpu.memory_space<hbm>>
    %dma_start3A_608 = tpu.memref_squeeze %dma_start3A_607 : memref<1x64x128xf32, #tpu.memory_space<hbm>> -> memref<64x128xf32, #tpu.memory_space<hbm>>
    %dma_start3A_609 = arith.constant 0 : i32
    %dma_start3A_610 = tpu.memref_slice %arg4[%arg0, %add3A_590, %dma_start3A_609] : memref<2x10240x128xf32, #tpu.memory_space<hbm>> -> memref<1x64x128xf32, #tpu.memory_space<hbm>>
    %dma_start3A_611 = tpu.memref_squeeze %dma_start3A_610 : memref<1x64x128xf32, #tpu.memory_space<hbm>> -> memref<64x128xf32, #tpu.memory_space<hbm>>
    %dma_start3A_612 = arith.constant 0 : i32
    %dma_start3A_613 = arith.constant 0 : i32
    %dma_start3A_614 = tpu.memref_slice %arg11[%dma_start3A_612, %dma_start3A_613] : memref<96x128xf32, #tpu.memory_space<vmem>> -> memref<64x128xf32, #tpu.memory_space<vmem>>
    tpu.enqueue_dma source(%dma_start3A_614 : memref<64x128xf32, #tpu.memory_space<vmem>>) target(%dma_start3A_611 : memref<64x128xf32, #tpu.memory_space<hbm>>) target_semaphore(%arg23 : memref<!tpu.dma_semaphore, #tpu.memory_space<semaphore_mem>>)
    %add3A_615 = arith.constant 384 : i32
    %add3A_616 = arith.addi %mul3A_21, %add3A_615 : i32
    %dma_wait3A_617 = arith.constant 0 : i32
    %dma_wait3A_618 = arith.constant 0 : i32
    %dma_wait3A_619 = tpu.memref_slice %arg9[%dma_wait3A_617, %dma_wait3A_618] : memref<96x128xf32, #tpu.memory_space<vmem>> -> memref<64x128xf32, #tpu.memory_space<vmem>>
    %dma_wait3A_620 = arith.constant 0 : i32
    %dma_wait3A_621 = tpu.memref_slice %arg4[%arg0, %mul3A_21, %dma_wait3A_620] : memref<2x10240x128xf32, #tpu.memory_space<hbm>> -> memref<1x64x128xf32, #tpu.memory_space<hbm>>
    %dma_wait3A_622 = tpu.memref_squeeze %dma_wait3A_621 : memref<1x64x128xf32, #tpu.memory_space<hbm>> -> memref<64x128xf32, #tpu.memory_space<hbm>>
    %dma_wait3A_623 = arith.constant 0 : i32
    %dma_wait3A_624 = tpu.memref_slice %arg4[%arg0, %mul3A_21, %dma_wait3A_623] : memref<2x10240x128xf32, #tpu.memory_space<hbm>> -> memref<1x64x128xf32, #tpu.memory_space<hbm>>
    %dma_wait3A_625 = tpu.memref_squeeze %dma_wait3A_624 : memref<1x64x128xf32, #tpu.memory_space<hbm>> -> memref<64x128xf32, #tpu.memory_space<hbm>>
    %dma_wait3A_626 = arith.constant 0 : i32
    %dma_wait3A_627 = arith.constant 0 : i32
    %dma_wait3A_628 = tpu.memref_slice %arg9[%dma_wait3A_626, %dma_wait3A_627] : memref<96x128xf32, #tpu.memory_space<vmem>> -> memref<64x128xf32, #tpu.memory_space<vmem>>
    tpu.wait_dma2 semaphore(%arg21 : memref<!tpu.dma_semaphore, #tpu.memory_space<semaphore_mem>>) src(%dma_wait3A_628 : memref<64x128xf32, #tpu.memory_space<vmem>>) dst(%dma_wait3A_625 : memref<64x128xf32, #tpu.memory_space<hbm>>)
    "tpu.region"() ({
      %run_scoped3A_759 = tpu.sem_alloc : memref<!tpu.dma_semaphore, #tpu.memory_space<semaphore_mem>>
      %dma_start3A_760 = arith.constant 0 : i32
      %dma_start3A_761 = arith.constant 0 : i32
      %dma_start3A_762 = tpu.memref_slice %arg9[%dma_start3A_760, %dma_start3A_761] : memref<96x128xf32, #tpu.memory_space<vmem>> -> memref<64x128xf32, #tpu.memory_space<vmem>>
      %dma_start3A_763 = arith.constant 0 : i32
      %dma_start3A_764 = tpu.memref_slice %arg16[%add3A_616, %dma_start3A_763] : memref<10240x128xf32, #tpu.memory_space<vmem_shared>> -> memref<64x128xf32, #tpu.memory_space<vmem_shared>>
      %dma_start3A_765 = arith.constant 0 : i32
      %dma_start3A_766 = arith.constant 0 : i32
      %dma_start3A_767 = tpu.memref_slice %arg9[%dma_start3A_765, %dma_start3A_766] : memref<96x128xf32, #tpu.memory_space<vmem>> -> memref<64x128xf32, #tpu.memory_space<vmem>>
      %dma_start3A_768 = arith.constant 0 : i32
      %dma_start3A_769 = tpu.memref_slice %arg16[%add3A_616, %dma_start3A_768] : memref<10240x128xf32, #tpu.memory_space<vmem_shared>> -> memref<64x128xf32, #tpu.memory_space<vmem_shared>>
      tpu.enqueue_dma source(%dma_start3A_769 : memref<64x128xf32, #tpu.memory_space<vmem_shared>>) target(%dma_start3A_767 : memref<64x128xf32, #tpu.memory_space<vmem>>) target_semaphore(%run_scoped3A_759 : memref<!tpu.dma_semaphore, #tpu.memory_space<semaphore_mem>>)
      %dma_wait3A_770 = arith.constant 0 : i32
      %dma_wait3A_771 = arith.constant 0 : i32
      %dma_wait3A_772 = tpu.memref_slice %arg9[%dma_wait3A_770, %dma_wait3A_771] : memref<96x128xf32, #tpu.memory_space<vmem>> -> memref<64x128xf32, #tpu.memory_space<vmem>>
      %dma_wait3A_773 = arith.constant 0 : i32
      %dma_wait3A_774 = tpu.memref_slice %arg16[%add3A_616, %dma_wait3A_773] : memref<10240x128xf32, #tpu.memory_space<vmem_shared>> -> memref<64x128xf32, #tpu.memory_space<vmem_shared>>
      %dma_wait3A_775 = arith.constant 0 : i32
      %dma_wait3A_776 = arith.constant 0 : i32
      %dma_wait3A_777 = tpu.memref_slice %arg9[%dma_wait3A_775, %dma_wait3A_776] : memref<96x128xf32, #tpu.memory_space<vmem>> -> memref<64x128xf32, #tpu.memory_space<vmem>>
      %dma_wait3A_778 = arith.constant 0 : i32
      %dma_wait3A_779 = tpu.memref_slice %arg16[%add3A_616, %dma_wait3A_778] : memref<10240x128xf32, #tpu.memory_space<vmem_shared>> -> memref<64x128xf32, #tpu.memory_space<vmem_shared>>
      tpu.wait_dma2 semaphore(%run_scoped3A_759 : memref<!tpu.dma_semaphore, #tpu.memory_space<semaphore_mem>>) src(%dma_wait3A_779 : memref<64x128xf32, #tpu.memory_space<vmem_shared>>) dst(%dma_wait3A_777 : memref<64x128xf32, #tpu.memory_space<vmem>>)
      tpu.yield
    }) : () -> ()
    %dma_start3A_629 = arith.constant 0 : i32
    %dma_start3A_630 = arith.constant 0 : i32
    %dma_start3A_631 = tpu.memref_slice %arg9[%dma_start3A_629, %dma_start3A_630] : memref<96x128xf32, #tpu.memory_space<vmem>> -> memref<64x128xf32, #tpu.memory_space<vmem>>
    %dma_start3A_632 = arith.constant 0 : i32
    %dma_start3A_633 = tpu.memref_slice %arg4[%arg0, %add3A_616, %dma_start3A_632] : memref<2x10240x128xf32, #tpu.memory_space<hbm>> -> memref<1x64x128xf32, #tpu.memory_space<hbm>>
    %dma_start3A_634 = tpu.memref_squeeze %dma_start3A_633 : memref<1x64x128xf32, #tpu.memory_space<hbm>> -> memref<64x128xf32, #tpu.memory_space<hbm>>
    %dma_start3A_635 = arith.constant 0 : i32
    %dma_start3A_636 = tpu.memref_slice %arg4[%arg0, %add3A_616, %dma_start3A_635] : memref<2x10240x128xf32, #tpu.memory_space<hbm>> -> memref<1x64x128xf32, #tpu.memory_space<hbm>>
    %dma_start3A_637 = tpu.memref_squeeze %dma_start3A_636 : memref<1x64x128xf32, #tpu.memory_space<hbm>> -> memref<64x128xf32, #tpu.memory_space<hbm>>
    %dma_start3A_638 = arith.constant 0 : i32
    %dma_start3A_639 = arith.constant 0 : i32
    %dma_start3A_640 = tpu.memref_slice %arg9[%dma_start3A_638, %dma_start3A_639] : memref<96x128xf32, #tpu.memory_space<vmem>> -> memref<64x128xf32, #tpu.memory_space<vmem>>
    tpu.enqueue_dma source(%dma_start3A_640 : memref<64x128xf32, #tpu.memory_space<vmem>>) target(%dma_start3A_637 : memref<64x128xf32, #tpu.memory_space<hbm>>) target_semaphore(%arg21 : memref<!tpu.dma_semaphore, #tpu.memory_space<semaphore_mem>>)
    %add3A_641 = arith.constant 448 : i32
    %add3A_642 = arith.addi %mul3A_21, %add3A_641 : i32
    %dma_wait3A_643 = arith.constant 0 : i32
    %dma_wait3A_644 = arith.constant 0 : i32
    %dma_wait3A_645 = tpu.memref_slice %arg10[%dma_wait3A_643, %dma_wait3A_644] : memref<96x128xf32, #tpu.memory_space<vmem>> -> memref<64x128xf32, #tpu.memory_space<vmem>>
    %dma_wait3A_646 = arith.constant 0 : i32
    %dma_wait3A_647 = tpu.memref_slice %arg4[%arg0, %mul3A_21, %dma_wait3A_646] : memref<2x10240x128xf32, #tpu.memory_space<hbm>> -> memref<1x64x128xf32, #tpu.memory_space<hbm>>
    %dma_wait3A_648 = tpu.memref_squeeze %dma_wait3A_647 : memref<1x64x128xf32, #tpu.memory_space<hbm>> -> memref<64x128xf32, #tpu.memory_space<hbm>>
    %dma_wait3A_649 = arith.constant 0 : i32
    %dma_wait3A_650 = tpu.memref_slice %arg4[%arg0, %mul3A_21, %dma_wait3A_649] : memref<2x10240x128xf32, #tpu.memory_space<hbm>> -> memref<1x64x128xf32, #tpu.memory_space<hbm>>
    %dma_wait3A_651 = tpu.memref_squeeze %dma_wait3A_650 : memref<1x64x128xf32, #tpu.memory_space<hbm>> -> memref<64x128xf32, #tpu.memory_space<hbm>>
    %dma_wait3A_652 = arith.constant 0 : i32
    %dma_wait3A_653 = arith.constant 0 : i32
    %dma_wait3A_654 = tpu.memref_slice %arg10[%dma_wait3A_652, %dma_wait3A_653] : memref<96x128xf32, #tpu.memory_space<vmem>> -> memref<64x128xf32, #tpu.memory_space<vmem>>
    tpu.wait_dma2 semaphore(%arg22 : memref<!tpu.dma_semaphore, #tpu.memory_space<semaphore_mem>>) src(%dma_wait3A_654 : memref<64x128xf32, #tpu.memory_space<vmem>>) dst(%dma_wait3A_651 : memref<64x128xf32, #tpu.memory_space<hbm>>)
    "tpu.region"() ({
      %run_scoped3A_759 = tpu.sem_alloc : memref<!tpu.dma_semaphore, #tpu.memory_space<semaphore_mem>>
      %dma_start3A_760 = arith.constant 0 : i32
      %dma_start3A_761 = arith.constant 0 : i32
      %dma_start3A_762 = tpu.memref_slice %arg10[%dma_start3A_760, %dma_start3A_761] : memref<96x128xf32, #tpu.memory_space<vmem>> -> memref<64x128xf32, #tpu.memory_space<vmem>>
      %dma_start3A_763 = arith.constant 0 : i32
      %dma_start3A_764 = tpu.memref_slice %arg16[%add3A_642, %dma_start3A_763] : memref<10240x128xf32, #tpu.memory_space<vmem_shared>> -> memref<64x128xf32, #tpu.memory_space<vmem_shared>>
      %dma_start3A_765 = arith.constant 0 : i32
      %dma_start3A_766 = arith.constant 0 : i32
      %dma_start3A_767 = tpu.memref_slice %arg10[%dma_start3A_765, %dma_start3A_766] : memref<96x128xf32, #tpu.memory_space<vmem>> -> memref<64x128xf32, #tpu.memory_space<vmem>>
      %dma_start3A_768 = arith.constant 0 : i32
      %dma_start3A_769 = tpu.memref_slice %arg16[%add3A_642, %dma_start3A_768] : memref<10240x128xf32, #tpu.memory_space<vmem_shared>> -> memref<64x128xf32, #tpu.memory_space<vmem_shared>>
      tpu.enqueue_dma source(%dma_start3A_769 : memref<64x128xf32, #tpu.memory_space<vmem_shared>>) target(%dma_start3A_767 : memref<64x128xf32, #tpu.memory_space<vmem>>) target_semaphore(%run_scoped3A_759 : memref<!tpu.dma_semaphore, #tpu.memory_space<semaphore_mem>>)
      %dma_wait3A_770 = arith.constant 0 : i32
      %dma_wait3A_771 = arith.constant 0 : i32
      %dma_wait3A_772 = tpu.memref_slice %arg10[%dma_wait3A_770, %dma_wait3A_771] : memref<96x128xf32, #tpu.memory_space<vmem>> -> memref<64x128xf32, #tpu.memory_space<vmem>>
      %dma_wait3A_773 = arith.constant 0 : i32
      %dma_wait3A_774 = tpu.memref_slice %arg16[%add3A_642, %dma_wait3A_773] : memref<10240x128xf32, #tpu.memory_space<vmem_shared>> -> memref<64x128xf32, #tpu.memory_space<vmem_shared>>
      %dma_wait3A_775 = arith.constant 0 : i32
      %dma_wait3A_776 = arith.constant 0 : i32
      %dma_wait3A_777 = tpu.memref_slice %arg10[%dma_wait3A_775, %dma_wait3A_776] : memref<96x128xf32, #tpu.memory_space<vmem>> -> memref<64x128xf32, #tpu.memory_space<vmem>>
      %dma_wait3A_778 = arith.constant 0 : i32
      %dma_wait3A_779 = tpu.memref_slice %arg16[%add3A_642, %dma_wait3A_778] : memref<10240x128xf32, #tpu.memory_space<vmem_shared>> -> memref<64x128xf32, #tpu.memory_space<vmem_shared>>
      tpu.wait_dma2 semaphore(%run_scoped3A_759 : memref<!tpu.dma_semaphore, #tpu.memory_space<semaphore_mem>>) src(%dma_wait3A_779 : memref<64x128xf32, #tpu.memory_space<vmem_shared>>) dst(%dma_wait3A_777 : memref<64x128xf32, #tpu.memory_space<vmem>>)
      tpu.yield
    }) : () -> ()
    %dma_start3A_655 = arith.constant 0 : i32
    %dma_start3A_656 = arith.constant 0 : i32
    %dma_start3A_657 = tpu.memref_slice %arg10[%dma_start3A_655, %dma_start3A_656] : memref<96x128xf32, #tpu.memory_space<vmem>> -> memref<64x128xf32, #tpu.memory_space<vmem>>
    %dma_start3A_658 = arith.constant 0 : i32
    %dma_start3A_659 = tpu.memref_slice %arg4[%arg0, %add3A_642, %dma_start3A_658] : memref<2x10240x128xf32, #tpu.memory_space<hbm>> -> memref<1x64x128xf32, #tpu.memory_space<hbm>>
    %dma_start3A_660 = tpu.memref_squeeze %dma_start3A_659 : memref<1x64x128xf32, #tpu.memory_space<hbm>> -> memref<64x128xf32, #tpu.memory_space<hbm>>
    %dma_start3A_661 = arith.constant 0 : i32
    %dma_start3A_662 = tpu.memref_slice %arg4[%arg0, %add3A_642, %dma_start3A_661] : memref<2x10240x128xf32, #tpu.memory_space<hbm>> -> memref<1x64x128xf32, #tpu.memory_space<hbm>>
    %dma_start3A_663 = tpu.memref_squeeze %dma_start3A_662 : memref<1x64x128xf32, #tpu.memory_space<hbm>> -> memref<64x128xf32, #tpu.memory_space<hbm>>
    %dma_start3A_664 = arith.constant 0 : i32
    %dma_start3A_665 = arith.constant 0 : i32
    %dma_start3A_666 = tpu.memref_slice %arg10[%dma_start3A_664, %dma_start3A_665] : memref<96x128xf32, #tpu.memory_space<vmem>> -> memref<64x128xf32, #tpu.memory_space<vmem>>
    tpu.enqueue_dma source(%dma_start3A_666 : memref<64x128xf32, #tpu.memory_space<vmem>>) target(%dma_start3A_663 : memref<64x128xf32, #tpu.memory_space<hbm>>) target_semaphore(%arg22 : memref<!tpu.dma_semaphore, #tpu.memory_space<semaphore_mem>>)
    %add3A_667 = arith.constant 512 : i32
    %add3A_668 = arith.addi %mul3A_21, %add3A_667 : i32
    %dma_wait3A_669 = arith.constant 0 : i32
    %dma_wait3A_670 = arith.constant 0 : i32
    %dma_wait3A_671 = tpu.memref_slice %arg11[%dma_wait3A_669, %dma_wait3A_670] : memref<96x128xf32, #tpu.memory_space<vmem>> -> memref<64x128xf32, #tpu.memory_space<vmem>>
    %dma_wait3A_672 = arith.constant 0 : i32
    %dma_wait3A_673 = tpu.memref_slice %arg4[%arg0, %mul3A_21, %dma_wait3A_672] : memref<2x10240x128xf32, #tpu.memory_space<hbm>> -> memref<1x64x128xf32, #tpu.memory_space<hbm>>
    %dma_wait3A_674 = tpu.memref_squeeze %dma_wait3A_673 : memref<1x64x128xf32, #tpu.memory_space<hbm>> -> memref<64x128xf32, #tpu.memory_space<hbm>>
    %dma_wait3A_675 = arith.constant 0 : i32
    %dma_wait3A_676 = tpu.memref_slice %arg4[%arg0, %mul3A_21, %dma_wait3A_675] : memref<2x10240x128xf32, #tpu.memory_space<hbm>> -> memref<1x64x128xf32, #tpu.memory_space<hbm>>
    %dma_wait3A_677 = tpu.memref_squeeze %dma_wait3A_676 : memref<1x64x128xf32, #tpu.memory_space<hbm>> -> memref<64x128xf32, #tpu.memory_space<hbm>>
    %dma_wait3A_678 = arith.constant 0 : i32
    %dma_wait3A_679 = arith.constant 0 : i32
    %dma_wait3A_680 = tpu.memref_slice %arg11[%dma_wait3A_678, %dma_wait3A_679] : memref<96x128xf32, #tpu.memory_space<vmem>> -> memref<64x128xf32, #tpu.memory_space<vmem>>
    tpu.wait_dma2 semaphore(%arg23 : memref<!tpu.dma_semaphore, #tpu.memory_space<semaphore_mem>>) src(%dma_wait3A_680 : memref<64x128xf32, #tpu.memory_space<vmem>>) dst(%dma_wait3A_677 : memref<64x128xf32, #tpu.memory_space<hbm>>)
    "tpu.region"() ({
      %run_scoped3A_759 = tpu.sem_alloc : memref<!tpu.dma_semaphore, #tpu.memory_space<semaphore_mem>>
      %dma_start3A_760 = arith.constant 0 : i32
      %dma_start3A_761 = arith.constant 0 : i32
      %dma_start3A_762 = tpu.memref_slice %arg11[%dma_start3A_760, %dma_start3A_761] : memref<96x128xf32, #tpu.memory_space<vmem>> -> memref<64x128xf32, #tpu.memory_space<vmem>>
      %dma_start3A_763 = arith.constant 0 : i32
      %dma_start3A_764 = tpu.memref_slice %arg16[%add3A_668, %dma_start3A_763] : memref<10240x128xf32, #tpu.memory_space<vmem_shared>> -> memref<64x128xf32, #tpu.memory_space<vmem_shared>>
      %dma_start3A_765 = arith.constant 0 : i32
      %dma_start3A_766 = arith.constant 0 : i32
      %dma_start3A_767 = tpu.memref_slice %arg11[%dma_start3A_765, %dma_start3A_766] : memref<96x128xf32, #tpu.memory_space<vmem>> -> memref<64x128xf32, #tpu.memory_space<vmem>>
      %dma_start3A_768 = arith.constant 0 : i32
      %dma_start3A_769 = tpu.memref_slice %arg16[%add3A_668, %dma_start3A_768] : memref<10240x128xf32, #tpu.memory_space<vmem_shared>> -> memref<64x128xf32, #tpu.memory_space<vmem_shared>>
      tpu.enqueue_dma source(%dma_start3A_769 : memref<64x128xf32, #tpu.memory_space<vmem_shared>>) target(%dma_start3A_767 : memref<64x128xf32, #tpu.memory_space<vmem>>) target_semaphore(%run_scoped3A_759 : memref<!tpu.dma_semaphore, #tpu.memory_space<semaphore_mem>>)
      %dma_wait3A_770 = arith.constant 0 : i32
      %dma_wait3A_771 = arith.constant 0 : i32
      %dma_wait3A_772 = tpu.memref_slice %arg11[%dma_wait3A_770, %dma_wait3A_771] : memref<96x128xf32, #tpu.memory_space<vmem>> -> memref<64x128xf32, #tpu.memory_space<vmem>>
      %dma_wait3A_773 = arith.constant 0 : i32
      %dma_wait3A_774 = tpu.memref_slice %arg16[%add3A_668, %dma_wait3A_773] : memref<10240x128xf32, #tpu.memory_space<vmem_shared>> -> memref<64x128xf32, #tpu.memory_space<vmem_shared>>
      %dma_wait3A_775 = arith.constant 0 : i32
      %dma_wait3A_776 = arith.constant 0 : i32
      %dma_wait3A_777 = tpu.memref_slice %arg11[%dma_wait3A_775, %dma_wait3A_776] : memref<96x128xf32, #tpu.memory_space<vmem>> -> memref<64x128xf32, #tpu.memory_space<vmem>>
      %dma_wait3A_778 = arith.constant 0 : i32
      %dma_wait3A_779 = tpu.memref_slice %arg16[%add3A_668, %dma_wait3A_778] : memref<10240x128xf32, #tpu.memory_space<vmem_shared>> -> memref<64x128xf32, #tpu.memory_space<vmem_shared>>
      tpu.wait_dma2 semaphore(%run_scoped3A_759 : memref<!tpu.dma_semaphore, #tpu.memory_space<semaphore_mem>>) src(%dma_wait3A_779 : memref<64x128xf32, #tpu.memory_space<vmem_shared>>) dst(%dma_wait3A_777 : memref<64x128xf32, #tpu.memory_space<vmem>>)
      tpu.yield
    }) : () -> ()
    %dma_start3A_681 = arith.constant 0 : i32
    %dma_start3A_682 = arith.constant 0 : i32
    %dma_start3A_683 = tpu.memref_slice %arg11[%dma_start3A_681, %dma_start3A_682] : memref<96x128xf32, #tpu.memory_space<vmem>> -> memref<64x128xf32, #tpu.memory_space<vmem>>
    %dma_start3A_684 = arith.constant 0 : i32
    %dma_start3A_685 = tpu.memref_slice %arg4[%arg0, %add3A_668, %dma_start3A_684] : memref<2x10240x128xf32, #tpu.memory_space<hbm>> -> memref<1x64x128xf32, #tpu.memory_space<hbm>>
    %dma_start3A_686 = tpu.memref_squeeze %dma_start3A_685 : memref<1x64x128xf32, #tpu.memory_space<hbm>> -> memref<64x128xf32, #tpu.memory_space<hbm>>
    %dma_start3A_687 = arith.constant 0 : i32
    %dma_start3A_688 = tpu.memref_slice %arg4[%arg0, %add3A_668, %dma_start3A_687] : memref<2x10240x128xf32, #tpu.memory_space<hbm>> -> memref<1x64x128xf32, #tpu.memory_space<hbm>>
    %dma_start3A_689 = tpu.memref_squeeze %dma_start3A_688 : memref<1x64x128xf32, #tpu.memory_space<hbm>> -> memref<64x128xf32, #tpu.memory_space<hbm>>
    %dma_start3A_690 = arith.constant 0 : i32
    %dma_start3A_691 = arith.constant 0 : i32
    %dma_start3A_692 = tpu.memref_slice %arg11[%dma_start3A_690, %dma_start3A_691] : memref<96x128xf32, #tpu.memory_space<vmem>> -> memref<64x128xf32, #tpu.memory_space<vmem>>
    tpu.enqueue_dma source(%dma_start3A_692 : memref<64x128xf32, #tpu.memory_space<vmem>>) target(%dma_start3A_689 : memref<64x128xf32, #tpu.memory_space<hbm>>) target_semaphore(%arg23 : memref<!tpu.dma_semaphore, #tpu.memory_space<semaphore_mem>>)
    %add3A_693 = arith.constant 576 : i32
    %add3A_694 = arith.addi %mul3A_21, %add3A_693 : i32
    %dma_wait3A_695 = arith.constant 0 : i32
    %dma_wait3A_696 = arith.constant 0 : i32
    %dma_wait3A_697 = tpu.memref_slice %arg9[%dma_wait3A_695, %dma_wait3A_696] : memref<96x128xf32, #tpu.memory_space<vmem>> -> memref<64x128xf32, #tpu.memory_space<vmem>>
    %dma_wait3A_698 = arith.constant 0 : i32
    %dma_wait3A_699 = tpu.memref_slice %arg4[%arg0, %mul3A_21, %dma_wait3A_698] : memref<2x10240x128xf32, #tpu.memory_space<hbm>> -> memref<1x64x128xf32, #tpu.memory_space<hbm>>
    %dma_wait3A_700 = tpu.memref_squeeze %dma_wait3A_699 : memref<1x64x128xf32, #tpu.memory_space<hbm>> -> memref<64x128xf32, #tpu.memory_space<hbm>>
    %dma_wait3A_701 = arith.constant 0 : i32
    %dma_wait3A_702 = tpu.memref_slice %arg4[%arg0, %mul3A_21, %dma_wait3A_701] : memref<2x10240x128xf32, #tpu.memory_space<hbm>> -> memref<1x64x128xf32, #tpu.memory_space<hbm>>
    %dma_wait3A_703 = tpu.memref_squeeze %dma_wait3A_702 : memref<1x64x128xf32, #tpu.memory_space<hbm>> -> memref<64x128xf32, #tpu.memory_space<hbm>>
    %dma_wait3A_704 = arith.constant 0 : i32
    %dma_wait3A_705 = arith.constant 0 : i32
    %dma_wait3A_706 = tpu.memref_slice %arg9[%dma_wait3A_704, %dma_wait3A_705] : memref<96x128xf32, #tpu.memory_space<vmem>> -> memref<64x128xf32, #tpu.memory_space<vmem>>
    tpu.wait_dma2 semaphore(%arg21 : memref<!tpu.dma_semaphore, #tpu.memory_space<semaphore_mem>>) src(%dma_wait3A_706 : memref<64x128xf32, #tpu.memory_space<vmem>>) dst(%dma_wait3A_703 : memref<64x128xf32, #tpu.memory_space<hbm>>)
    "tpu.region"() ({
      %run_scoped3A_759 = tpu.sem_alloc : memref<!tpu.dma_semaphore, #tpu.memory_space<semaphore_mem>>
      %dma_start3A_760 = arith.constant 0 : i32
      %dma_start3A_761 = arith.constant 0 : i32
      %dma_start3A_762 = tpu.memref_slice %arg9[%dma_start3A_760, %dma_start3A_761] : memref<96x128xf32, #tpu.memory_space<vmem>> -> memref<64x128xf32, #tpu.memory_space<vmem>>
      %dma_start3A_763 = arith.constant 0 : i32
      %dma_start3A_764 = tpu.memref_slice %arg16[%add3A_694, %dma_start3A_763] : memref<10240x128xf32, #tpu.memory_space<vmem_shared>> -> memref<64x128xf32, #tpu.memory_space<vmem_shared>>
      %dma_start3A_765 = arith.constant 0 : i32
      %dma_start3A_766 = arith.constant 0 : i32
      %dma_start3A_767 = tpu.memref_slice %arg9[%dma_start3A_765, %dma_start3A_766] : memref<96x128xf32, #tpu.memory_space<vmem>> -> memref<64x128xf32, #tpu.memory_space<vmem>>
      %dma_start3A_768 = arith.constant 0 : i32
      %dma_start3A_769 = tpu.memref_slice %arg16[%add3A_694, %dma_start3A_768] : memref<10240x128xf32, #tpu.memory_space<vmem_shared>> -> memref<64x128xf32, #tpu.memory_space<vmem_shared>>
      tpu.enqueue_dma source(%dma_start3A_769 : memref<64x128xf32, #tpu.memory_space<vmem_shared>>) target(%dma_start3A_767 : memref<64x128xf32, #tpu.memory_space<vmem>>) target_semaphore(%run_scoped3A_759 : memref<!tpu.dma_semaphore, #tpu.memory_space<semaphore_mem>>)
      %dma_wait3A_770 = arith.constant 0 : i32
      %dma_wait3A_771 = arith.constant 0 : i32
      %dma_wait3A_772 = tpu.memref_slice %arg9[%dma_wait3A_770, %dma_wait3A_771] : memref<96x128xf32, #tpu.memory_space<vmem>> -> memref<64x128xf32, #tpu.memory_space<vmem>>
      %dma_wait3A_773 = arith.constant 0 : i32
      %dma_wait3A_774 = tpu.memref_slice %arg16[%add3A_694, %dma_wait3A_773] : memref<10240x128xf32, #tpu.memory_space<vmem_shared>> -> memref<64x128xf32, #tpu.memory_space<vmem_shared>>
      %dma_wait3A_775 = arith.constant 0 : i32
      %dma_wait3A_776 = arith.constant 0 : i32
      %dma_wait3A_777 = tpu.memref_slice %arg9[%dma_wait3A_775, %dma_wait3A_776] : memref<96x128xf32, #tpu.memory_space<vmem>> -> memref<64x128xf32, #tpu.memory_space<vmem>>
      %dma_wait3A_778 = arith.constant 0 : i32
      %dma_wait3A_779 = tpu.memref_slice %arg16[%add3A_694, %dma_wait3A_778] : memref<10240x128xf32, #tpu.memory_space<vmem_shared>> -> memref<64x128xf32, #tpu.memory_space<vmem_shared>>
      tpu.wait_dma2 semaphore(%run_scoped3A_759 : memref<!tpu.dma_semaphore, #tpu.memory_space<semaphore_mem>>) src(%dma_wait3A_779 : memref<64x128xf32, #tpu.memory_space<vmem_shared>>) dst(%dma_wait3A_777 : memref<64x128xf32, #tpu.memory_space<vmem>>)
      tpu.yield
    }) : () -> ()
    %dma_start3A_707 = arith.constant 0 : i32
    %dma_start3A_708 = arith.constant 0 : i32
    %dma_start3A_709 = tpu.memref_slice %arg9[%dma_start3A_707, %dma_start3A_708] : memref<96x128xf32, #tpu.memory_space<vmem>> -> memref<64x128xf32, #tpu.memory_space<vmem>>
    %dma_start3A_710 = arith.constant 0 : i32
    %dma_start3A_711 = tpu.memref_slice %arg4[%arg0, %add3A_694, %dma_start3A_710] : memref<2x10240x128xf32, #tpu.memory_space<hbm>> -> memref<1x64x128xf32, #tpu.memory_space<hbm>>
    %dma_start3A_712 = tpu.memref_squeeze %dma_start3A_711 : memref<1x64x128xf32, #tpu.memory_space<hbm>> -> memref<64x128xf32, #tpu.memory_space<hbm>>
    %dma_start3A_713 = arith.constant 0 : i32
    %dma_start3A_714 = tpu.memref_slice %arg4[%arg0, %add3A_694, %dma_start3A_713] : memref<2x10240x128xf32, #tpu.memory_space<hbm>> -> memref<1x64x128xf32, #tpu.memory_space<hbm>>
    %dma_start3A_715 = tpu.memref_squeeze %dma_start3A_714 : memref<1x64x128xf32, #tpu.memory_space<hbm>> -> memref<64x128xf32, #tpu.memory_space<hbm>>
    %dma_start3A_716 = arith.constant 0 : i32
    %dma_start3A_717 = arith.constant 0 : i32
    %dma_start3A_718 = tpu.memref_slice %arg9[%dma_start3A_716, %dma_start3A_717] : memref<96x128xf32, #tpu.memory_space<vmem>> -> memref<64x128xf32, #tpu.memory_space<vmem>>
    tpu.enqueue_dma source(%dma_start3A_718 : memref<64x128xf32, #tpu.memory_space<vmem>>) target(%dma_start3A_715 : memref<64x128xf32, #tpu.memory_space<hbm>>) target_semaphore(%arg21 : memref<!tpu.dma_semaphore, #tpu.memory_space<semaphore_mem>>)
    %dma_wait3A_719 = arith.constant 0 : i32
    %dma_wait3A_720 = arith.constant 0 : i32
    %dma_wait3A_721 = tpu.memref_slice %arg10[%dma_wait3A_719, %dma_wait3A_720] : memref<96x128xf32, #tpu.memory_space<vmem>> -> memref<64x128xf32, #tpu.memory_space<vmem>>
    %dma_wait3A_722 = arith.constant 0 : i32
    %dma_wait3A_723 = tpu.memref_slice %arg4[%arg0, %mul3A_21, %dma_wait3A_722] : memref<2x10240x128xf32, #tpu.memory_space<hbm>> -> memref<1x64x128xf32, #tpu.memory_space<hbm>>
    %dma_wait3A_724 = tpu.memref_squeeze %dma_wait3A_723 : memref<1x64x128xf32, #tpu.memory_space<hbm>> -> memref<64x128xf32, #tpu.memory_space<hbm>>
    %dma_wait3A_725 = arith.constant 0 : i32
    %dma_wait3A_726 = tpu.memref_slice %arg4[%arg0, %mul3A_21, %dma_wait3A_725] : memref<2x10240x128xf32, #tpu.memory_space<hbm>> -> memref<1x64x128xf32, #tpu.memory_space<hbm>>
    %dma_wait3A_727 = tpu.memref_squeeze %dma_wait3A_726 : memref<1x64x128xf32, #tpu.memory_space<hbm>> -> memref<64x128xf32, #tpu.memory_space<hbm>>
    %dma_wait3A_728 = arith.constant 0 : i32
    %dma_wait3A_729 = arith.constant 0 : i32
    %dma_wait3A_730 = tpu.memref_slice %arg10[%dma_wait3A_728, %dma_wait3A_729] : memref<96x128xf32, #tpu.memory_space<vmem>> -> memref<64x128xf32, #tpu.memory_space<vmem>>
    tpu.wait_dma2 semaphore(%arg22 : memref<!tpu.dma_semaphore, #tpu.memory_space<semaphore_mem>>) src(%dma_wait3A_730 : memref<64x128xf32, #tpu.memory_space<vmem>>) dst(%dma_wait3A_727 : memref<64x128xf32, #tpu.memory_space<hbm>>)
    %dma_wait3A_731 = arith.constant 0 : i32
    %dma_wait3A_732 = arith.constant 0 : i32
    %dma_wait3A_733 = tpu.memref_slice %arg11[%dma_wait3A_731, %dma_wait3A_732] : memref<96x128xf32, #tpu.memory_space<vmem>> -> memref<64x128xf32, #tpu.memory_space<vmem>>
    %dma_wait3A_734 = arith.constant 0 : i32
    %dma_wait3A_735 = tpu.memref_slice %arg4[%arg0, %mul3A_21, %dma_wait3A_734] : memref<2x10240x128xf32, #tpu.memory_space<hbm>> -> memref<1x64x128xf32, #tpu.memory_space<hbm>>
    %dma_wait3A_736 = tpu.memref_squeeze %dma_wait3A_735 : memref<1x64x128xf32, #tpu.memory_space<hbm>> -> memref<64x128xf32, #tpu.memory_space<hbm>>
    %dma_wait3A_737 = arith.constant 0 : i32
    %dma_wait3A_738 = tpu.memref_slice %arg4[%arg0, %mul3A_21, %dma_wait3A_737] : memref<2x10240x128xf32, #tpu.memory_space<hbm>> -> memref<1x64x128xf32, #tpu.memory_space<hbm>>
    %dma_wait3A_739 = tpu.memref_squeeze %dma_wait3A_738 : memref<1x64x128xf32, #tpu.memory_space<hbm>> -> memref<64x128xf32, #tpu.memory_space<hbm>>
    %dma_wait3A_740 = arith.constant 0 : i32
    %dma_wait3A_741 = arith.constant 0 : i32
    %dma_wait3A_742 = tpu.memref_slice %arg11[%dma_wait3A_740, %dma_wait3A_741] : memref<96x128xf32, #tpu.memory_space<vmem>> -> memref<64x128xf32, #tpu.memory_space<vmem>>
    tpu.wait_dma2 semaphore(%arg23 : memref<!tpu.dma_semaphore, #tpu.memory_space<semaphore_mem>>) src(%dma_wait3A_742 : memref<64x128xf32, #tpu.memory_space<vmem>>) dst(%dma_wait3A_739 : memref<64x128xf32, #tpu.memory_space<hbm>>)
    %dma_wait3A_743 = arith.constant 0 : i32
    %dma_wait3A_744 = arith.constant 0 : i32
    %dma_wait3A_745 = tpu.memref_slice %arg9[%dma_wait3A_743, %dma_wait3A_744] : memref<96x128xf32, #tpu.memory_space<vmem>> -> memref<64x128xf32, #tpu.memory_space<vmem>>
    %dma_wait3A_746 = arith.constant 0 : i32
    %dma_wait3A_747 = tpu.memref_slice %arg4[%arg0, %mul3A_21, %dma_wait3A_746] : memref<2x10240x128xf32, #tpu.memory_space<hbm>> -> memref<1x64x128xf32, #tpu.memory_space<hbm>>
    %dma_wait3A_748 = tpu.memref_squeeze %dma_wait3A_747 : memref<1x64x128xf32, #tpu.memory_space<hbm>> -> memref<64x128xf32, #tpu.memory_space<hbm>>
    %dma_wait3A_749 = arith.constant 0 : i32
    %dma_wait3A_750 = tpu.memref_slice %arg4[%arg0, %mul3A_21, %dma_wait3A_749] : memref<2x10240x128xf32, #tpu.memory_space<hbm>> -> memref<1x64x128xf32, #tpu.memory_space<hbm>>
    %dma_wait3A_751 = tpu.memref_squeeze %dma_wait3A_750 : memref<1x64x128xf32, #tpu.memory_space<hbm>> -> memref<64x128xf32, #tpu.memory_space<hbm>>
    %dma_wait3A_752 = arith.constant 0 : i32
    %dma_wait3A_753 = arith.constant 0 : i32
    %dma_wait3A_754 = tpu.memref_slice %arg9[%dma_wait3A_752, %dma_wait3A_753] : memref<96x128xf32, #tpu.memory_space<vmem>> -> memref<64x128xf32, #tpu.memory_space<vmem>>
    tpu.wait_dma2 semaphore(%arg21 : memref<!tpu.dma_semaphore, #tpu.memory_space<semaphore_mem>>) src(%dma_wait3A_754 : memref<64x128xf32, #tpu.memory_space<vmem>>) dst(%dma_wait3A_751 : memref<64x128xf32, #tpu.memory_space<hbm>>)
    %mul3A_755 = arith.constant 40 : i32
    %mul3A_756 = arith.muli %arg1, %mul3A_755 : i32
    "tpu.region"() ({
      %run_scoped3A_759 = tpu.sem_alloc : memref<!tpu.dma_semaphore, #tpu.memory_space<semaphore_mem>>
      %dma_start3A_760 = arith.constant 0 : i32
      %dma_start3A_761 = arith.constant 0 : i32
      %dma_start3A_762 = tpu.memref_slice %arg9[%dma_start3A_760, %dma_start3A_761] : memref<96x128xf32, #tpu.memory_space<vmem>> -> memref<40x16xf32, #tpu.memory_space<vmem>>
      %dma_start3A_763 = arith.constant 0 : i32
      %dma_start3A_764 = tpu.memref_slice %arg17[%mul3A_756, %dma_start3A_763] : memref<640x16xf32, #tpu.memory_space<vmem_shared>> -> memref<40x16xf32, #tpu.memory_space<vmem_shared>>
      %dma_start3A_765 = arith.constant 0 : i32
      %dma_start3A_766 = arith.constant 0 : i32
      %dma_start3A_767 = tpu.memref_slice %arg9[%dma_start3A_765, %dma_start3A_766] : memref<96x128xf32, #tpu.memory_space<vmem>> -> memref<40x16xf32, #tpu.memory_space<vmem>>
      %dma_start3A_768 = arith.constant 0 : i32
      %dma_start3A_769 = tpu.memref_slice %arg17[%mul3A_756, %dma_start3A_768] : memref<640x16xf32, #tpu.memory_space<vmem_shared>> -> memref<40x16xf32, #tpu.memory_space<vmem_shared>>
      tpu.enqueue_dma source(%dma_start3A_769 : memref<40x16xf32, #tpu.memory_space<vmem_shared>>) target(%dma_start3A_767 : memref<40x16xf32, #tpu.memory_space<vmem>>) target_semaphore(%run_scoped3A_759 : memref<!tpu.dma_semaphore, #tpu.memory_space<semaphore_mem>>)
      %dma_wait3A_770 = arith.constant 0 : i32
      %dma_wait3A_771 = arith.constant 0 : i32
      %dma_wait3A_772 = tpu.memref_slice %arg9[%dma_wait3A_770, %dma_wait3A_771] : memref<96x128xf32, #tpu.memory_space<vmem>> -> memref<40x16xf32, #tpu.memory_space<vmem>>
      %dma_wait3A_773 = arith.constant 0 : i32
      %dma_wait3A_774 = tpu.memref_slice %arg17[%mul3A_756, %dma_wait3A_773] : memref<640x16xf32, #tpu.memory_space<vmem_shared>> -> memref<40x16xf32, #tpu.memory_space<vmem_shared>>
      %dma_wait3A_775 = arith.constant 0 : i32
      %dma_wait3A_776 = arith.constant 0 : i32
      %dma_wait3A_777 = tpu.memref_slice %arg9[%dma_wait3A_775, %dma_wait3A_776] : memref<96x128xf32, #tpu.memory_space<vmem>> -> memref<40x16xf32, #tpu.memory_space<vmem>>
      %dma_wait3A_778 = arith.constant 0 : i32
      %dma_wait3A_779 = tpu.memref_slice %arg17[%mul3A_756, %dma_wait3A_778] : memref<640x16xf32, #tpu.memory_space<vmem_shared>> -> memref<40x16xf32, #tpu.memory_space<vmem_shared>>
      tpu.wait_dma2 semaphore(%run_scoped3A_759 : memref<!tpu.dma_semaphore, #tpu.memory_space<semaphore_mem>>) src(%dma_wait3A_779 : memref<40x16xf32, #tpu.memory_space<vmem_shared>>) dst(%dma_wait3A_777 : memref<40x16xf32, #tpu.memory_space<vmem>>)
      tpu.yield
    }) : () -> ()
    %mul3A_757 = arith.constant 40 : i32
    %mul3A_758 = arith.muli %arg1, %mul3A_757 : i32
    "tpu.region"() ({
      %run_scoped3A_759 = tpu.sem_alloc : memref<!tpu.dma_semaphore, #tpu.memory_space<semaphore_mem>>
      %dma_start3A_760 = arith.constant 0 : i32
      %dma_start3A_761 = arith.constant 0 : i32
      %dma_start3A_762 = tpu.memref_slice %arg9[%dma_start3A_760, %dma_start3A_761] : memref<96x128xf32, #tpu.memory_space<vmem>> -> memref<40x16xf32, #tpu.memory_space<vmem>>
      %dma_start3A_763 = arith.constant 0 : i32
      %dma_start3A_764 = tpu.memref_slice %arg5[%arg0, %mul3A_758, %dma_start3A_763] : memref<2x640x16xf32, #tpu.memory_space<hbm>> -> memref<1x40x16xf32, #tpu.memory_space<hbm>>
      %dma_start3A_765 = tpu.memref_squeeze %dma_start3A_764 : memref<1x40x16xf32, #tpu.memory_space<hbm>> -> memref<40x16xf32, #tpu.memory_space<hbm>>
      %dma_start3A_766 = arith.constant 0 : i32
      %dma_start3A_767 = tpu.memref_slice %arg5[%arg0, %mul3A_758, %dma_start3A_766] : memref<2x640x16xf32, #tpu.memory_space<hbm>> -> memref<1x40x16xf32, #tpu.memory_space<hbm>>
      %dma_start3A_768 = tpu.memref_squeeze %dma_start3A_767 : memref<1x40x16xf32, #tpu.memory_space<hbm>> -> memref<40x16xf32, #tpu.memory_space<hbm>>
      %dma_start3A_769 = arith.constant 0 : i32
      %dma_start3A_770 = arith.constant 0 : i32
      %dma_start3A_771 = tpu.memref_slice %arg9[%dma_start3A_769, %dma_start3A_770] : memref<96x128xf32, #tpu.memory_space<vmem>> -> memref<40x16xf32, #tpu.memory_space<vmem>>
      tpu.enqueue_dma source(%dma_start3A_771 : memref<40x16xf32, #tpu.memory_space<vmem>>) target(%dma_start3A_768 : memref<40x16xf32, #tpu.memory_space<hbm>>) target_semaphore(%run_scoped3A_759 : memref<!tpu.dma_semaphore, #tpu.memory_space<semaphore_mem>>)
      %dma_wait3A_772 = arith.constant 0 : i32
      %dma_wait3A_773 = arith.constant 0 : i32
      %dma_wait3A_774 = tpu.memref_slice %arg9[%dma_wait3A_772, %dma_wait3A_773] : memref<96x128xf32, #tpu.memory_space<vmem>> -> memref<40x16xf32, #tpu.memory_space<vmem>>
      %dma_wait3A_775 = arith.constant 0 : i32
      %dma_wait3A_776 = tpu.memref_slice %arg5[%arg0, %mul3A_758, %dma_wait3A_775] : memref<2x640x16xf32, #tpu.memory_space<hbm>> -> memref<1x40x16xf32, #tpu.memory_space<hbm>>
      %dma_wait3A_777 = tpu.memref_squeeze %dma_wait3A_776 : memref<1x40x16xf32, #tpu.memory_space<hbm>> -> memref<40x16xf32, #tpu.memory_space<hbm>>
      %dma_wait3A_778 = arith.constant 0 : i32
      %dma_wait3A_779 = tpu.memref_slice %arg5[%arg0, %mul3A_758, %dma_wait3A_778] : memref<2x640x16xf32, #tpu.memory_space<hbm>> -> memref<1x40x16xf32, #tpu.memory_space<hbm>>
      %dma_wait3A_780 = tpu.memref_squeeze %dma_wait3A_779 : memref<1x40x16xf32, #tpu.memory_space<hbm>> -> memref<40x16xf32, #tpu.memory_space<hbm>>
      %dma_wait3A_781 = arith.constant 0 : i32
      %dma_wait3A_782 = arith.constant 0 : i32
      %dma_wait3A_783 = tpu.memref_slice %arg9[%dma_wait3A_781, %dma_wait3A_782] : memref<96x128xf32, #tpu.memory_space<vmem>> -> memref<40x16xf32, #tpu.memory_space<vmem>>
      tpu.wait_dma2 semaphore(%run_scoped3A_759 : memref<!tpu.dma_semaphore, #tpu.memory_space<semaphore_mem>>) src(%dma_wait3A_783 : memref<40x16xf32, #tpu.memory_space<vmem>>) dst(%dma_wait3A_780 : memref<40x16xf32, #tpu.memory_space<hbm>>)
      tpu.yield
    }) : () -> ()
    return
  }
}

module attributes {stable_mosaic.version = 14 : i64} {
  func.func @body(%arg0: i32, %arg1: memref<1000x128xf32, #tpu.memory_space<vmem>>, %arg2: memref<128x128xf32, #tpu.memory_space<vmem>>, %arg3: memref<1x128xf32, #tpu.memory_space<vmem>>, %arg4: memref<1000x128xf32, #tpu.memory_space<vmem>>) attributes {dimension_semantics = [#tpu.dimension_semantics<arbitrary>], iteration_bounds = array<i64: 10>, scalar_prefetch = 0 : i64, scratch_operands = 0 : i64, tpu.core_type = #tpu.core_type<tc>, window_params = [{transform_indices = @transform_0, window_bounds = array<i64: 1000, 128>}, {pipeline_mode = #tpu.pipeline_mode<synchronous>, transform_indices = @transform_1, window_bounds = array<i64: 128, 128>}, {pipeline_mode = #tpu.pipeline_mode<synchronous>, transform_indices = @transform_2, window_bounds = array<i64: 1, 128>}, {transform_indices = @transform_3, window_bounds = array<i64: 1000, 128>}]} {
    %get3A = arith.constant 0 : index
    %get3A_0 = arith.constant 0 : index
    %get3A_1 = vector.load %arg1[%get3A, %get3A_0] : memref<1000x128xf32, #tpu.memory_space<vmem>>, vector<1000x128xf32>
    %get3A_2 = arith.constant 0 : index
    %get3A_3 = arith.constant 0 : index
    %get3A_4 = vector.load %arg2[%get3A_2, %get3A_3] : memref<128x128xf32, #tpu.memory_space<vmem>>, vector<128x128xf32>
    %dot_general3A = arith.constant dense<0.000000e+00> : vector<1000x128xf32>
    %dot_general3A_5 = tpu.matmul %get3A_1, %get3A_4, %dot_general3A {dimension_numbers = #tpu.dot_dimension_numbers<[1], [1], [0], [0], [0, 0, 1, 0], [], []>, precision = #tpu.contract_precision<fp32>, transpose_lhs_hint = false} : vector<1000x128xf32>, vector<128x128xf32>, vector<1000x128xf32> -> vector<1000x128xf32>
    %get3A_6 = arith.constant 0 : index
    %get3A_7 = arith.constant 0 : index
    %get3A_8 = vector.load %arg3[%get3A_6, %get3A_7] : memref<1x128xf32, #tpu.memory_space<vmem>>, vector<1x128xf32>
    %add3A = vector.broadcast %get3A_8 : vector<1x128xf32> to vector<1000x128xf32>
    %add3A_9 = arith.addf %dot_general3A_5, %add3A : vector<1000x128xf32>
    %swap3A = arith.constant 0 : index
    %swap3A_10 = arith.constant 0 : index
    %swap3A_11 = vector.load %arg4[%swap3A, %swap3A_10] : memref<1000x128xf32, #tpu.memory_space<vmem>>, vector<1000x128xf32>
    tpu.vector_store %arg4[%swap3A, %swap3A_10], %add3A_9 {strides = array<i32>} : memref<1000x128xf32, #tpu.memory_space<vmem>>, vector<1000x128xf32>,
    return
  }
  func.func @transform_0(%arg0: i32) -> (i32, i32) {
    %c0_i32 = arith.constant 0 : i32
    %c0_i32_0 = arith.constant 0 : i32
    return %arg0, %c0_i32 : i32, i32
  }
  func.func @transform_1(%arg0: i32) -> (i32, i32) {
    %c0_i32 = arith.constant 0 : i32
    %c0_i32_0 = arith.constant 0 : i32
    %c0_i32_1 = arith.constant 0 : i32
    return %c0_i32, %c0_i32_0 : i32, i32
  }
  func.func @transform_2(%arg0: i32) -> (i32, i32) {
    %c0_i32 = arith.constant 0 : i32
    %c0_i32_0 = arith.constant 0 : i32
    %c0_i32_1 = arith.constant 0 : i32
    return %c0_i32, %c0_i32_0 : i32, i32
  }
  func.func @transform_3(%arg0: i32) -> (i32, i32) {
    %c0_i32 = arith.constant 0 : i32
    %c0_i32_0 = arith.constant 0 : i32
    return %arg0, %c0_i32 : i32, i32
  }
}

module attributes {stable_mosaic.version = 14 : i64} {
  func.func @body(%arg0: i32, %arg1: memref<1x1000x128xf32, #tpu.memory_space<vmem>>, %arg2: memref<1x1000x128xf32, #tpu.memory_space<vmem>>, %arg3: memref<1000x1xf32, #tpu.memory_space<vmem>>, %arg4: memref<1000x1xf32, #tpu.memory_space<vmem>>, %arg5: memref<1000x128xf32, #tpu.memory_space<vmem>>, %arg6: memref<128x128xf32, #tpu.memory_space<vmem>>, %arg7: memref<1000x128xf32, #tpu.memory_space<vmem>>) attributes {dimension_semantics = [#tpu.dimension_semantics<arbitrary>], iteration_bounds = array<i64: 10>, scalar_prefetch = 0 : i64, scratch_operands = 0 : i64, tpu.core_type = #tpu.core_type<tc>, window_params = [{transform_indices = @transform_0, window_bounds = array<i64: 1, 1000, 128>}, {transform_indices = @transform_1, window_bounds = array<i64: 1, 1000, 128>}, {transform_indices = @transform_2, window_bounds = array<i64: 1000, 1>}, {transform_indices = @transform_3, window_bounds = array<i64: 1000, 1>}, {transform_indices = @transform_4, window_bounds = array<i64: 1000, 128>}, {pipeline_mode = #tpu.pipeline_mode<synchronous>, transform_indices = @transform_5, window_bounds = array<i64: 128, 128>}, {transform_indices = @transform_6, window_bounds = array<i64: 1000, 128>}]} {
    %get3A = arith.constant 0 : index
    %get3A_0 = arith.constant 0 : index
    %get3A_1 = vector.load %arg3[%get3A, %get3A_0] : memref<1000x1xf32, #tpu.memory_space<vmem>>, vector<1000x1xf32>
    %get3A_2 = arith.constant 0 : index
    %get3A_3 = arith.constant 0 : index
    %get3A_4 = vector.load %arg4[%get3A_2, %get3A_3] : memref<1000x1xf32, #tpu.memory_space<vmem>>, vector<1000x1xf32>
    %add3A = arith.addf %get3A_1, %get3A_4 : vector<1000x1xf32>
    %max3A = arith.constant 1.000000e+00 : f32
    %max3A_5 = vector.broadcast %max3A : f32 to vector<1000x1xf32>
    %max3A_6 = arith.maximumf %add3A, %max3A_5 : vector<1000x1xf32>
    %get3A_7 = arith.constant 0 : index
    %get3A_8 = arith.constant 0 : index
    %get3A_9 = arith.constant 0 : index
    %get3A_10 = vector.load %arg1[%get3A_7, %get3A_8, %get3A_9] : memref<1x1000x128xf32, #tpu.memory_space<vmem>>, vector<1x1000x128xf32>
    %get3A_11 = vector.shape_cast %get3A_10 : vector<1x1000x128xf32> to vector<1000x128xf32>
    %get3A_12 = arith.constant 0 : index
    %get3A_13 = arith.constant 0 : index
    %get3A_14 = arith.constant 0 : index
    %get3A_15 = vector.load %arg2[%get3A_12, %get3A_13, %get3A_14] : memref<1x1000x128xf32, #tpu.memory_space<vmem>>, vector<1x1000x128xf32>
    %get3A_16 = vector.shape_cast %get3A_15 : vector<1x1000x128xf32> to vector<1000x128xf32>
    %add3A_17 = arith.addf %get3A_11, %get3A_16 : vector<1000x128xf32>
    %div3A = vector.broadcast %max3A_6 : vector<1000x1xf32> to vector<1000x128xf32>
    %div3A_18 = arith.divf %add3A_17, %div3A : vector<1000x128xf32>
    %get3A_19 = arith.constant 0 : index
    %get3A_20 = arith.constant 0 : index
    %get3A_21 = vector.load %arg6[%get3A_19, %get3A_20] : memref<128x128xf32, #tpu.memory_space<vmem>>, vector<128x128xf32>
    %dot_general3A = arith.constant dense<0.000000e+00> : vector<1000x128xf32>
    %dot_general3A_22 = tpu.matmul %div3A_18, %get3A_21, %dot_general3A {dimension_numbers = #tpu.dot_dimension_numbers<[1], [1], [0], [0], [0, 0, 1, 0], [], []>, precision = #tpu.contract_precision<fp32>, transpose_lhs_hint = false} : vector<1000x128xf32>, vector<128x128xf32>, vector<1000x128xf32> -> vector<1000x128xf32>
    %get3A_23 = arith.constant 0 : index
    %get3A_24 = arith.constant 0 : index
    %get3A_25 = vector.load %arg5[%get3A_23, %get3A_24] : memref<1000x128xf32, #tpu.memory_space<vmem>>, vector<1000x128xf32>
    %add3A_26 = arith.addf %dot_general3A_22, %get3A_25 : vector<1000x128xf32>
    %max3A_27 = arith.constant 0.000000e+00 : f32
    %max3A_28 = vector.broadcast %max3A_27 : f32 to vector<1000x128xf32>
    %max3A_29 = arith.maximumf %add3A_26, %max3A_28 : vector<1000x128xf32>
    %swap3A = arith.constant 0 : index
    %swap3A_30 = arith.constant 0 : index
    %swap3A_31 = vector.load %arg7[%swap3A, %swap3A_30] : memref<1000x128xf32, #tpu.memory_space<vmem>>, vector<1000x128xf32>
    tpu.vector_store %arg7[%swap3A, %swap3A_30], %max3A_29 {strides = array<i32>} : memref<1000x128xf32, #tpu.memory_space<vmem>>, vector<1000x128xf32>,
    return
  }
  func.func @transform_0(%arg0: i32) -> (i32, i32, i32) {
    %c0_i32 = arith.constant 0 : i32
    %c0_i32_0 = arith.constant 0 : i32
    %c0_i32_1 = arith.constant 0 : i32
    return %c0_i32, %arg0, %c0_i32_0 : i32, i32, i32
  }
  func.func @transform_1(%arg0: i32) -> (i32, i32, i32) {
    %c1_i32 = arith.constant 1 : i32
    %c0_i32 = arith.constant 0 : i32
    %c0_i32_0 = arith.constant 0 : i32
    return %c1_i32, %arg0, %c0_i32 : i32, i32, i32
  }
  func.func @transform_2(%arg0: i32) -> (i32, i32) {
    %c0_i32 = arith.constant 0 : i32
    %c0_i32_0 = arith.constant 0 : i32
    return %arg0, %c0_i32 : i32, i32
  }
  func.func @transform_3(%arg0: i32) -> (i32, i32) {
    %c0_i32 = arith.constant 0 : i32
    %c0_i32_0 = arith.constant 0 : i32
    return %arg0, %c0_i32 : i32, i32
  }
  func.func @transform_4(%arg0: i32) -> (i32, i32) {
    %c0_i32 = arith.constant 0 : i32
    %c0_i32_0 = arith.constant 0 : i32
    return %arg0, %c0_i32 : i32, i32
  }
  func.func @transform_5(%arg0: i32) -> (i32, i32) {
    %c0_i32 = arith.constant 0 : i32
    %c0_i32_0 = arith.constant 0 : i32
    %c0_i32_1 = arith.constant 0 : i32
    return %c0_i32, %c0_i32_0 : i32, i32
  }
  func.func @transform_6(%arg0: i32) -> (i32, i32) {
    %c0_i32 = arith.constant 0 : i32
    %c0_i32_0 = arith.constant 0 : i32
    return %arg0, %c0_i32 : i32, i32
  }
}

</mosaic_0001>

<sc_bundles>
// kernel: kernel.5.cloned.1.call-start
scs
__scs_entry_jumppad:
0x0: {  	(pc) =	sbr.rel $0x88, $3  }
0x1: {  	(tag) =	ssettag $0x0;
	lr =	simm.s32 $0x1  }
0x2: {  	[smem:$0x3F9C] =	sst lr;
	_ =	strace $0xD0000000  }
0x3: {  	_ = 	snop  }
0x4: {  	_ = 	snop  }
0x5: {  	_ = 	snop  }
0x6: {  	_ = 	snop  }
0x7: {  	_ = 	snop  }
__scs_overlays_trampoline_lowered:
0x8: {  	[smem:$0x3FAB] =	sst s0  }
0x9: {  	[smem:$0x3FAC] =	sst s1  }
0xa: {  	[smem:$0x3FAD] =	sst s2  }
0xb: {  	[smem:$0x3FAE] =	sst s3  }
0xc: {  	[smem:$0x3FAF] =	sst s4  }
0xd: {  	[smem:$0x3FB0] =	sst s5  }
0xe: {  	[smem:$0x3FB1] =	sst s6  }
0xf: {  	[smem:$0x3FB2] =	sst s7  }
0x10: {  	[smem:$0x3FB3] =	sst s8  }
0x11: {  	[smem:$0x3FB4] =	sst s9;
	s0 =	simm.s32 @!p0 $0x0  }
0x12: {  	s1 =	sld [smem:$0x3F9A];
	s0 =	simm.s32 @p0 $0x1  }
0x13: {  	[smem:$0x3FB5] =	sst s0;
	s0 =	simm.s32 @!p1 $0x0  }
0x14: {  	s2 =	sld [smem:$0x3F99];
	s0 =	simm.s32 @p1 $0x1  }
0x15: {  	[smem:$0x3FB6] =	sst s0;
	s0 =	simm.s32 @!p2 $0x0  }
0x16: {  	s3 =	sld [smem:$0x3FDB];
	s0 =	simm.s32 @p2 $0x1  }
0x17: {  	s4 =	simm.s32 $0x1BF5;
	[smem:$0x3FB8] =	sst s0  }
0x18: {  	s0 =	sld [smem:$0x3F9B];
	_ =	swait.ge [sflag:s4], $0x0  }
0x19: {  	s7 =	sld [smem:$0x3F9C]  }
0x1a: {  	s8 =	sadd.s32 $0xFFFFE003, lr  }
0x1b: {  	s9 =	sadd.s32 $0xFFFFFEF7, lr;
	s5 =	simm.s32 $0xFFFFFFFF;
	p2 =	slt.u32 s8, $0xFFFFF086  }
0x1c: {  	p1 =	slt.u32 s9, $0xF7A;
	s5 =	simm.s32 @!p2 $0x0  }
0x1d: {  	s5 =	simm.s32 @p1 $0x1;
	p0 =	seq.s32 s7, s2  }
0x1e: {  	s7 =	smul.u32 @!p0 $0xF7A, s2;
	p2 =	seq.s32 @!p0 s5, $0x0  }
0x1f: {  	s9 =	smul.u32 $0xF7A, s1;
	s8 =	simm.s32 @!p0 $0x1BF5;
	p2 =	por !p2, p0  }
0x20: {  	[sflag:s8] =	ssyncset.s32 @!p0 $0xFFFFF086;
	s6 =	sadd.s32 @!p0 s3, s7;
	s7 =	simm.s32 @!p0 $0x108  }
0x21: {  	s3 =	sadd.s32 s3, s9;
	s6 =	sadd.s32 @!p0 $0x88, s6;
	s7 =	simm.s32 @p2 $0x1082  }
0x22: {  	[simem:s7], [sflag:s8] =	dma.local @!p0 [hbm:s6], $0xF7A  }
0x23: {  	s9 =	sor.u32 $0xD0000000, s2;
	s6 =	simm.s32 $0x108;
	_ =	swait.ge @!p0 [sflag:s8], $0x0  }
0x24: {  	s3 =	sadd.s32 $0x88, s3;
	s6 =	simm.s32 @!p1 $0x1082;
	[sflag:s4] =	ssyncset.s32 $0xFFFFF086  }
0x25: {  	[simem:s6], [sflag:s4] =	dma.local [hbm:s3], $0xF7A  }
0x26: {  	[smem:$0x3F9C] =	sst s1;
	(tag) =	ssettag s2;
	_ =	strace s9  }
0x27: {  	s1 =	sld [smem:$0x3FAC]  }
0x28: {  	s2 =	sld [smem:$0x3FAD]  }
0x29: {  	s4 =	sld [smem:$0x3FAF]  }
0x2a: {  	p0 =	seq.s32 s5, $0x0;
	s5 =	sld [smem:$0x3FB0]  }
0x2b: {  	s6 =	sld [smem:$0x3FB1]  }
0x2c: {  	s7 =	sld [smem:$0x3FB2]  }
0x2d: {  	s3 =	simm.s32 $0x108;
	s8 =	sld [smem:$0x3FB3]  }
0x2e: {  	s3 =	simm.s32 @!p0 $0x1082;
	s9 =	sld [smem:$0x3FB4]  }
0x2f: {  	lr =	sadd.s32 s0, s3;
	s0 =	sld [smem:$0x3FAB]  }
0x30: {  	s3 =	sld [smem:$0x3FAE]  }
0x31: {  	[smem:$0x3FB7] =	sst s10  }
0x32: {  	s10 =	sld [smem:$0x3FB5];
	_ =	sdelay $0x3  }
0x33: {  	p0 =	seq.s32 s10, $0x1;
	s10 =	sld [smem:$0x3FB7];
	_ =	sdelay $0x3  }
0x34: {  	[smem:$0x3FB7] =	sst s10  }
0x35: {  	s10 =	sld [smem:$0x3FB6];
	_ =	sdelay $0x3  }
0x36: {  	p1 =	seq.s32 s10, $0x1;
	s10 =	sld [smem:$0x3FB7];
	_ =	sdelay $0x3  }
0x37: {  	[smem:$0x3FB7] =	sst s10  }
0x38: {  	s10 =	sld [smem:$0x3FB8]  }
0x39: {  	_ = 	snop;
	(pc) =	sbr.ind lr, $3  }
0x3a: {  	_ = 	snop  }
0x3b: {  	_ = 	snop  }
0x3c: {  	p2 =	seq.s32 s10, $0x1;
	s10 =	sld [smem:$0x3FB7]  }
0x3d: {  	_ =	shalt  }
0x3e: {  	_ =	shalt  }
0x3f: {  	_ =	shalt  }
0x40: {  	_ =	shalt  }
0x41: {  	_ =	shalt  }
0x42: {  	_ =	shalt  }
0x43: {  	_ =	shalt  }
0x44: {  	_ =	shalt  }
0x45: {  	_ =	shalt  }
0x46: {  	_ =	shalt  }
0x47: {  	_ =	shalt  }
0x48: {  	_ =	shalt  }
0x49: {  	_ =	shalt  }
0x4a: {  	_ =	shalt  }
0x4b: {  	_ =	shalt  }
0x4c: {  	_ =	shalt  }
0x4d: {  	_ =	shalt  }
0x4e: {  	_ =	shalt  }
0x4f: {  	_ =	shalt  }
0x50: {  	_ =	shalt  }
0x51: {  	_ =	shalt  }
0x52: {  	_ =	shalt  }
0x53: {  	_ =	shalt  }
0x54: {  	_ =	shalt  }
0x55: {  	_ =	shalt  }
0x56: {  	_ =	shalt  }
0x57: {  	_ =	shalt  }
0x58: {  	_ =	shalt  }
0x59: {  	_ =	shalt  }
0x5a: {  	_ =	shalt  }
0x5b: {  	_ =	shalt  }
0x5c: {  	_ =	shalt  }
0x5d: {  	_ =	shalt  }
0x5e: {  	_ =	shalt  }
0x5f: {  	_ =	shalt  }
0x60: {  	_ =	shalt  }
0x61: {  	_ =	shalt  }
0x62: {  	_ =	shalt  }
0x63: {  	_ =	shalt  }
0x64: {  	_ =	shalt  }
0x65: {  	_ =	shalt  }
0x66: {  	_ =	shalt  }
0x67: {  	_ =	shalt  }
0x68: {  	_ =	shalt  }
0x69: {  	_ =	shalt  }
0x6a: {  	_ =	shalt  }
0x6b: {  	_ =	shalt  }
0x6c: {  	_ =	shalt  }
0x6d: {  	_ =	shalt  }
0x6e: {  	_ =	shalt  }
0x6f: {  	_ =	shalt  }
0x70: {  	_ =	shalt  }
0x71: {  	_ =	shalt  }
0x72: {  	_ =	shalt  }
0x73: {  	_ =	shalt  }
0x74: {  	_ =	shalt  }
0x75: {  	_ =	shalt  }
0x76: {  	_ =	shalt  }
0x77: {  	_ =	shalt  }
0x78: {  	_ =	shalt  }
0x79: {  	_ =	shalt  }
0x7a: {  	_ =	shalt  }
0x7b: {  	_ =	shalt  }
0x7c: {  	_ =	shalt  }
0x7d: {  	_ =	shalt  }
0x7e: {  	_ =	shalt  }
0x7f: {  	_ =	shalt  }
0x80: {  	_ =	shalt  }
0x81: {  	_ =	shalt  }
0x82: {  	_ =	shalt  }
0x83: {  	_ =	shalt  }
0x84: {  	_ =	shalt  }
0x85: {  	_ =	shalt  }
0x86: {  	_ =	shalt  }
0x87: {  	_ =	shalt  }
.Lfunc_end0:
.L_simem_size_0:
called_computation_lowered:
.L_overlay_start_0:
0x88: {  	s2 =	sld [smem:$0x3FD9]  }
0x89: {  	s3 =	sld [smem:$0x3FFE];
	_ =	sdelay $0x1  }
0x8a: {  	s1 =	srdreg.scid  }
0x8b: {  	s0 =	sand.u32 $0x1, s1  }
0x8c: {  	s17 =	sshll.u32 s0, $0xA;
	s2 =	sadd.s32 s3, s2  }
0x8d: {  	s2 =	sadd.s32 s2, s17  }
0x8e: {  	[smem:$0x3FC3] =	sst s2  }
0x8f: {  	_ = 	snop  }
0x90: {  	s2 =	sld [smem:$0x3FC9]  }
0x91: {  	s18 =	sld [smem:$0x3FD0];
	(tm) =	ssettm $0x1  }
0x92: {  	s4 =	sld [smem:$0x3FFB];
	_ =	sdelay $0x3  }
0x93: {  	_ =	strace s4  }
0x94: {  	s4 =	sld [smem:$0x3FFC];
	_ =	sdelay $0x3  }
0x95: {  	_ =	strace s4  }
0x96: {  	s4 =	sld [smem:$0x3FFD];
	_ =	sdelay $0x3  }
0x97: {  	_ =	strace s4  }
0x98: {  	_ =	strace $0x8FFFFFFF  }
0x99: {  	s19 =	sld [smem:$0x3FDB];
	_ =	sdelay $0x1  }
0x9a: {  	s5 =	simm.s32 $_scs_section_size  }
0x9b: {  	s6 =	simm.s32 $_size__tile_overlayer_lowered;
	s7 =	simm.s32 $_tile_overlayer_lowered  }
0x9c: {  	s22 =	simm.s32 $0x1BFF;
	s21 =	sshll.u32 s7, $0x1;
	s4 =	sadd.s32 s5, s19  }
0x9d: {  	s8 =	simm.s32 $0x0;
	s20 =	sshll.u32 s6, $0x1;
	s6 =	sadd.s32 s21, s4  }
0x9e: {  	[timem:s8], [sflag:s22] =	dma.local [hbm:s6], s20  }
0x9f: {  	_ =	swait.ge [sflag:s22], s20  }
0xa0: {  	s5 =	ssub.s32 $0x0, s20;
	[sflag:s22] =	ssyncset.done $0x0  }
0xa1: {  	[sflag:s22] =	ssyncadd.s32 s5;
	_ =	sdelay $0x1  }
0xa2: {  	s23 =	simm.s32 $0x1B8B  }
0xa3: {  	_ =	swait.ge [sflag:s23], $0x1  }
0xa4: {  	[sflag:s23] =	ssyncset.done $0x0  }
0xa5: {  	s25 =	simm.s32 $0x1B8E;
	s24 =	sld [smem:$0x3FFE];
	[sflag:s23] =	ssyncadd.s32 $0xFFFFFFFF  }
0xa6: {  	s26 =	simm.s32 $execute0_lowered;
	[smem:$0x3FD2] =	sst s25  }
0xa7: {  	s6 =	sshll.u32 s26, $0x1;
	_ =	strace $0x80000046;
	[dreg:$0x1] =	wrdreg $0xFFFFFFFF  }
0xa8: {  	s28 =	simm.s32 $_size_execute0_lowered;
	s4 =	sadd.s32 s4, s6;
	[dreg:$0x0] =	wrdreg $0x0  }
0xa9: {  	s6 =	sshll.u32 s28, $0x1;
	[dreg:$0x2] =	wrdreg s4  }
0xaa: {  	[dreg:$0x3] =	wrdreg s6  }
0xab: {  	[dreg:$0x4] =	wrdreg $0xC0  }
0xac: {  	_ =	task [dreg:s8], $0x5FFFF  }
0xad: {  	[dreg:$0x1] =	wrdreg $0xFFFFFFFF  }
0xae: {  	[dreg:$0x0] =	wrdreg $0x60  }
0xaf: {  	[dreg:$0x2] =	wrdreg s2  }
0xb0: {  	[dreg:$0x3] =	wrdreg s18  }
0xb1: {  	[dreg:$0x4] =	wrdreg s24  }
0xb2: {  	[dreg:$0x5] =	wrdreg $0xBCE00  }
0xb3: {  	[dreg:$0x6] =	wrdreg $0x1FCE00  }
0xb4: {  	[dreg:$0x7] =	wrdreg $0x9  }
0xb5: {  	_ =	task.clear_ibuf [dreg:s8], $0x8FFFF;
	_ =	strace $0x90000046  }
0xb6: {  	s29 =	simm.s32 $0x9;
	_ =	strace $0x80000048  }
0xb7: {  	_ =	swait.ge [sflag:s29], $0x1  }
0xb8: {  	[sflag:s29] =	ssyncadd.s32 $0xFFFFFFFF  }
0xb9: {  	_ =	strace $0x90000048  }
0xba: {  	_ =	sfence  }
0xbb: {  	s30 =	sld [smem:$0x0];
	_ =	sdelay $0x2  }
0xbc: {  	s31 =	sshll.u32 s1, $0xD;
	s1 =	sshrl.u32 s1, $0x2  }
0xbd: {  	s3 =	sand.u32 $0x4000, s31;
	s1 =	sadd.s32 s1, s30  }
0xbe: {  	s0 =	sor.u32 s3, s0;
	s1 =	sshll.u32 s1, $0x11  }
0xbf: {  	s0 =	sor.u32 s1, s0  }
0xc0: {  	s0 =	sadd.s32 $0x8F2B, s0  }
0xc1: {  	[sflag:s0] =	ssyncadd.remote.s32 $0x1  }
0xc2: {  	_ =	sfence.sel $0xFFFF  }
0xc3: {  	[dreg:$0x0] =	wrdreg $0xFFFFFFFF;
	(pc) =	sbr.abs _section_cstart, $3  }
0xc4: {  	[dreg:$0x1] =	wrdreg $0xFFFFFFFF  }
0xc5: {  	_ =	task.clear_ibuf [dreg:s8], $0x2FFFF;
	_ =	strace $0x9FFFFFFF  }
0xc6: {  	(tm) =	ssettm $0x7FFFFFFF  }
0xc7: {  	_ =	shalt  }
tec
execute0_lowered:
.L_overlay_start_1:
0x0: {  	(tag) =	ssettag $0x1  }
0x1: {  	s0 =	srdreg.scid;
	s21 =	stileid.u32  }
0x2: {  	s3 =	rddreg [dreg:$0x2];
	s4 =	sand.u32 $0x1, s0;
	s0 =	smul.u32 $0x280, s21  }
0x3: {  	s1 =	simm.s32 $0x0;
	s31 =	simm.s32 $0x4;
	s7 =	smul.u32 $0x14000, s21  }
0x4: {  	s29 =	simm.s32 $0x5;
	[smem:$0x7FF] =	sst s1;
	s2 =	smul.u32 $0x2800, s4  }
0x5: {  	s8 =	sadd.s32 $0x2200, s3;
	s5 =	ssub.s32 $0x2, s4;
	s11 =	smul.u32 $0x140000, s4  }
0x6: {  	s22 =	smul.u32 $0x27100, s4;
	s4 =	sshll.u32 s4, $0x4;
	s6 =	sshrl.u32 s5, $0x1  }
0x7: {  	s9 =	sadd.s32 $0x6000, s7;
	s12 =	sadd.s32 $0x8000, s7;
	s13 =	sadd.s32 $0xA000, s7  }
0x8: {  	s15 =	sadd.s32 $0xC000, s7;
	s16 =	sadd.s32 $0xE000, s7;
	s17 =	sadd.s32 $0x10000, s7  }
0x9: {  	s4 =	sor.u32 s21, s4;
	s2 =	sadd.s32 s0, s2;
	s10 =	sadd.s32 s7, s11  }
0xa: {  	s19 =	sadd.s32 s11, s9;
	s20 =	sadd.s32 s11, s12;
	s24 =	sadd.s32 s11, s13  }
0xb: {  	s25 =	sadd.s32 s11, s15;
	s26 =	sadd.s32 s11, s16;
	s2 =	sshrl.u32 s2, $0x3  }
0xc: {  	s4 =	smul.u32 $0x2710, s4;
	s10 =	sshrl.u32 s10, $0x3;
	s3 =	sadd.s32 s2, s3  }
0xd: {  	s2 =	ssub.s32 s5, s6;
	s5 =	sor.u32 $0x2000, s7;
	s6 =	sadd.s32 $0x4000, s7  }
0xe: {  	s10 =	sadd.s32 s8, s10;
	s14 =	sadd.s32 s11, s5;
	s18 =	sadd.s32 s11, s6  }
0xf: {  	[dreg:$0x7] =	wrdreg s10;
	s10 =	sshrl.u32 s19, $0x3;
	s19 =	smul.u32 $0x2710, s21  }
0x10: {  	s30 =	sadd.s32 $0x1800, s3;
	s14 =	sshrl.u32 s14, $0x3;
	s10 =	sadd.s32 s8, s10  }
0x11: {  	s18 =	sshrl.u32 s18, $0x3;
	s14 =	sadd.s32 s8, s14;
	[dreg:$0xa] =	wrdreg s10  }
0x12: {  	s18 =	sadd.s32 s8, s18;
	s10 =	sshrl.u32 s24, $0x3;
	[dreg:$0x8] =	wrdreg s14  }
0x13: {  	s2 =	smax.u32 s2, $0x1;
	[dreg:$0x9] =	wrdreg s18;
	s10 =	sadd.s32 s8, s10  }
0x14: {  	s3 =	simm.s32 $0x3;
	s14 =	sshrl.u32 s20, $0x3;
	[dreg:$0xc] =	wrdreg s10  }
0x15: {  	s18 =	sadd.s32 s19, s22;
	s19 =	sshrl.u32 s26, $0x3;
	s10 =	rddreg [dreg:$0x0]  }
0x16: {  	s23 =	sadd.s32 s8, s14;
	s14 =	sshrl.u32 s25, $0x3;
	s25 =	rddreg [dreg:$0x4]  }
0x17: {  	s24 =	sadd.s32 s11, s17;
	s22 =	sadd.s32 s8, s19;
	[dreg:$0xb] =	wrdreg s23  }
0x18: {  	s26 =	sadd.s32 $0x180, s18;
	s20 =	sadd.s32 s8, s14;
	[dreg:$0xe] =	wrdreg s22  }
0x19: {  	s23 =	sadd.s32 $0x12000, s7;
	s14 =	sshrl.u32 s24, $0x3;
	[dreg:$0xd] =	wrdreg s20  }
0x1a: {  	s20 =	sadd.s32 s11, s23;
	s11 =	rddreg [dreg:$0x1];
	s14 =	sadd.s32 s8, s14  }
0x1b: {  	s19 =	sadd.s32 $0xC0, s18;
	[dreg:$0xf] =	wrdreg s14;
	s20 =	sshrl.u32 s20, $0x3  }
0x1c: {  	s28 =	sadd.s32 s0, s25;
	s14 =	rddreg [dreg:$0x3];
	s8 =	sadd.s32 s8, s20  }
0x1d: {  	s5 =	sadd.s32 s5, s14;
	s6 =	sadd.s32 s6, s14;
	[dreg:$0x10] =	wrdreg s8  }
0x1e: {  	s8 =	sshrl.u32 s26, $0x3;
	_ =	strace $0x80000047;
	[dreg:$0x12] =	wrdreg s5  }
0x1f: {  	s26 =	sadd.s32 s7, s14;
	s7 =	sadd.s32 s9, s14;
	[dreg:$0x13] =	wrdreg s6  }
0x20: {  	s21 =	sshrl.u32 s19, $0x3;
	s9 =	sadd.s32 s13, s14;
	[dreg:$0x14] =	wrdreg s7  }
0x21: {  	s22 =	sadd.s32 $0x120, s18;
	s13 =	sadd.s32 s16, s14;
	[dreg:$0x16] =	wrdreg s9  }
0x22: {  	s18 =	simm.s32 $0x120;
	s16 =	sadd.s32 s23, s14;
	[dreg:$0x18] =	wrdreg s13  }
0x23: {  	s19 =	simm.s32 $0x6;
	s0 =	sadd.s32 s21, s11;
	[dreg:$0x1a] =	wrdreg s16  }
0x24: {  	s21 =	simm.s32 $0x1E0;
	s8 =	sadd.s32 s8, s11;
	[dreg:$0x1c] =	wrdreg s2  }
0x25: {  	[dreg:$0x1d] =	wrdreg s22;
	s5 =	simm.s32 $0x60;
	s6 =	simm.s32 $0x4E200  }
0x26: {  	s7 =	simm.s32 $0xC0;
	s9 =	simm.s32 $0x240;
	s16 =	simm.s32 $0x9260  }
0x27: {  	s2 =	simm.s32 $0x180;
	s13 =	simm.s32 $0x6240;
	[dreg:$0x11] =	wrdreg s26  }
0x28: {  	s22 =	simm.s32 $0xB;
	[dreg:$0x6] =	wrdreg s8;
	s8 =	sadd.s32 s12, s14  }
0x29: {  	s12 =	sadd.s32 s15, s14;
	s15 =	sadd.s32 s17, s14;
	[dreg:$0x15] =	wrdreg s8  }
0x2a: {  	s17 =	sshrl.u32 s4, $0x3;
	s4 =	simm.s32 $0xA;
	[dreg:$0x17] =	wrdreg s12  }
0x2b: {  	[dreg:$0x19] =	wrdreg s15;
	s20 =	sadd.s32 s11, s17;
	s8 =	simm.s32 $0x1  }
0x2c: {  	s12 =	simm.s32 $0x2;
	s23 =	sadd.s32 $0xC, s20;
	[dreg:$0x1b] =	wrdreg s20  }
0x2d: {  	s15 =	simm.s32 $0x3240;
	s24 =	sadd.s32 $0x4E0, s20;
	[dreg:$0x1e] =	wrdreg s23  }
0x2e: {  	s17 =	simm.s32 $0x7;
	s25 =	sadd.s32 $0xA120, s20;
	[dreg:$0x1f] =	wrdreg s24  }
0x2f: {  	v0 =	vlaneseq.u32;
	v1 =	vimm.f32 $0.0e+00;
	v2 =	vimm.f32 $1.000000000e+00;
	s20 =	simm.s32 $0x8;
	[smem:$0x7FD] =	sst s25;
	s24 =	simm.s32 $0x0  }
.LBB2_1:
0x30: {  	[smem:$0x7FC] =	sst s24;
	s23 =	simm.s32 $0xBA60;
	s24 =	simm.s32 $0x0  }
.LBB2_2:
0x31: {  	p0 =	sne.s32 s24, $0x270  }
.Ltmp0:
0x32: {  	_ = 	snop;
	(pc) =	sbr.rel @p0 .LBB2_2-.Ltmp0, $3  }
0x33: {  	_ =	sdelay $0x1  }
0x34: {  	v3 =	vor.u32 s24, v0  }
0x35: {  	s24 =	sadd.s32 $0x10, s24;
	[tilespmem:s23+$0x0] =	vst v3;
	s23 =	sadd.s32 $0x10, s23  }
0x36: {  	s23 =	simm.s32 $0x0  }
.LBB2_4:
0x37: {  	p0 =	sne.s32 s23, $0x9FC0  }
.Ltmp1:
0x38: {  	_ = 	snop;
	(pc) =	sbr.rel @p0 .LBB2_4-.Ltmp1, $3  }
0x39: {  	_ =	sdelay $0x1  }
0x3a: {  	s24 =	sshra.s32 s23, $0x2  }
0x3b: {  	s23 =	sadd.s32 $0x40, s23;
	[tilespmem:s24+$0x9260] =	vst v1  }
0x3c: {  	s24 =	simm.s32 $0x70;
	s25 =	simm.s32 $0x3C0  }
.LBB2_6:
0x3d: {  	p0 =	sne.s32 s25, $0xBFC0;
	[tilespmem:s24+$0x240] =	vst v1  }
0x3e: {  	[tilespmem:s24+$0x1D0] =	vst v1  }
0x3f: {  	[tilespmem:s24+$0x1E0] =	vst v1  }
.Ltmp2:
0x40: {  	[tilespmem:s24+$0x1F0] =	vst v1;
	(pc) =	sbr.rel @p0 .LBB2_6-.Ltmp2, $4  }
0x41: {  	[tilespmem:s24+$0x200] =	vst v1  }
0x42: {  	[tilespmem:s24+$0x210] =	vst v1  }
0x43: {  	[tilespmem:s24+$0x220] =	vst v1  }
0x44: {  	[tilespmem:s24+$0x230] =	vst v1;
	s24 =	sshra.s32 s25, $0x2;
	s25 =	sadd.s32 $0x200, s25  }
0x45: {  	[tilespmem:s24+$0x240] =	vst v1  }
0x46: {  	[tilespmem:s24+$0x1D0] =	vst v1  }
0x47: {  	[tilespmem:s24+$0x1E0] =	vst v1  }
0x48: {  	[tilespmem:s24+$0x1F0] =	vst v1  }
0x49: {  	[tilespmem:s24+$0x200] =	vst v1  }
0x4a: {  	[tilespmem:s24+$0x210] =	vst v1  }
0x4b: {  	[tilespmem:s24+$0x220] =	vst v1  }
0x4c: {  	[tilespmem:s24+$0x230] =	vst v1;
	s24 =	simm.s32 $0x240  }
0x4d: {  	[spmem:s26] =	stream.linear.scatter [tilespmem:s24], [sflag:$0xA], $0x2000, $0x38;
	[tilespmem:$0x1FF60] =	vst v63  }
0x4e: {  	s23 =	rddreg [dreg:$0x12]  }
0x4f: {  	[spmem:s23] =	stream.linear.scatter [tilespmem:s24], [sflag:$0xA], $0x2000, $0x38;
	[tilespmem:$0x1FF60] =	vst v63  }
0x50: {  	s26 =	rddreg [dreg:$0x13]  }
0x51: {  	[spmem:s26] =	stream.linear.scatter [tilespmem:s24], [sflag:$0xA], $0x2000, $0x38;
	[tilespmem:$0x1FF60] =	vst v63  }
0x52: {  	s25 =	rddreg [dreg:$0x14]  }
0x53: {  	[spmem:s25] =	stream.linear.scatter [tilespmem:s24], [sflag:$0xA], $0x2000, $0x38;
	[tilespmem:$0x1FF60] =	vst v63  }
0x54: {  	s26 =	rddreg [dreg:$0x15]  }
0x55: {  	[spmem:s26] =	stream.linear.scatter [tilespmem:s24], [sflag:$0xA], $0x2000, $0x38;
	[tilespmem:$0x1FF60] =	vst v63  }
0x56: {  	s25 =	rddreg [dreg:$0x16]  }
0x57: {  	[spmem:s25] =	stream.linear.scatter [tilespmem:s24], [sflag:$0xA], $0x2000, $0x38;
	[tilespmem:$0x1FF60] =	vst v63  }
0x58: {  	s26 =	rddreg [dreg:$0x17]  }
0x59: {  	[spmem:s26] =	stream.linear.scatter [tilespmem:s24], [sflag:$0xA], $0x2000, $0x38;
	[tilespmem:$0x1FF60] =	vst v63  }
0x5a: {  	s25 =	rddreg [dreg:$0x18]  }
0x5b: {  	[spmem:s25] =	stream.linear.scatter [tilespmem:s24], [sflag:$0xA], $0x2000, $0x38;
	[tilespmem:$0x1FF60] =	vst v63  }
0x5c: {  	s26 =	rddreg [dreg:$0x19]  }
0x5d: {  	[spmem:s26] =	stream.linear.scatter [tilespmem:s24], [sflag:$0xA], $0x2000, $0x38;
	[tilespmem:$0x1FF60] =	vst v63  }
0x5e: {  	s25 =	rddreg [dreg:$0x1a]  }
0x5f: {  	[spmem:s25] =	stream.linear.scatter [tilespmem:s24], [sflag:$0xA], $0x2000, $0x38;
	[tilespmem:$0x1FF60] =	vst v63  }
0x60: {  	s26 =	sadd.s32 $0x0, s28;
	s25 =	simm.s32 $0x40  }
0x61: {  	[spmem:s26] =	stream.linear.scatter [tilespmem:s24], [sflag:$0xA], $0x10, $0x38;
	[tilespmem:$0x1FF60] =	vst v63  }
.LBB2_8:
0x62: {  	p0 =	sne.s32 s25, $0x9C0  }
.Ltmp3:
0x63: {  	_ = 	snop;
	(pc) =	sbr.rel @p0 .LBB2_8-.Ltmp3, $4  }
0x64: {  	_ = 	snop  }
0x65: {  	s23 =	sshra.s32 s25, $0x2;
	s25 =	sadd.s32 $0x40, s25  }
0x66: {  	s24 =	sadd.s32 $0x80, s24;
	s23 =	sadd.s32 s23, s28  }
0x67: {  	[spmem:s23] =	stream.linear.scatter [tilespmem:s24], [sflag:$0xA], $0x10, $0x38;
	[tilespmem:$0x1FF60] =	vst v63  }
0x68: {  	_ =	swait.ge [sflag:s4], $0x2000  }
0x69: {  	[sflag:s4] =	ssyncset.done $0x0  }
0x6a: {  	[sflag:s4] =	ssyncadd.s32 $0xFFFFE000  }
0x6b: {  	_ =	swait.ge [sflag:s4], $0x2000  }
0x6c: {  	[sflag:s4] =	ssyncset.done $0x0  }
0x6d: {  	[sflag:s4] =	ssyncadd.s32 $0xFFFFE000  }
0x6e: {  	_ =	swait.ge [sflag:s4], $0x2000  }
0x6f: {  	[sflag:s4] =	ssyncset.done $0x0  }
0x70: {  	[sflag:s4] =	ssyncadd.s32 $0xFFFFE000  }
0x71: {  	_ =	swait.ge [sflag:s4], $0x2000  }
0x72: {  	[sflag:s4] =	ssyncset.done $0x0  }
0x73: {  	[sflag:s4] =	ssyncadd.s32 $0xFFFFE000  }
0x74: {  	_ =	swait.ge [sflag:s4], $0x2000  }
0x75: {  	[sflag:s4] =	ssyncset.done $0x0  }
0x76: {  	[sflag:s4] =	ssyncadd.s32 $0xFFFFE000  }
0x77: {  	_ =	swait.ge [sflag:s4], $0x2000  }
0x78: {  	[sflag:s4] =	ssyncset.done $0x0  }
0x79: {  	[sflag:s4] =	ssyncadd.s32 $0xFFFFE000  }
0x7a: {  	_ =	swait.ge [sflag:s4], $0x2000  }
0x7b: {  	[sflag:s4] =	ssyncset.done $0x0  }
0x7c: {  	[sflag:s4] =	ssyncadd.s32 $0xFFFFE000  }
0x7d: {  	_ =	swait.ge [sflag:s4], $0x2000  }
0x7e: {  	[sflag:s4] =	ssyncset.done $0x0  }
0x7f: {  	[sflag:s4] =	ssyncadd.s32 $0xFFFFE000  }
0x80: {  	_ =	swait.ge [sflag:s4], $0x2000  }
0x81: {  	[sflag:s4] =	ssyncset.done $0x0  }
0x82: {  	[sflag:s4] =	ssyncadd.s32 $0xFFFFE000  }
0x83: {  	_ =	swait.ge [sflag:s4], $0x2000  }
0x84: {  	[sflag:s4] =	ssyncset.done $0x0  }
0x85: {  	[sflag:s4] =	ssyncadd.s32 $0xFFFFE000  }
0x86: {  	_ =	swait.ge [sflag:s4], $0x280  }
0x87: {  	[sflag:s4] =	ssyncset.done $0x0  }
0x88: {  	[sflag:s4] =	ssyncadd.s32 $0xFFFFFD80  }
0x89: {  	[bflag:$0x0] =	sbarrier.arrive $0xFFFF  }
0x8a: {  	s24 =	simm.s32 $0x0;
	s23 =	rddreg [dreg:$0x1b]  }
0x8b: {  	[tilespmem:s24], [sflag:$0x1] =	stream.strided.gather [hbm4b:s23+s5], $0xC0, s6, s5, $0x38;
	[tilespmem:$0x1FF60] =	vst v63  }
0x8c: {  	s26 =	rddreg [dreg:$0x1e]  }
0x8d: {  	[tilespmem:s7], [sflag:$0x2] =	stream.strided.gather [hbm4b:s26+s5], $0xC0, s6, s5, $0x38;
	[tilespmem:$0x1FF60] =	vst v63  }
0x8e: {  	_ =	swait.ge [sflag:s8], $0xC0  }
0x8f: {  	[sflag:s8] =	ssyncset.done $0x0  }
0x90: {  	s25 =	rddreg [dreg:$0x1d];
	[sflag:s8] =	ssyncadd.s32 $0xFFFFFF40  }
0x91: {  	[tilespmem:s9], [sflag:$0x4] =	stream.indirect.gather [hbm4b:s10+s5], $0x80, s24, s5, $0xb8;
	[tilespmem:$0x1FF60] =	vst v63  }
.LBB2_10:
0x92: {  	_ =	swait.ge [sflag:s12], $0xC0  }
0x93: {  	[sflag:s12] =	ssyncset.done $0x0  }
0x94: {  	[sflag:s12] =	ssyncadd.s32 $0xFFFFFF40  }
0x95: {  	[tilespmem:s15], [sflag:$0x5] =	stream.indirect.gather [hbm4b:s10+s5], $0x80, s7, s5, $0xb8;
	[tilespmem:$0x1FF60] =	vst v63  }
0x96: {  	_ =	swait.ge [sflag:s31], $0x3000  }
0x97: {  	[sflag:s31] =	ssyncset.done $0x0  }
0x98: {  	[sflag:s31] =	ssyncadd.s32 $0xFFFFD000  }
0x99: {  	v3 =	vld [tilespmem:$0x60];
	_ =	sdelay $0x7  }
0x9a: {  	[tilespmem:v3+s16+$0x0] =	vst.idx.add.f32.msk $0xffff, v2  }
0x9b: {  	v3 =	vld [tilespmem:$0x70];
	_ =	sdelay $0x7  }
0x9c: {  	[tilespmem:v3+s16+$0x0] =	vst.idx.add.f32.msk $0xffff, v2  }
0x9d: {  	v3 =	vld [tilespmem:$0x80];
	_ =	sdelay $0x7  }
0x9e: {  	[tilespmem:v3+s16+$0x0] =	vst.idx.add.f32.msk $0xffff, v2  }
0x9f: {  	v3 =	vld [tilespmem:$0x90];
	_ =	sdelay $0x7  }
0xa0: {  	[tilespmem:v3+s16+$0x0] =	vst.idx.add.f32.msk $0xffff, v2  }
0xa1: {  	v3 =	vld [tilespmem:$0xA0];
	_ =	sdelay $0x7  }
0xa2: {  	[tilespmem:v3+s16+$0x0] =	vst.idx.add.f32.msk $0xffff, v2  }
0xa3: {  	v3 =	vld [tilespmem:$0xB0];
	_ =	sdelay $0x6  }
0xa4: {  	p0 =	seq.s32 s24, $0x0  }
0xa5: {  	s23 =	simm.s32 @!p0 $0x9;
	[tilespmem:v3+s16+$0x0] =	vst.idx.add.f32.msk $0xffff, v2  }
0xa6: {  	_ =	swait.ge @!p0 [sflag:s23], $0x3000  }
0xa7: {  	[sflag:s23] =	ssyncset.done @!p0 $0x0  }
0xa8: {  	s26 =	sadd.s32 s24, s0;
	[sflag:s23] =	ssyncadd.s32 @!p0 $0xFFFFD000  }
0xa9: {  	[tilespmem:s2], [sflag:$0x3] =	stream.strided.gather [hbm4b:s26+s5], $0xC0, s6, s5, $0x38;
	[tilespmem:$0x1FF60] =	vst v63  }
0xaa: {  	_ = 	snop  }
0xab: {  	[spmem:s14] =	stream.indirect.scatter.add.f32 [tilespmem:s9], [sflag:$0x7], $0x80, s5, s5, $0xb8;
	[tilespmem:$0x1FF60] =	vst v63  }
0xac: {  	_ =	swait.ge [sflag:s3], $0xC0  }
0xad: {  	[sflag:s3] =	ssyncset.done $0x0  }
0xae: {  	[sflag:s3] =	ssyncadd.s32 $0xFFFFFF40  }
0xaf: {  	[tilespmem:s13], [sflag:$0x6] =	stream.indirect.gather [hbm4b:s10+s5], $0x80, s2, s5, $0xb8;
	[tilespmem:$0x1FF60] =	vst v63  }
0xb0: {  	_ =	swait.ge [sflag:s29], $0x3000  }
0xb1: {  	[sflag:s29] =	ssyncset.done $0x0  }
0xb2: {  	[sflag:s29] =	ssyncadd.s32 $0xFFFFD000  }
0xb3: {  	v3 =	vld [tilespmem:$0x120];
	_ =	sdelay $0x7  }
0xb4: {  	[tilespmem:v3+s16+$0x0] =	vst.idx.add.f32.msk $0xffff, v2  }
0xb5: {  	v3 =	vld [tilespmem:$0x130];
	_ =	sdelay $0x7  }
0xb6: {  	[tilespmem:v3+s16+$0x0] =	vst.idx.add.f32.msk $0xffff, v2  }
0xb7: {  	v3 =	vld [tilespmem:$0x140];
	_ =	sdelay $0x7  }
0xb8: {  	[tilespmem:v3+s16+$0x0] =	vst.idx.add.f32.msk $0xffff, v2  }
0xb9: {  	v3 =	vld [tilespmem:$0x150];
	_ =	sdelay $0x7  }
0xba: {  	[tilespmem:v3+s16+$0x0] =	vst.idx.add.f32.msk $0xffff, v2  }
0xbb: {  	v3 =	vld [tilespmem:$0x160];
	_ =	sdelay $0x7  }
0xbc: {  	[tilespmem:v3+s16+$0x0] =	vst.idx.add.f32.msk $0xffff, v2  }
0xbd: {  	v3 =	vld [tilespmem:$0x170];
	_ =	sdelay $0x7  }
0xbe: {  	[tilespmem:v3+s16+$0x0] =	vst.idx.add.f32.msk $0xffff, v2  }
0xbf: {  	_ =	swait.ge [sflag:s17], $0x3000  }
0xc0: {  	s26 =	sshrl.u32 s25, $0x3;
	[sflag:s17] =	ssyncset.done $0x0  }
0xc1: {  	s23 =	sadd.s32 s11, s26;
	[sflag:s17] =	ssyncadd.s32 $0xFFFFD000  }
0xc2: {  	[tilespmem:s1], [sflag:$0x1] =	stream.strided.gather [hbm4b:s23+s5], $0xC0, s6, s5, $0x38;
	[tilespmem:$0x1FF60] =	vst v63  }
0xc3: {  	_ = 	snop  }
0xc4: {  	[spmem:s14] =	stream.indirect.scatter.add.f32 [tilespmem:s15], [sflag:$0x8], $0x80, s18, s5, $0xb8;
	[tilespmem:$0x1FF60] =	vst v63  }
0xc5: {  	_ =	swait.ge [sflag:s8], $0xC0  }
0xc6: {  	[sflag:s8] =	ssyncset.done $0x0  }
0xc7: {  	[sflag:s8] =	ssyncadd.s32 $0xFFFFFF40  }
0xc8: {  	[tilespmem:s9], [sflag:$0x4] =	stream.indirect.gather [hbm4b:s10+s5], $0x80, s1, s5, $0xb8;
	[tilespmem:$0x1FF60] =	vst v63  }
0xc9: {  	_ =	swait.ge [sflag:s19], $0x3000  }
0xca: {  	[sflag:s19] =	ssyncset.done $0x0  }
0xcb: {  	[sflag:s19] =	ssyncadd.s32 $0xFFFFD000  }
0xcc: {  	v3 =	vld [tilespmem:$0x1E0];
	_ =	sdelay $0x7  }
0xcd: {  	[tilespmem:v3+s16+$0x0] =	vst.idx.add.f32.msk $0xffff, v2  }
0xce: {  	v3 =	vld [tilespmem:$0x1F0];
	_ =	sdelay $0x7  }
0xcf: {  	[tilespmem:v3+s16+$0x0] =	vst.idx.add.f32.msk $0xffff, v2  }
0xd0: {  	v3 =	vld [tilespmem:$0x200];
	_ =	sdelay $0x7  }
0xd1: {  	[tilespmem:v3+s16+$0x0] =	vst.idx.add.f32.msk $0xffff, v2  }
0xd2: {  	v3 =	vld [tilespmem:$0x210];
	_ =	sdelay $0x7  }
0xd3: {  	[tilespmem:v3+s16+$0x0] =	vst.idx.add.f32.msk $0xffff, v2  }
0xd4: {  	v3 =	vld [tilespmem:$0x220];
	_ =	sdelay $0x7  }
0xd5: {  	[tilespmem:v3+s16+$0x0] =	vst.idx.add.f32.msk $0xffff, v2  }
0xd6: {  	v3 =	vld [tilespmem:$0x230];
	_ =	sdelay $0x7  }
0xd7: {  	[tilespmem:v3+s16+$0x0] =	vst.idx.add.f32.msk $0xffff, v2  }
0xd8: {  	_ =	swait.ge [sflag:s20], $0x3000  }
0xd9: {  	s26 =	rddreg [dreg:$0x6]  }
0xda: {  	s23 =	sadd.s32 s24, s26;
	s24 =	sadd.s32 $0x24, s24  }
0xdb: {  	p0 =	sne.s32 s24, $0x4C8  }
.Ltmp4:
0xdc: {  	[sflag:s20] =	ssyncset.done $0x0;
	(pc) =	sbr.rel @p0 .LBB2_10-.Ltmp4, $4  }
0xdd: {  	[sflag:s20] =	ssyncadd.s32 $0xFFFFD000  }
0xde: {  	[tilespmem:s7], [sflag:$0x2] =	stream.strided.gather [hbm4b:s23+s5], $0xC0, s6, s5, $0x38;
	[tilespmem:$0x1FF60] =	vst v63  }
0xdf: {  	s25 =	sadd.s32 $0x120, s25  }
0xe0: {  	[spmem:s14] =	stream.indirect.scatter.add.f32 [tilespmem:s13], [sflag:$0x9], $0x80, s21, s5, $0xb8;
	[tilespmem:$0x1FF60] =	vst v63  }
0xe1: {  	_ =	swait.ge [sflag:s12], $0xC0  }
0xe2: {  	[sflag:s12] =	ssyncset.done $0x0  }
0xe3: {  	[sflag:s12] =	ssyncadd.s32 $0xFFFFFF40  }
0xe4: {  	[tilespmem:s15], [sflag:$0x5] =	stream.indirect.gather [hbm4b:s10+s5], $0x80, s7, s5, $0xb8;
	[tilespmem:$0x1FF60] =	vst v63  }
0xe5: {  	_ =	swait.ge [sflag:s31], $0x3000  }
0xe6: {  	[sflag:s31] =	ssyncset.done $0x0  }
0xe7: {  	[sflag:s31] =	ssyncadd.s32 $0xFFFFD000  }
0xe8: {  	v3 =	vld [tilespmem:$0x60];
	_ =	sdelay $0x7  }
0xe9: {  	[tilespmem:v3+s16+$0x0] =	vst.idx.add.f32.msk $0xffff, v2  }
0xea: {  	v3 =	vld [tilespmem:$0x70];
	_ =	sdelay $0x7  }
0xeb: {  	[tilespmem:v3+s16+$0x0] =	vst.idx.add.f32.msk $0xffff, v2  }
0xec: {  	v3 =	vld [tilespmem:$0x80];
	_ =	sdelay $0x7  }
0xed: {  	[tilespmem:v3+s16+$0x0] =	vst.idx.add.f32.msk $0xffff, v2  }
0xee: {  	v3 =	vld [tilespmem:$0x90];
	_ =	sdelay $0x7  }
0xef: {  	[tilespmem:v3+s16+$0x0] =	vst.idx.add.f32.msk $0xffff, v2  }
0xf0: {  	v3 =	vld [tilespmem:$0xA0];
	_ =	sdelay $0x7  }
0xf1: {  	[tilespmem:v3+s16+$0x0] =	vst.idx.add.f32.msk $0xffff, v2  }
0xf2: {  	v3 =	vld [tilespmem:$0xB0];
	_ =	sdelay $0x7  }
0xf3: {  	s23 =	simm.s32 $0x9;
	[tilespmem:v3+s16+$0x0] =	vst.idx.add.f32.msk $0xffff, v2  }
0xf4: {  	_ =	swait.ge [sflag:s23], $0x3000  }
0xf5: {  	[sflag:s23] =	ssyncset.done $0x0  }
0xf6: {  	s24 =	simm.s32 $0x240;
	[sflag:s23] =	ssyncadd.s32 $0xFFFFD000  }
0xf7: {  	[spmem:s14] =	stream.indirect.scatter.add.f32 [tilespmem:s24], [sflag:$0x7], $0x80, s5, s5, $0xb8;
	[tilespmem:$0x1FF60] =	vst v63  }
0xf8: {  	_ =	swait.ge [sflag:s29], $0x3000  }
0xf9: {  	[sflag:s29] =	ssyncset.done $0x0  }
0xfa: {  	[sflag:s29] =	ssyncadd.s32 $0xFFFFD000  }
0xfb: {  	v3 =	vld [tilespmem:$0x120];
	_ =	sdelay $0x7  }
0xfc: {  	[tilespmem:v3+s16+$0x0] =	vst.idx.add.f32.msk $0xffff, v2  }
0xfd: {  	v3 =	vld [tilespmem:$0x130];
	_ =	sdelay $0x7  }
0xfe: {  	[tilespmem:v3+s16+$0x0] =	vst.idx.add.f32.msk $0xffff, v2  }
0xff: {  	v3 =	vld [tilespmem:$0x140];
	_ =	sdelay $0x7  }
0x100: {  	[tilespmem:v3+s16+$0x0] =	vst.idx.add.f32.msk $0xffff, v2  }
0x101: {  	v3 =	vld [tilespmem:$0x150];
	_ =	sdelay $0x7  }
0x102: {  	[tilespmem:v3+s16+$0x0] =	vst.idx.add.f32.msk $0xffff, v2  }
0x103: {  	v3 =	vld [tilespmem:$0x160];
	_ =	sdelay $0x7  }
0x104: {  	[tilespmem:v3+s16+$0x0] =	vst.idx.add.f32.msk $0xffff, v2  }
0x105: {  	v3 =	vld [tilespmem:$0x170];
	_ =	sdelay $0x7  }
0x106: {  	[tilespmem:v3+s16+$0x0] =	vst.idx.add.f32.msk $0xffff, v2  }
0x107: {  	_ =	swait.ge [sflag:s17], $0x3000  }
0x108: {  	[sflag:s17] =	ssyncset.done $0x0  }
0x109: {  	[sflag:s17] =	ssyncadd.s32 $0xFFFFD000  }
0x10a: {  	[spmem:s14] =	stream.indirect.scatter.add.f32 [tilespmem:s15], [sflag:$0x8], $0x80, s18, s5, $0xb8;
	[tilespmem:$0x1FF60] =	vst v63  }
0x10b: {  	_ =	swait.ge [sflag:s20], $0x3000  }
0x10c: {  	s25 =	simm.s32 $0x0;
	[sflag:s20] =	ssyncset.done $0x0  }
0x10d: {  	s26 =	simm.s32 $0x9240;
	s11 =	rddreg [dreg:$0x1f];
	[sflag:s20] =	ssyncadd.s32 $0xFFFFD000  }
0x10e: {  	[tilespmem:s26], [sflag:$0xB] =	stream.linear.gather [hbm4b:s11+s25], $0x10, $0x38;
	[tilespmem:$0x1FF60] =	vst v63  }
0x10f: {  	_ =	swait.ge [sflag:s22], $0x10  }
0x110: {  	s23 =	sld [smem:$0x7FD]  }
0x111: {  	[sflag:s22] =	ssyncset.done $0x0  }
0x112: {  	s11 =	simm.s32 $0x9250;
	[sflag:s22] =	ssyncadd.s32 $0xFFFFFFF0  }
0x113: {  	[tilespmem:s11], [sflag:$0xB] =	stream.linear.gather [hbm4b:s23+s25], $0x10, $0x38;
	[tilespmem:$0x1FF60] =	vst v63  }
0x114: {  	_ =	swait.ge [sflag:s22], $0x10  }
0x115: {  	[sflag:s22] =	ssyncset.done $0x0  }
0x116: {  	s23 =	simm.s32 $0x10;
	[sflag:s22] =	ssyncadd.s32 $0xFFFFFFF0  }
0x117: {  	[tilespmem:s24], [sflag:$0x4] =	stream.indirect.gather [hbm4b:s10+s23], $0x80, s26, s23, $0xb8;
	[tilespmem:$0x1FF60] =	vst v63  }
0x118: {  	_ =	swait.ge [sflag:s31], $0x800  }
0x119: {  	[sflag:s31] =	ssyncset.done $0x0  }
0x11a: {  	[sflag:s31] =	ssyncadd.s32 $0xFFFFF800  }
0x11b: {  	v3 =	vld [tilespmem:$0x9250];
	_ =	sdelay $0x7  }
0x11c: {  	[tilespmem:v3+s16+$0x0] =	vst.idx.add.f32.msk $0xffff, v2  }
0x11d: {  	[spmem:s14] =	stream.indirect.scatter.add.f32 [tilespmem:s24], [sflag:$0xB], $0x80, s11, s23, $0xb8;
	[tilespmem:$0x1FF60] =	vst v63  }
0x11e: {  	_ =	swait.ge [sflag:s22], $0x800  }
0x11f: {  	[sflag:s22] =	ssyncset.done $0x0  }
0x120: {  	[sflag:s22] =	ssyncadd.s32 $0xFFFFF800  }
0x121: {  	s26 =	simm.s32 $0xBA60;
	s11 =	simm.s32 $0x280;
	s23 =	rddreg [dreg:$0x4]  }
0x122: {  	[spmem:s23] =	stream.indirect.scatter.add.f32 [tilespmem:s16], [sflag:$0xB], $0x10, s26, s11, $0xb8;
	[tilespmem:$0x1FF60] =	vst v63  }
0x123: {  	_ =	swait.ge [sflag:s22], $0x2800  }
0x124: {  	[sflag:s22] =	ssyncset.done $0x0  }
0x125: {  	[sflag:s22] =	ssyncadd.s32 $0xFFFFD800  }
0x126: {  	[bflag:$0x0] =	sbarrier.arrive $0xFFFF  }
0x127: {  	s26 =	rddreg [dreg:$0x11]  }
0x128: {  	[tilespmem:s24], [sflag:$0xB] =	stream.linear.gather [spmem:s26], $0x2000, $0x38;
	[tilespmem:$0x1FF60] =	vst v63  }
0x129: {  	_ =	swait.ge [sflag:s22], $0x2000  }
0x12a: {  	[sflag:s22] =	ssyncset.done $0x0  }
0x12b: {  	s11 =	rddreg [dreg:$0x7];
	[sflag:s22] =	ssyncadd.s32 $0xFFFFE000  }
0x12c: {  	[hbm4b:s11+s25] =	stream.linear.scatter [tilespmem:s24], [sflag:$0x4], $0x2000, $0x38;
	[tilespmem:$0x1FF60] =	vst v63  }
0x12d: {  	s26 =	rddreg [dreg:$0x12]  }
0x12e: {  	[tilespmem:s15], [sflag:$0xB] =	stream.linear.gather [spmem:s26], $0x2000, $0x38;
	[tilespmem:$0x1FF60] =	vst v63  }
0x12f: {  	_ =	swait.ge [sflag:s22], $0x2000  }
0x130: {  	[sflag:s22] =	ssyncset.done $0x0  }
0x131: {  	s11 =	rddreg [dreg:$0x8];
	[sflag:s22] =	ssyncadd.s32 $0xFFFFE000  }
0x132: {  	[hbm4b:s11+s25] =	stream.linear.scatter [tilespmem:s15], [sflag:$0x5], $0x2000, $0x38;
	[tilespmem:$0x1FF60] =	vst v63  }
0x133: {  	s26 =	rddreg [dreg:$0x13]  }
0x134: {  	[tilespmem:s13], [sflag:$0xB] =	stream.linear.gather [spmem:s26], $0x2000, $0x38;
	[tilespmem:$0x1FF60] =	vst v63  }
0x135: {  	_ =	swait.ge [sflag:s22], $0x2000  }
0x136: {  	[sflag:s22] =	ssyncset.done $0x0  }
0x137: {  	s11 =	rddreg [dreg:$0x9];
	[sflag:s22] =	ssyncadd.s32 $0xFFFFE000  }
0x138: {  	[hbm4b:s11+s25] =	stream.linear.scatter [tilespmem:s13], [sflag:$0x6], $0x2000, $0x38;
	[tilespmem:$0x1FF60] =	vst v63  }
0x139: {  	_ =	swait.ge [sflag:s31], $0x2000  }
0x13a: {  	[sflag:s31] =	ssyncset.done $0x0  }
0x13b: {  	s26 =	rddreg [dreg:$0x14];
	[sflag:s31] =	ssyncadd.s32 $0xFFFFE000  }
0x13c: {  	[tilespmem:s24], [sflag:$0xB] =	stream.linear.gather [spmem:s26], $0x2000, $0x38;
	[tilespmem:$0x1FF60] =	vst v63  }
0x13d: {  	_ =	swait.ge [sflag:s22], $0x2000  }
0x13e: {  	[sflag:s22] =	ssyncset.done $0x0  }
0x13f: {  	s11 =	rddreg [dreg:$0xa];
	[sflag:s22] =	ssyncadd.s32 $0xFFFFE000  }
0x140: {  	[hbm4b:s11+s25] =	stream.linear.scatter [tilespmem:s24], [sflag:$0x4], $0x2000, $0x38;
	[tilespmem:$0x1FF60] =	vst v63  }
0x141: {  	_ =	swait.ge [sflag:s29], $0x2000  }
0x142: {  	[sflag:s29] =	ssyncset.done $0x0  }
0x143: {  	s26 =	rddreg [dreg:$0x15];
	[sflag:s29] =	ssyncadd.s32 $0xFFFFE000  }
0x144: {  	[tilespmem:s15], [sflag:$0xB] =	stream.linear.gather [spmem:s26], $0x2000, $0x38;
	[tilespmem:$0x1FF60] =	vst v63  }
0x145: {  	_ =	swait.ge [sflag:s22], $0x2000  }
0x146: {  	[sflag:s22] =	ssyncset.done $0x0  }
0x147: {  	s11 =	rddreg [dreg:$0xb];
	[sflag:s22] =	ssyncadd.s32 $0xFFFFE000  }
0x148: {  	[hbm4b:s11+s25] =	stream.linear.scatter [tilespmem:s15], [sflag:$0x5], $0x2000, $0x38;
	[tilespmem:$0x1FF60] =	vst v63  }
0x149: {  	_ =	swait.ge [sflag:s19], $0x2000  }
0x14a: {  	[sflag:s19] =	ssyncset.done $0x0  }
0x14b: {  	s26 =	rddreg [dreg:$0x16];
	[sflag:s19] =	ssyncadd.s32 $0xFFFFE000  }
0x14c: {  	[tilespmem:s13], [sflag:$0xB] =	stream.linear.gather [spmem:s26], $0x2000, $0x38;
	[tilespmem:$0x1FF60] =	vst v63  }
0x14d: {  	_ =	swait.ge [sflag:s22], $0x2000  }
0x14e: {  	[sflag:s22] =	ssyncset.done $0x0  }
0x14f: {  	s11 =	rddreg [dreg:$0xc];
	[sflag:s22] =	ssyncadd.s32 $0xFFFFE000  }
0x150: {  	[hbm4b:s11+s25] =	stream.linear.scatter [tilespmem:s13], [sflag:$0x6], $0x2000, $0x38;
	[tilespmem:$0x1FF60] =	vst v63  }
0x151: {  	_ =	swait.ge [sflag:s31], $0x2000  }
0x152: {  	[sflag:s31] =	ssyncset.done $0x0  }
0x153: {  	s26 =	rddreg [dreg:$0x17];
	[sflag:s31] =	ssyncadd.s32 $0xFFFFE000  }
0x154: {  	[tilespmem:s24], [sflag:$0xB] =	stream.linear.gather [spmem:s26], $0x2000, $0x38;
	[tilespmem:$0x1FF60] =	vst v63  }
0x155: {  	_ =	swait.ge [sflag:s22], $0x2000  }
0x156: {  	[sflag:s22] =	ssyncset.done $0x0  }
0x157: {  	s11 =	rddreg [dreg:$0xd];
	[sflag:s22] =	ssyncadd.s32 $0xFFFFE000  }
0x158: {  	[hbm4b:s11+s25] =	stream.linear.scatter [tilespmem:s24], [sflag:$0x4], $0x2000, $0x38;
	[tilespmem:$0x1FF60] =	vst v63  }
0x159: {  	_ =	swait.ge [sflag:s29], $0x2000  }
0x15a: {  	[sflag:s29] =	ssyncset.done $0x0  }
0x15b: {  	s26 =	rddreg [dreg:$0x18];
	[sflag:s29] =	ssyncadd.s32 $0xFFFFE000  }
0x15c: {  	[tilespmem:s15], [sflag:$0xB] =	stream.linear.gather [spmem:s26], $0x2000, $0x38;
	[tilespmem:$0x1FF60] =	vst v63  }
0x15d: {  	_ =	swait.ge [sflag:s22], $0x2000  }
0x15e: {  	[sflag:s22] =	ssyncset.done $0x0  }
0x15f: {  	s11 =	rddreg [dreg:$0xe];
	[sflag:s22] =	ssyncadd.s32 $0xFFFFE000  }
0x160: {  	[hbm4b:s11+s25] =	stream.linear.scatter [tilespmem:s15], [sflag:$0x5], $0x2000, $0x38;
	[tilespmem:$0x1FF60] =	vst v63  }
0x161: {  	_ =	swait.ge [sflag:s19], $0x2000  }
0x162: {  	[sflag:s19] =	ssyncset.done $0x0  }
0x163: {  	s26 =	rddreg [dreg:$0x19];
	[sflag:s19] =	ssyncadd.s32 $0xFFFFE000  }
0x164: {  	[tilespmem:s13], [sflag:$0xB] =	stream.linear.gather [spmem:s26], $0x2000, $0x38;
	[tilespmem:$0x1FF60] =	vst v63  }
0x165: {  	_ =	swait.ge [sflag:s22], $0x2000  }
0x166: {  	[sflag:s22] =	ssyncset.done $0x0  }
0x167: {  	s11 =	rddreg [dreg:$0xf];
	[sflag:s22] =	ssyncadd.s32 $0xFFFFE000  }
0x168: {  	[hbm4b:s11+s25] =	stream.linear.scatter [tilespmem:s13], [sflag:$0x6], $0x2000, $0x38;
	[tilespmem:$0x1FF60] =	vst v63  }
0x169: {  	_ =	swait.ge [sflag:s31], $0x2000  }
0x16a: {  	[sflag:s31] =	ssyncset.done $0x0  }
0x16b: {  	s26 =	rddreg [dreg:$0x1a];
	[sflag:s31] =	ssyncadd.s32 $0xFFFFE000  }
0x16c: {  	[tilespmem:s24], [sflag:$0xB] =	stream.linear.gather [spmem:s26], $0x2000, $0x38;
	[tilespmem:$0x1FF60] =	vst v63  }
0x16d: {  	_ =	swait.ge [sflag:s22], $0x2000  }
0x16e: {  	[sflag:s22] =	ssyncset.done $0x0  }
0x16f: {  	s11 =	rddreg [dreg:$0x10];
	[sflag:s22] =	ssyncadd.s32 $0xFFFFE000  }
0x170: {  	[hbm4b:s11+s25] =	stream.linear.scatter [tilespmem:s24], [sflag:$0x4], $0x2000, $0x38;
	[tilespmem:$0x1FF60] =	vst v63  }
0x171: {  	_ =	swait.ge [sflag:s29], $0x2000  }
0x172: {  	[sflag:s29] =	ssyncset.done $0x0  }
0x173: {  	[sflag:s29] =	ssyncadd.s32 $0xFFFFE000  }
0x174: {  	_ =	swait.ge [sflag:s19], $0x2000  }
0x175: {  	[sflag:s19] =	ssyncset.done $0x0  }
0x176: {  	[sflag:s19] =	ssyncadd.s32 $0xFFFFE000  }
0x177: {  	_ =	swait.ge [sflag:s31], $0x2000  }
0x178: {  	[sflag:s31] =	ssyncset.done $0x0  }
0x179: {  	s26 =	sadd.s32 $0x0, s28;
	s25 =	simm.s32 $0x40;
	[sflag:s31] =	ssyncadd.s32 $0xFFFFE000  }
0x17a: {  	[tilespmem:s24], [sflag:$0xB] =	stream.linear.gather [spmem:s26], $0x10, $0x38;
	[tilespmem:$0x1FF60] =	vst v63  }
.LBB2_12:
0x17b: {  	p0 =	sne.s32 s25, $0x9C0  }
.Ltmp5:
0x17c: {  	_ = 	snop;
	(pc) =	sbr.rel @p0 .LBB2_12-.Ltmp5, $4  }
0x17d: {  	_ = 	snop  }
0x17e: {  	s23 =	sshra.s32 s25, $0x2;
	s25 =	sadd.s32 $0x40, s25  }
0x17f: {  	s24 =	sadd.s32 $0x80, s24;
	s23 =	sadd.s32 s23, s28  }
0x180: {  	[tilespmem:s24], [sflag:$0xB] =	stream.linear.gather [spmem:s23], $0x10, $0x38;
	[tilespmem:$0x1FF60] =	vst v63  }
0x181: {  	_ =	swait.ge [sflag:s22], $0x280  }
0x182: {  	s24 =	simm.s32 $0x240;
	s25 =	simm.s32 $0x2;
	[sflag:s22] =	ssyncset.done $0x0  }
0x183: {  	s23 =	sadd.s32 $0x0, s30;
	s26 =	simm.s32 $0x2C0;
	[sflag:s22] =	ssyncadd.s32 $0xFFFFFD80  }
.LBB2_14:
0x184: {  	[hbm4b:s23+s1] =	stream.linear.scatter [tilespmem:s24], [sflag:$0xB], $0x10, $0x38;
	[tilespmem:$0x1FF60] =	vst v63  }
0x185: {  	s23 =	smov.u32 s25;
	s24 =	smov.u32 s26;
	p0 =	sne.s32 s25, $0x4E  }
.Ltmp6:
0x186: {  	s25 =	sadd.s32 $0x2, s25;
	(pc) =	sbr.rel @p0 .LBB2_14-.Ltmp6, $2  }
0x187: {  	_ =	sdelay $0x2  }
0x188: {  	s26 =	sadd.s32 $0x80, s26;
	s23 =	sadd.s32 s23, s30  }
0x189: {  	[hbm4b:s23+s1] =	stream.linear.scatter [tilespmem:s24], [sflag:$0xB], $0x10, $0x38;
	[tilespmem:$0x1FF60] =	vst v63  }
0x18a: {  	_ =	swait.ge [sflag:s22], $0x280  }
0x18b: {  	s25 =	sld [smem:$0x7FC];
	_ =	sdelay $0x2  }
0x18c: {  	s26 =	rddreg [dreg:$0x1c];
	s24 =	sadd.s32 $0x1, s25  }
0x18d: {  	p0 =	sne.s32 s24, s26  }
.Ltmp7:
0x18e: {  	_ = 	snop;
	(pc) =	sbr.rel @p0 .LBB2_1-.Ltmp7, $4  }
0x18f: {  	[sflag:s22] =	ssyncset.done $0x0  }
0x190: {  	[sflag:s22] =	ssyncadd.s32 $0xFFFFFD80  }
0x191: {  	s11 =	rddreg [dreg:$0x1]  }
0x192: {  	s26 =	rddreg [dreg:$0x11]  }
0x193: {  	_ =	sfence.sel $0x180000  }
0x194: {  	[bflag:$0x0] =	sbarrier.arrive $0xFFFF  }
0x195: {  	_ =	strace $0x90000047  }
0x196: {  	s0 =	stileid.u32;
	[bflag:$0x2] =	sbarrier.arrive $0xFFFF  }
0x197: {  	p0 =	sne.s32 s0, $0x0;
	s0 =	rddreg [dreg:$0x5]  }
0x198: {  	s0 =	sadd.s32 @!p0 $0x100000, s0  }
0x199: {  	[sflag:s0] =	ssyncadd.tile.s32 @!p0 $0x1;
	_ =	shalt  }
.Lfunc_end2:
_tile_overlayer_lowered:
.L_overlay_start_2:
0x19a: {  	(tag) =	ssettag $0x2  }
0x19b: {  	s0 =	rddreg [dreg:$0x0];
	s2 =	stileid.u32  }
0x19c: {  	s1 =	rddreg [dreg:$0x1];
	p0 =	sne.s32 s2, $0x0  }
0x19d: {  	s3 =	rddreg [dreg:$0x2];
	[bflag:$0x3] =	sbarrier.arrive $0xFFFF;
	s2 =	simm.s32 @!p0 $0x1C0B  }
0x19e: {  	[timem:s3], [sflag:s2] =	dma.local @!p0 [hbm:s0], s1  }
0x19f: {  	s0 =	simm.s32 @!p0 $0xB  }
0x1a0: {  	_ =	swait.ge @!p0 [sflag:s0], s1  }
0x1a1: {  	s1 =	ssub.s32 @!p0 $0x0, s1;
	[sflag:s0] =	ssyncset.done @!p0 $0x0  }
0x1a2: {  	[sflag:s0] =	ssyncadd.s32 @!p0 s1  }
0x1a3: {  	[bflag:$0x3] =	sbarrier.arrive $0xFFFF  }
0x1a4: {  	_ =	shalt  }

</sc_bundles>
